<compile_context>
chip_gen: v7x
topology: tpu7x:2x2x1
jax: 0.10.2.dev20260603
libtpu: 0.0.44.dev20260713+nightly
codegen_flags: <defaults>
</compile_context>

<pallas_src>
import functools

import jax
import jax.numpy as jnp
from jax import lax
from jax.experimental import pallas as pl
from jax.experimental.pallas import tpu as pltpu
from jax.experimental.pallas import tpu_sc as plsc

VOCAB = 1000
BATCH = 1024
SEQ = 50
N = BATCH * SEQ * VOCAB
NC = 2
NS = 16
NW = NC * NS
EPW = N // NW
ZCH = 64000
NFILL = EPW // ZCH
SLABS_PER_SC = SEQ // NC
SLAB = VOCAB * BATCH

_mesh = plsc.VectorSubcoreMesh(core_axis_name="c", subcore_axis_name="s")


@functools.partial(
    pl.kernel,
    mesh=_mesh,
    out_type=jax.ShapeDtypeStruct((N,), jnp.float32),
    compiler_params=pltpu.CompilerParams(
        needs_layout_passes=False, use_tc_tiling_on_sc=False
    ),
    scratch_types=[
        pltpu.VMEM((ZCH,), jnp.float32),
        pltpu.VMEM((BATCH,), jnp.int32),
        pltpu.VMEM((BATCH,), jnp.float32),
        pltpu.VMEM((8, 128), jnp.int32),
        pltpu.VMEM((8, 128), jnp.float32),
        pltpu.SemaphoreType.DMA,
        pltpu.SemaphoreType.DMA,
    ],
)
def _onehot_sc(idxT_hbm, mskT_hbm, zeros_hbm, out_hbm,
               zbuf, sidx, smsk, abuf, vbuf, fsem, ssem):
    cid = lax.axis_index("c")
    sid = lax.axis_index("s")
    wid = cid * NS + sid
    base = wid * EPW

    pltpu.sync_copy(zeros_hbm, zbuf)

    def fstart(i, carry):
        pltpu.make_async_copy(
            zbuf, out_hbm.at[pl.ds(base + i * ZCH, ZCH)], fsem
        ).start()
        return carry

    lax.fori_loop(0, NFILL, fstart, 0)

    def fwait(i, carry):
        pltpu.make_async_copy(
            zbuf, out_hbm.at[pl.ds(base + i * ZCH, ZCH)], fsem
        ).wait()
        return carry

    lax.fori_loop(0, NFILL, fwait, 0)

    plsc.subcore_barrier()

    lane = lax.iota(jnp.int32, 16)

    def do_slab(sub, carry):
        @pl.when(sub * NS // SLABS_PER_SC == sid)
        def _():
            tg = cid * SLABS_PER_SC + sub
            pltpu.sync_copy(idxT_hbm.at[pl.ds(tg * BATCH, BATCH)], sidx)
            pltpu.sync_copy(mskT_hbm.at[pl.ds(tg * BATCH, BATCH)], smsk)
            tbase = tg * SLAB
            for k in range(BATCH // 16):
                iv = sidx[pl.ds(k * 16, 16)]
                mv = smsk[pl.ds(k * 16, 16)]
                va = ((iv >> 3) << 13) + ((iv & 7) << 7)
                addr = va + (tbase + (k // 8) * 1024 + (k % 8) * 16) + lane
                row = jnp.full((16,), k // 8, jnp.int32)
                col = (k % 8) * 16 + lane
                plsc.store_scatter(abuf, [row, col], addr)
                plsc.store_scatter(vbuf, [row, col], mv)
            for j in range(8):
                pltpu.make_async_copy(
                    vbuf.at[j], out_hbm.at[abuf.at[j]], ssem
                ).start()
            for j in range(8):
                pltpu.make_async_copy(
                    vbuf.at[j], out_hbm.at[abuf.at[j]], ssem
                ).wait()
        return carry

    lax.fori_loop(0, SLABS_PER_SC, do_slab, 0)


def kernel(array, mask):
    idxT = array.astype(jnp.int32).T.reshape(SEQ * BATCH)
    mskT = mask.astype(jnp.float32).T.reshape(SEQ * BATCH)
    zeros = jnp.zeros((ZCH,), jnp.float32)
    out = _onehot_sc(idxT, mskT, zeros)
    out5 = out.reshape(SEQ, VOCAB // 8, 8, 8, 128)
    return out5.transpose(2, 4, 0, 1, 3).reshape(BATCH, SEQ, VOCAB)

# --- scband reference (transcript-rebuilt; emitter-appended) ---
"""Pipeline reference for scband-one-hot-encoder-73409581023585 (READ-ONLY COPY).

The authoritative reference and input builder live on the scoring server;
editing this copy changes nothing except your own understanding.
"""

import jax, jax.numpy as jnp
import numpy as np

VOCAB_SIZE = 1000

def setup_inputs(seed: int = 0) -> dict:
    key = jax.random.key(seed)
    k1, k2 = jax.random.split(key)
    array = jax.random.randint(k1, (1024, 50), 0, VOCAB_SIZE, dtype=jnp.int64 if jax.config.jax_enable_x64 else jnp.int32)
    mask = jnp.ones((1024, 50), dtype=jnp.float32)
    return {"array": array, "mask": mask}

def reference(array, mask):
    # encoded_array = zeros(array.shape + (vocab,)); scatter_(-1, array.unsqueeze(-1), 1)
    # This is exactly a one-hot encoding along the last axis.
    shape1 = array.shape + (VOCAB_SIZE,)
    encoded_array = jnp.zeros(shape1, dtype=jnp.float32).at[..., :].set(0.0)
    encoded_array = encoded_array.at[
        jnp.arange(array.shape[0])[:, None],
        jnp.arange(array.shape[1])[None, :],
        array,
    ].set(1.0)
    one_hot_array = encoded_array * mask[..., None]
    return one_hot_array

if __name__ == "__main__":
    import jax
    _d = setup_inputs()
    print(jax.jit(kernel)(*tuple(_d.values())))

</pallas_src>

<mosaic_0001>
#map = affine_map<(d0, d1) -> (0)>
module attributes {stable_mosaic.version = 14 : i64} {
  func.func @_onehot_sc(%arg0: i32, %arg1: i32, %arg2: memref<51200xi32, #tpu.memory_space<hbm>>, %arg3: memref<51200xf32, #tpu.memory_space<hbm>>, %arg4: memref<64000xf32, #tpu.memory_space<hbm>>, %arg5: memref<51200000xf32, #tpu.memory_space<hbm>>, %arg6: memref<64000xf32, #tpu.memory_space<vmem>>, %arg7: memref<1024xi32, #tpu.memory_space<vmem>>, %arg8: memref<1024xf32, #tpu.memory_space<vmem>>, %arg9: memref<8x128xi32, #tpu.memory_space<vmem>>, %arg10: memref<8x128xf32, #tpu.memory_space<vmem>>, %arg11: memref<!tpu.dma_semaphore, #tpu.memory_space<semaphore_mem>>, %arg12: memref<!tpu.dma_semaphore, #tpu.memory_space<semaphore_mem>>) attributes {dimension_semantics = [#tpu.dimension_semantics<core_parallel>, #tpu.dimension_semantics<subcore_parallel>], iteration_bounds = array<i64: 2, 16>, scalar_prefetch = 0 : i64, scratch_operands = 7 : i64, tpu.core_type = #tpu.core_type<sc_vector_subcore>, window_params = [{transform_indices = #map}, {transform_indices = #map}, {transform_indices = #map}, {transform_indices = #map}]} {
    %mul3A = arith.constant 16 : i32
    %mul3A_0 = arith.muli %arg0, %mul3A : i32
    %add3A = arith.addi %mul3A_0, %arg1 : i32
    %mul3A_1 = arith.constant 1600000 : i32
    %mul3A_2 = arith.muli %add3A, %mul3A_1 : i32
    "tpu.region"() ({
      %run_scoped3A = tpu.sem_alloc : memref<!tpu.dma_semaphore, #tpu.memory_space<semaphore_mem>>
      tpu.enqueue_dma source(%arg4 : memref<64000xf32, #tpu.memory_space<hbm>>) target(%arg6 : memref<64000xf32, #tpu.memory_space<vmem>>) target_semaphore(%run_scoped3A : memref<!tpu.dma_semaphore, #tpu.memory_space<semaphore_mem>>)
      tpu.wait_dma2 semaphore(%run_scoped3A : memref<!tpu.dma_semaphore, #tpu.memory_space<semaphore_mem>>) src(%arg4 : memref<64000xf32, #tpu.memory_space<hbm>>) dst(%arg6 : memref<64000xf32, #tpu.memory_space<vmem>>)
      tpu.yield
    }) : () -> ()
    %scan3A = arith.constant 0 : i32
    %scan3A_3 = arith.constant 0 : i32
    %scan3A_4 = arith.constant 25 : i32
    %scan3A_5 = arith.addi %scan3A_3, %scan3A_4 : i32
    %scan3A_6 = arith.constant 1 : i32
    scf.for %scan3A_20 = %scan3A_3 to %scan3A_5 step %scan3A_6  : i32 {
      %mul3A_21 = arith.constant 64000 : i32
      %mul3A_22 = arith.muli %scan3A_20, %mul3A_21 : i32
      %add3A_23 = arith.addi %mul3A_2, %mul3A_22 : i32
      %dma_start3A = tpu.memref_slice %arg5[%add3A_23] : memref<51200000xf32, #tpu.memory_space<hbm>> -> memref<64000xf32, #tpu.memory_space<hbm>>
      %dma_start3A_24 = tpu.memref_slice %arg5[%add3A_23] : memref<51200000xf32, #tpu.memory_space<hbm>> -> memref<64000xf32, #tpu.memory_space<hbm>>
      tpu.enqueue_dma source(%arg6 : memref<64000xf32, #tpu.memory_space<vmem>>) target(%dma_start3A_24 : memref<64000xf32, #tpu.memory_space<hbm>>) target_semaphore(%arg11 : memref<!tpu.dma_semaphore, #tpu.memory_space<semaphore_mem>>)
    }
    %scan3A_7 = arith.constant 25 : i32
    %scan3A_8 = arith.constant 0 : i32
    %scan3A_9 = arith.constant 0 : i32
    %scan3A_10 = arith.constant 25 : i32
    %scan3A_11 = arith.addi %scan3A_9, %scan3A_10 : i32
    %scan3A_12 = arith.constant 1 : i32
    scf.for %scan3A_20 = %scan3A_9 to %scan3A_11 step %scan3A_12  : i32 {
      %mul3A_21 = arith.constant 64000 : i32
      %mul3A_22 = arith.muli %scan3A_20, %mul3A_21 : i32
      %add3A_23 = arith.addi %mul3A_2, %mul3A_22 : i32
      %dma_wait3A = tpu.memref_slice %arg5[%add3A_23] : memref<51200000xf32, #tpu.memory_space<hbm>> -> memref<64000xf32, #tpu.memory_space<hbm>>
      %dma_wait3A_24 = tpu.memref_slice %arg5[%add3A_23] : memref<51200000xf32, #tpu.memory_space<hbm>> -> memref<64000xf32, #tpu.memory_space<hbm>>
      tpu.wait_dma2 semaphore(%arg11 : memref<!tpu.dma_semaphore, #tpu.memory_space<semaphore_mem>>) src(%arg6 : memref<64000xf32, #tpu.memory_space<vmem>>) dst(%dma_wait3A_24 : memref<64000xf32, #tpu.memory_space<hbm>>)
    }
    %scan3A_13 = arith.constant 25 : i32
    %barrier3A = arith.constant 0 : index
    tpu.barrier barrier_id(%barrier3A)
    %iota3A = tpu.iota {dimensions = array<i32: 0>} : vector<16xi32>
    %scan3A_14 = arith.constant 0 : i32
    %scan3A_15 = arith.constant 0 : i32
    %scan3A_16 = arith.constant 25 : i32
    %scan3A_17 = arith.addi %scan3A_15, %scan3A_16 : i32
    %scan3A_18 = arith.constant 1 : i32
    scf.for %scan3A_20 = %scan3A_15 to %scan3A_17 step %scan3A_18  : i32 {
      %mul3A_21 = arith.constant 16 : i32
      %mul3A_22 = arith.muli %scan3A_20, %mul3A_21 : i32
      %jit3A = arith.constant 25 : i32
      %div3A = arith.divsi %mul3A_22, %jit3A : i32
      %sign3A = arith.constant 0 : i32
      %sign3A_23 = arith.cmpi sgt, %mul3A_22, %sign3A : i32
      %sign3A_24 = arith.extui %sign3A_23 : i1 to i32
      %sign3A_25 = arith.constant 0 : i32
      %sign3A_26 = arith.cmpi slt, %mul3A_22, %sign3A_25 : i32
      %sign3A_27 = arith.extui %sign3A_26 : i1 to i32
      %sign3A_28 = arith.subi %sign3A_24, %sign3A_27 : i32
      %sign3A_29 = arith.constant 0 : i32
      %sign3A_30 = arith.cmpi sgt, %jit3A, %sign3A_29 : i32
      %sign3A_31 = arith.extui %sign3A_30 : i1 to i32
      %sign3A_32 = arith.constant 0 : i32
      %sign3A_33 = arith.cmpi slt, %jit3A, %sign3A_32 : i32
      %sign3A_34 = arith.extui %sign3A_33 : i1 to i32
      %sign3A_35 = arith.subi %sign3A_31, %sign3A_34 : i32
      %ne3A = arith.cmpi ne, %sign3A_28, %sign3A_35 : i32
      %rem3A = arith.remsi %mul3A_22, %jit3A : i32
      %ne3A_36 = arith.constant 0 : i32
      %ne3A_37 = arith.cmpi ne, %rem3A, %ne3A_36 : i32
      %and3A = arith.andi %ne3A, %ne3A_37 : i1
      %sub3A = arith.constant 1 : i32
      %sub3A_38 = arith.subi %div3A, %sub3A : i32
      %select_n3A = arith.select %and3A, %sub3A_38, %div3A : i32
      %eq3A = arith.cmpi eq, %select_n3A, %arg1 : i32
      %convert_element_type3A = arith.extui %eq3A : i1 to i32
      %cond3A = arith.constant 0 : i32
      %cond3A_39 = arith.cmpi ne, %convert_element_type3A, %cond3A : i32
      scf.if %cond3A_39 {
        %mul3A_40 = arith.constant 25 : i32
        %mul3A_41 = arith.muli %arg0, %mul3A_40 : i32
        %add3A_42 = arith.addi %mul3A_41, %scan3A_20 : i32
        %mul3A_43 = arith.constant 1024 : i32
        %mul3A_44 = arith.muli %add3A_42, %mul3A_43 : i32
        "tpu.region"() ({
          %run_scoped3A = tpu.sem_alloc : memref<!tpu.dma_semaphore, #tpu.memory_space<semaphore_mem>>
          %dma_start3A_2059 = tpu.memref_slice %arg2[%mul3A_44] : memref<51200xi32, #tpu.memory_space<hbm>> -> memref<1024xi32, #tpu.memory_space<hbm>>
          %dma_start3A_2060 = tpu.memref_slice %arg2[%mul3A_44] : memref<51200xi32, #tpu.memory_space<hbm>> -> memref<1024xi32, #tpu.memory_space<hbm>>
          tpu.enqueue_dma source(%dma_start3A_2060 : memref<1024xi32, #tpu.memory_space<hbm>>) target(%arg7 : memref<1024xi32, #tpu.memory_space<vmem>>) target_semaphore(%run_scoped3A : memref<!tpu.dma_semaphore, #tpu.memory_space<semaphore_mem>>)
          %dma_wait3A_2061 = tpu.memref_slice %arg2[%mul3A_44] : memref<51200xi32, #tpu.memory_space<hbm>> -> memref<1024xi32, #tpu.memory_space<hbm>>
          %dma_wait3A_2062 = tpu.memref_slice %arg2[%mul3A_44] : memref<51200xi32, #tpu.memory_space<hbm>> -> memref<1024xi32, #tpu.memory_space<hbm>>
          tpu.wait_dma2 semaphore(%run_scoped3A : memref<!tpu.dma_semaphore, #tpu.memory_space<semaphore_mem>>) src(%dma_wait3A_2062 : memref<1024xi32, #tpu.memory_space<hbm>>) dst(%arg7 : memref<1024xi32, #tpu.memory_space<vmem>>)
          tpu.yield
        }) : () -> ()
        %mul3A_45 = arith.constant 1024 : i32
        %mul3A_46 = arith.muli %add3A_42, %mul3A_45 : i32
        "tpu.region"() ({
          %run_scoped3A = tpu.sem_alloc : memref<!tpu.dma_semaphore, #tpu.memory_space<semaphore_mem>>
          %dma_start3A_2059 = tpu.memref_slice %arg3[%mul3A_46] : memref<51200xf32, #tpu.memory_space<hbm>> -> memref<1024xf32, #tpu.memory_space<hbm>>
          %dma_start3A_2060 = tpu.memref_slice %arg3[%mul3A_46] : memref<51200xf32, #tpu.memory_space<hbm>> -> memref<1024xf32, #tpu.memory_space<hbm>>
          tpu.enqueue_dma source(%dma_start3A_2060 : memref<1024xf32, #tpu.memory_space<hbm>>) target(%arg8 : memref<1024xf32, #tpu.memory_space<vmem>>) target_semaphore(%run_scoped3A : memref<!tpu.dma_semaphore, #tpu.memory_space<semaphore_mem>>)
          %dma_wait3A_2061 = tpu.memref_slice %arg3[%mul3A_46] : memref<51200xf32, #tpu.memory_space<hbm>> -> memref<1024xf32, #tpu.memory_space<hbm>>
          %dma_wait3A_2062 = tpu.memref_slice %arg3[%mul3A_46] : memref<51200xf32, #tpu.memory_space<hbm>> -> memref<1024xf32, #tpu.memory_space<hbm>>
          tpu.wait_dma2 semaphore(%run_scoped3A : memref<!tpu.dma_semaphore, #tpu.memory_space<semaphore_mem>>) src(%dma_wait3A_2062 : memref<1024xf32, #tpu.memory_space<hbm>>) dst(%arg8 : memref<1024xf32, #tpu.memory_space<vmem>>)
          tpu.yield
        }) : () -> ()
        %mul3A_47 = arith.constant 1024000 : i32
        %mul3A_48 = arith.muli %add3A_42, %mul3A_47 : i32
        %get3A = arith.constant 0 : index
        %get3A_49 = tpu.vector_load %arg7[%get3A] {strides = array<i32>} : memref<1024xi32, #tpu.memory_space<vmem>>, vector<16xi32>,
        %get3A_50 = arith.constant 0 : index
        %get3A_51 = tpu.vector_load %arg8[%get3A_50] {strides = array<i32>} : memref<1024xf32, #tpu.memory_space<vmem>>, vector<16xf32>,
        %shift_right_arithmetic3A = arith.constant 3 : i32
        %shift_right_arithmetic3A_52 = vector.broadcast %shift_right_arithmetic3A : i32 to vector<16xi32>
        %shift_right_arithmetic3A_53 = arith.shrsi %get3A_49, %shift_right_arithmetic3A_52 : vector<16xi32>
        %shift_left3A = arith.constant 13 : i32
        %shift_left3A_54 = vector.broadcast %shift_left3A : i32 to vector<16xi32>
        %shift_left3A_55 = arith.shli %shift_right_arithmetic3A_53, %shift_left3A_54 : vector<16xi32>
        %and3A_56 = arith.constant 7 : i32
        %and3A_57 = vector.broadcast %and3A_56 : i32 to vector<16xi32>
        %and3A_58 = arith.andi %get3A_49, %and3A_57 : vector<16xi32>
        %shift_left3A_59 = arith.constant 7 : i32
        %shift_left3A_60 = vector.broadcast %shift_left3A_59 : i32 to vector<16xi32>
        %shift_left3A_61 = arith.shli %and3A_58, %shift_left3A_60 : vector<16xi32>
        %add3A_62 = arith.addi %shift_left3A_55, %shift_left3A_61 : vector<16xi32>
        %add3A_63 = arith.constant 0 : i32
        %add3A_64 = arith.addi %mul3A_48, %add3A_63 : i32
        %add3A_65 = arith.constant 0 : i32
        %add3A_66 = arith.addi %add3A_64, %add3A_65 : i32
        %add3A_67 = vector.broadcast %add3A_66 : i32 to vector<16xi32>
        %add3A_68 = arith.addi %add3A_62, %add3A_67 : vector<16xi32>
        %add3A_69 = arith.addi %add3A_68, %iota3A : vector<16xi32>
        %broadcast_in_dim3A = arith.constant 0 : i32
        %broadcast_in_dim3A_70 = vector.broadcast %broadcast_in_dim3A : i32 to vector<16xi32>
        %add3A_71 = arith.constant 0 : i32
        %add3A_72 = vector.broadcast %add3A_71 : i32 to vector<16xi32>
        %add3A_73 = arith.addi %add3A_72, %iota3A : vector<16xi32>
        tpu.vector_store_idx %arg9[%broadcast_in_dim3A_70, %add3A_73], %add3A_69 : memref<8x128xi32, #tpu.memory_space<vmem>>[vector<16xi32>, vector<16xi32>], vector<16xi32>,
        tpu.vector_store_idx %arg10[%broadcast_in_dim3A_70, %add3A_73], %get3A_51 : memref<8x128xf32, #tpu.memory_space<vmem>>[vector<16xi32>, vector<16xi32>], vector<16xf32>,
        %get3A_74 = arith.constant 16 : index
        %get3A_75 = tpu.vector_load %arg7[%get3A_74] {strides = array<i32>} : memref<1024xi32, #tpu.memory_space<vmem>>, vector<16xi32>,
        %get3A_76 = arith.constant 16 : index
        %get3A_77 = tpu.vector_load %arg8[%get3A_76] {strides = array<i32>} : memref<1024xf32, #tpu.memory_space<vmem>>, vector<16xf32>,
        %shift_right_arithmetic3A_78 = arith.constant 3 : i32
        %shift_right_arithmetic3A_79 = vector.broadcast %shift_right_arithmetic3A_78 : i32 to vector<16xi32>
        %shift_right_arithmetic3A_80 = arith.shrsi %get3A_75, %shift_right_arithmetic3A_79 : vector<16xi32>
        %shift_left3A_81 = arith.constant 13 : i32
        %shift_left3A_82 = vector.broadcast %shift_left3A_81 : i32 to vector<16xi32>
        %shift_left3A_83 = arith.shli %shift_right_arithmetic3A_80, %shift_left3A_82 : vector<16xi32>
        %and3A_84 = arith.constant 7 : i32
        %and3A_85 = vector.broadcast %and3A_84 : i32 to vector<16xi32>
        %and3A_86 = arith.andi %get3A_75, %and3A_85 : vector<16xi32>
        %shift_left3A_87 = arith.constant 7 : i32
        %shift_left3A_88 = vector.broadcast %shift_left3A_87 : i32 to vector<16xi32>
        %shift_left3A_89 = arith.shli %and3A_86, %shift_left3A_88 : vector<16xi32>
        %add3A_90 = arith.addi %shift_left3A_83, %shift_left3A_89 : vector<16xi32>
        %add3A_91 = arith.constant 0 : i32
        %add3A_92 = arith.addi %mul3A_48, %add3A_91 : i32
        %add3A_93 = arith.constant 16 : i32
        %add3A_94 = arith.addi %add3A_92, %add3A_93 : i32
        %add3A_95 = vector.broadcast %add3A_94 : i32 to vector<16xi32>
        %add3A_96 = arith.addi %add3A_90, %add3A_95 : vector<16xi32>
        %add3A_97 = arith.addi %add3A_96, %iota3A : vector<16xi32>
        %broadcast_in_dim3A_98 = arith.constant 0 : i32
        %broadcast_in_dim3A_99 = vector.broadcast %broadcast_in_dim3A_98 : i32 to vector<16xi32>
        %add3A_100 = arith.constant 16 : i32
        %add3A_101 = vector.broadcast %add3A_100 : i32 to vector<16xi32>
        %add3A_102 = arith.addi %add3A_101, %iota3A : vector<16xi32>
        tpu.vector_store_idx %arg9[%broadcast_in_dim3A_99, %add3A_102], %add3A_97 : memref<8x128xi32, #tpu.memory_space<vmem>>[vector<16xi32>, vector<16xi32>], vector<16xi32>,
        tpu.vector_store_idx %arg10[%broadcast_in_dim3A_99, %add3A_102], %get3A_77 : memref<8x128xf32, #tpu.memory_space<vmem>>[vector<16xi32>, vector<16xi32>], vector<16xf32>,
        %get3A_103 = arith.constant 32 : index
        %get3A_104 = tpu.vector_load %arg7[%get3A_103] {strides = array<i32>} : memref<1024xi32, #tpu.memory_space<vmem>>, vector<16xi32>,
        %get3A_105 = arith.constant 32 : index
        %get3A_106 = tpu.vector_load %arg8[%get3A_105] {strides = array<i32>} : memref<1024xf32, #tpu.memory_space<vmem>>, vector<16xf32>,
        %shift_right_arithmetic3A_107 = arith.constant 3 : i32
        %shift_right_arithmetic3A_108 = vector.broadcast %shift_right_arithmetic3A_107 : i32 to vector<16xi32>
        %shift_right_arithmetic3A_109 = arith.shrsi %get3A_104, %shift_right_arithmetic3A_108 : vector<16xi32>
        %shift_left3A_110 = arith.constant 13 : i32
        %shift_left3A_111 = vector.broadcast %shift_left3A_110 : i32 to vector<16xi32>
        %shift_left3A_112 = arith.shli %shift_right_arithmetic3A_109, %shift_left3A_111 : vector<16xi32>
        %and3A_113 = arith.constant 7 : i32
        %and3A_114 = vector.broadcast %and3A_113 : i32 to vector<16xi32>
        %and3A_115 = arith.andi %get3A_104, %and3A_114 : vector<16xi32>
        %shift_left3A_116 = arith.constant 7 : i32
        %shift_left3A_117 = vector.broadcast %shift_left3A_116 : i32 to vector<16xi32>
        %shift_left3A_118 = arith.shli %and3A_115, %shift_left3A_117 : vector<16xi32>
        %add3A_119 = arith.addi %shift_left3A_112, %shift_left3A_118 : vector<16xi32>
        %add3A_120 = arith.constant 0 : i32
        %add3A_121 = arith.addi %mul3A_48, %add3A_120 : i32
        %add3A_122 = arith.constant 32 : i32
        %add3A_123 = arith.addi %add3A_121, %add3A_122 : i32
        %add3A_124 = vector.broadcast %add3A_123 : i32 to vector<16xi32>
        %add3A_125 = arith.addi %add3A_119, %add3A_124 : vector<16xi32>
        %add3A_126 = arith.addi %add3A_125, %iota3A : vector<16xi32>
        %broadcast_in_dim3A_127 = arith.constant 0 : i32
        %broadcast_in_dim3A_128 = vector.broadcast %broadcast_in_dim3A_127 : i32 to vector<16xi32>
        %add3A_129 = arith.constant 32 : i32
        %add3A_130 = vector.broadcast %add3A_129 : i32 to vector<16xi32>
        %add3A_131 = arith.addi %add3A_130, %iota3A : vector<16xi32>
        tpu.vector_store_idx %arg9[%broadcast_in_dim3A_128, %add3A_131], %add3A_126 : memref<8x128xi32, #tpu.memory_space<vmem>>[vector<16xi32>, vector<16xi32>], vector<16xi32>,
        tpu.vector_store_idx %arg10[%broadcast_in_dim3A_128, %add3A_131], %get3A_106 : memref<8x128xf32, #tpu.memory_space<vmem>>[vector<16xi32>, vector<16xi32>], vector<16xf32>,
        %get3A_132 = arith.constant 48 : index
        %get3A_133 = tpu.vector_load %arg7[%get3A_132] {strides = array<i32>} : memref<1024xi32, #tpu.memory_space<vmem>>, vector<16xi32>,
        %get3A_134 = arith.constant 48 : index
        %get3A_135 = tpu.vector_load %arg8[%get3A_134] {strides = array<i32>} : memref<1024xf32, #tpu.memory_space<vmem>>, vector<16xf32>,
        %shift_right_arithmetic3A_136 = arith.constant 3 : i32
        %shift_right_arithmetic3A_137 = vector.broadcast %shift_right_arithmetic3A_136 : i32 to vector<16xi32>
        %shift_right_arithmetic3A_138 = arith.shrsi %get3A_133, %shift_right_arithmetic3A_137 : vector<16xi32>
        %shift_left3A_139 = arith.constant 13 : i32
        %shift_left3A_140 = vector.broadcast %shift_left3A_139 : i32 to vector<16xi32>
        %shift_left3A_141 = arith.shli %shift_right_arithmetic3A_138, %shift_left3A_140 : vector<16xi32>
        %and3A_142 = arith.constant 7 : i32
        %and3A_143 = vector.broadcast %and3A_142 : i32 to vector<16xi32>
        %and3A_144 = arith.andi %get3A_133, %and3A_143 : vector<16xi32>
        %shift_left3A_145 = arith.constant 7 : i32
        %shift_left3A_146 = vector.broadcast %shift_left3A_145 : i32 to vector<16xi32>
        %shift_left3A_147 = arith.shli %and3A_144, %shift_left3A_146 : vector<16xi32>
        %add3A_148 = arith.addi %shift_left3A_141, %shift_left3A_147 : vector<16xi32>
        %add3A_149 = arith.constant 0 : i32
        %add3A_150 = arith.addi %mul3A_48, %add3A_149 : i32
        %add3A_151 = arith.constant 48 : i32
        %add3A_152 = arith.addi %add3A_150, %add3A_151 : i32
        %add3A_153 = vector.broadcast %add3A_152 : i32 to vector<16xi32>
        %add3A_154 = arith.addi %add3A_148, %add3A_153 : vector<16xi32>
        %add3A_155 = arith.addi %add3A_154, %iota3A : vector<16xi32>
        %broadcast_in_dim3A_156 = arith.constant 0 : i32
        %broadcast_in_dim3A_157 = vector.broadcast %broadcast_in_dim3A_156 : i32 to vector<16xi32>
        %add3A_158 = arith.constant 48 : i32
        %add3A_159 = vector.broadcast %add3A_158 : i32 to vector<16xi32>
        %add3A_160 = arith.addi %add3A_159, %iota3A : vector<16xi32>
        tpu.vector_store_idx %arg9[%broadcast_in_dim3A_157, %add3A_160], %add3A_155 : memref<8x128xi32, #tpu.memory_space<vmem>>[vector<16xi32>, vector<16xi32>], vector<16xi32>,
        tpu.vector_store_idx %arg10[%broadcast_in_dim3A_157, %add3A_160], %get3A_135 : memref<8x128xf32, #tpu.memory_space<vmem>>[vector<16xi32>, vector<16xi32>], vector<16xf32>,
        %get3A_161 = arith.constant 64 : index
        %get3A_162 = tpu.vector_load %arg7[%get3A_161] {strides = array<i32>} : memref<1024xi32, #tpu.memory_space<vmem>>, vector<16xi32>,
        %get3A_163 = arith.constant 64 : index
        %get3A_164 = tpu.vector_load %arg8[%get3A_163] {strides = array<i32>} : memref<1024xf32, #tpu.memory_space<vmem>>, vector<16xf32>,
        %shift_right_arithmetic3A_165 = arith.constant 3 : i32
        %shift_right_arithmetic3A_166 = vector.broadcast %shift_right_arithmetic3A_165 : i32 to vector<16xi32>
        %shift_right_arithmetic3A_167 = arith.shrsi %get3A_162, %shift_right_arithmetic3A_166 : vector<16xi32>
        %shift_left3A_168 = arith.constant 13 : i32
        %shift_left3A_169 = vector.broadcast %shift_left3A_168 : i32 to vector<16xi32>
        %shift_left3A_170 = arith.shli %shift_right_arithmetic3A_167, %shift_left3A_169 : vector<16xi32>
        %and3A_171 = arith.constant 7 : i32
        %and3A_172 = vector.broadcast %and3A_171 : i32 to vector<16xi32>
        %and3A_173 = arith.andi %get3A_162, %and3A_172 : vector<16xi32>
        %shift_left3A_174 = arith.constant 7 : i32
        %shift_left3A_175 = vector.broadcast %shift_left3A_174 : i32 to vector<16xi32>
        %shift_left3A_176 = arith.shli %and3A_173, %shift_left3A_175 : vector<16xi32>
        %add3A_177 = arith.addi %shift_left3A_170, %shift_left3A_176 : vector<16xi32>
        %add3A_178 = arith.constant 0 : i32
        %add3A_179 = arith.addi %mul3A_48, %add3A_178 : i32
        %add3A_180 = arith.constant 64 : i32
        %add3A_181 = arith.addi %add3A_179, %add3A_180 : i32
        %add3A_182 = vector.broadcast %add3A_181 : i32 to vector<16xi32>
        %add3A_183 = arith.addi %add3A_177, %add3A_182 : vector<16xi32>
        %add3A_184 = arith.addi %add3A_183, %iota3A : vector<16xi32>
        %broadcast_in_dim3A_185 = arith.constant 0 : i32
        %broadcast_in_dim3A_186 = vector.broadcast %broadcast_in_dim3A_185 : i32 to vector<16xi32>
        %add3A_187 = arith.constant 64 : i32
        %add3A_188 = vector.broadcast %add3A_187 : i32 to vector<16xi32>
        %add3A_189 = arith.addi %add3A_188, %iota3A : vector<16xi32>
        tpu.vector_store_idx %arg9[%broadcast_in_dim3A_186, %add3A_189], %add3A_184 : memref<8x128xi32, #tpu.memory_space<vmem>>[vector<16xi32>, vector<16xi32>], vector<16xi32>,
        tpu.vector_store_idx %arg10[%broadcast_in_dim3A_186, %add3A_189], %get3A_164 : memref<8x128xf32, #tpu.memory_space<vmem>>[vector<16xi32>, vector<16xi32>], vector<16xf32>,
        %get3A_190 = arith.constant 80 : index
        %get3A_191 = tpu.vector_load %arg7[%get3A_190] {strides = array<i32>} : memref<1024xi32, #tpu.memory_space<vmem>>, vector<16xi32>,
        %get3A_192 = arith.constant 80 : index
        %get3A_193 = tpu.vector_load %arg8[%get3A_192] {strides = array<i32>} : memref<1024xf32, #tpu.memory_space<vmem>>, vector<16xf32>,
        %shift_right_arithmetic3A_194 = arith.constant 3 : i32
        %shift_right_arithmetic3A_195 = vector.broadcast %shift_right_arithmetic3A_194 : i32 to vector<16xi32>
        %shift_right_arithmetic3A_196 = arith.shrsi %get3A_191, %shift_right_arithmetic3A_195 : vector<16xi32>
        %shift_left3A_197 = arith.constant 13 : i32
        %shift_left3A_198 = vector.broadcast %shift_left3A_197 : i32 to vector<16xi32>
        %shift_left3A_199 = arith.shli %shift_right_arithmetic3A_196, %shift_left3A_198 : vector<16xi32>
        %and3A_200 = arith.constant 7 : i32
        %and3A_201 = vector.broadcast %and3A_200 : i32 to vector<16xi32>
        %and3A_202 = arith.andi %get3A_191, %and3A_201 : vector<16xi32>
        %shift_left3A_203 = arith.constant 7 : i32
        %shift_left3A_204 = vector.broadcast %shift_left3A_203 : i32 to vector<16xi32>
        %shift_left3A_205 = arith.shli %and3A_202, %shift_left3A_204 : vector<16xi32>
        %add3A_206 = arith.addi %shift_left3A_199, %shift_left3A_205 : vector<16xi32>
        %add3A_207 = arith.constant 0 : i32
        %add3A_208 = arith.addi %mul3A_48, %add3A_207 : i32
        %add3A_209 = arith.constant 80 : i32
        %add3A_210 = arith.addi %add3A_208, %add3A_209 : i32
        %add3A_211 = vector.broadcast %add3A_210 : i32 to vector<16xi32>
        %add3A_212 = arith.addi %add3A_206, %add3A_211 : vector<16xi32>
        %add3A_213 = arith.addi %add3A_212, %iota3A : vector<16xi32>
        %broadcast_in_dim3A_214 = arith.constant 0 : i32
        %broadcast_in_dim3A_215 = vector.broadcast %broadcast_in_dim3A_214 : i32 to vector<16xi32>
        %add3A_216 = arith.constant 80 : i32
        %add3A_217 = vector.broadcast %add3A_216 : i32 to vector<16xi32>
        %add3A_218 = arith.addi %add3A_217, %iota3A : vector<16xi32>
        tpu.vector_store_idx %arg9[%broadcast_in_dim3A_215, %add3A_218], %add3A_213 : memref<8x128xi32, #tpu.memory_space<vmem>>[vector<16xi32>, vector<16xi32>], vector<16xi32>,
        tpu.vector_store_idx %arg10[%broadcast_in_dim3A_215, %add3A_218], %get3A_193 : memref<8x128xf32, #tpu.memory_space<vmem>>[vector<16xi32>, vector<16xi32>], vector<16xf32>,
        %get3A_219 = arith.constant 96 : index
        %get3A_220 = tpu.vector_load %arg7[%get3A_219] {strides = array<i32>} : memref<1024xi32, #tpu.memory_space<vmem>>, vector<16xi32>,
        %get3A_221 = arith.constant 96 : index
        %get3A_222 = tpu.vector_load %arg8[%get3A_221] {strides = array<i32>} : memref<1024xf32, #tpu.memory_space<vmem>>, vector<16xf32>,
        %shift_right_arithmetic3A_223 = arith.constant 3 : i32
        %shift_right_arithmetic3A_224 = vector.broadcast %shift_right_arithmetic3A_223 : i32 to vector<16xi32>
        %shift_right_arithmetic3A_225 = arith.shrsi %get3A_220, %shift_right_arithmetic3A_224 : vector<16xi32>
        %shift_left3A_226 = arith.constant 13 : i32
        %shift_left3A_227 = vector.broadcast %shift_left3A_226 : i32 to vector<16xi32>
        %shift_left3A_228 = arith.shli %shift_right_arithmetic3A_225, %shift_left3A_227 : vector<16xi32>
        %and3A_229 = arith.constant 7 : i32
        %and3A_230 = vector.broadcast %and3A_229 : i32 to vector<16xi32>
        %and3A_231 = arith.andi %get3A_220, %and3A_230 : vector<16xi32>
        %shift_left3A_232 = arith.constant 7 : i32
        %shift_left3A_233 = vector.broadcast %shift_left3A_232 : i32 to vector<16xi32>
        %shift_left3A_234 = arith.shli %and3A_231, %shift_left3A_233 : vector<16xi32>
        %add3A_235 = arith.addi %shift_left3A_228, %shift_left3A_234 : vector<16xi32>
        %add3A_236 = arith.constant 0 : i32
        %add3A_237 = arith.addi %mul3A_48, %add3A_236 : i32
        %add3A_238 = arith.constant 96 : i32
        %add3A_239 = arith.addi %add3A_237, %add3A_238 : i32
        %add3A_240 = vector.broadcast %add3A_239 : i32 to vector<16xi32>
        %add3A_241 = arith.addi %add3A_235, %add3A_240 : vector<16xi32>
        %add3A_242 = arith.addi %add3A_241, %iota3A : vector<16xi32>
        %broadcast_in_dim3A_243 = arith.constant 0 : i32
        %broadcast_in_dim3A_244 = vector.broadcast %broadcast_in_dim3A_243 : i32 to vector<16xi32>
        %add3A_245 = arith.constant 96 : i32
        %add3A_246 = vector.broadcast %add3A_245 : i32 to vector<16xi32>
        %add3A_247 = arith.addi %add3A_246, %iota3A : vector<16xi32>
        tpu.vector_store_idx %arg9[%broadcast_in_dim3A_244, %add3A_247], %add3A_242 : memref<8x128xi32, #tpu.memory_space<vmem>>[vector<16xi32>, vector<16xi32>], vector<16xi32>,
        tpu.vector_store_idx %arg10[%broadcast_in_dim3A_244, %add3A_247], %get3A_222 : memref<8x128xf32, #tpu.memory_space<vmem>>[vector<16xi32>, vector<16xi32>], vector<16xf32>,
        %get3A_248 = arith.constant 112 : index
        %get3A_249 = tpu.vector_load %arg7[%get3A_248] {strides = array<i32>} : memref<1024xi32, #tpu.memory_space<vmem>>, vector<16xi32>,
        %get3A_250 = arith.constant 112 : index
        %get3A_251 = tpu.vector_load %arg8[%get3A_250] {strides = array<i32>} : memref<1024xf32, #tpu.memory_space<vmem>>, vector<16xf32>,
        %shift_right_arithmetic3A_252 = arith.constant 3 : i32
        %shift_right_arithmetic3A_253 = vector.broadcast %shift_right_arithmetic3A_252 : i32 to vector<16xi32>
        %shift_right_arithmetic3A_254 = arith.shrsi %get3A_249, %shift_right_arithmetic3A_253 : vector<16xi32>
        %shift_left3A_255 = arith.constant 13 : i32
        %shift_left3A_256 = vector.broadcast %shift_left3A_255 : i32 to vector<16xi32>
        %shift_left3A_257 = arith.shli %shift_right_arithmetic3A_254, %shift_left3A_256 : vector<16xi32>
        %and3A_258 = arith.constant 7 : i32
        %and3A_259 = vector.broadcast %and3A_258 : i32 to vector<16xi32>
        %and3A_260 = arith.andi %get3A_249, %and3A_259 : vector<16xi32>
        %shift_left3A_261 = arith.constant 7 : i32
        %shift_left3A_262 = vector.broadcast %shift_left3A_261 : i32 to vector<16xi32>
        %shift_left3A_263 = arith.shli %and3A_260, %shift_left3A_262 : vector<16xi32>
        %add3A_264 = arith.addi %shift_left3A_257, %shift_left3A_263 : vector<16xi32>
        %add3A_265 = arith.constant 0 : i32
        %add3A_266 = arith.addi %mul3A_48, %add3A_265 : i32
        %add3A_267 = arith.constant 112 : i32
        %add3A_268 = arith.addi %add3A_266, %add3A_267 : i32
        %add3A_269 = vector.broadcast %add3A_268 : i32 to vector<16xi32>
        %add3A_270 = arith.addi %add3A_264, %add3A_269 : vector<16xi32>
        %add3A_271 = arith.addi %add3A_270, %iota3A : vector<16xi32>
        %broadcast_in_dim3A_272 = arith.constant 0 : i32
        %broadcast_in_dim3A_273 = vector.broadcast %broadcast_in_dim3A_272 : i32 to vector<16xi32>
        %add3A_274 = arith.constant 112 : i32
        %add3A_275 = vector.broadcast %add3A_274 : i32 to vector<16xi32>
        %add3A_276 = arith.addi %add3A_275, %iota3A : vector<16xi32>
        tpu.vector_store_idx %arg9[%broadcast_in_dim3A_273, %add3A_276], %add3A_271 : memref<8x128xi32, #tpu.memory_space<vmem>>[vector<16xi32>, vector<16xi32>], vector<16xi32>,
        tpu.vector_store_idx %arg10[%broadcast_in_dim3A_273, %add3A_276], %get3A_251 : memref<8x128xf32, #tpu.memory_space<vmem>>[vector<16xi32>, vector<16xi32>], vector<16xf32>,
        %get3A_277 = arith.constant 128 : index
        %get3A_278 = tpu.vector_load %arg7[%get3A_277] {strides = array<i32>} : memref<1024xi32, #tpu.memory_space<vmem>>, vector<16xi32>,
        %get3A_279 = arith.constant 128 : index
        %get3A_280 = tpu.vector_load %arg8[%get3A_279] {strides = array<i32>} : memref<1024xf32, #tpu.memory_space<vmem>>, vector<16xf32>,
        %shift_right_arithmetic3A_281 = arith.constant 3 : i32
        %shift_right_arithmetic3A_282 = vector.broadcast %shift_right_arithmetic3A_281 : i32 to vector<16xi32>
        %shift_right_arithmetic3A_283 = arith.shrsi %get3A_278, %shift_right_arithmetic3A_282 : vector<16xi32>
        %shift_left3A_284 = arith.constant 13 : i32
        %shift_left3A_285 = vector.broadcast %shift_left3A_284 : i32 to vector<16xi32>
        %shift_left3A_286 = arith.shli %shift_right_arithmetic3A_283, %shift_left3A_285 : vector<16xi32>
        %and3A_287 = arith.constant 7 : i32
        %and3A_288 = vector.broadcast %and3A_287 : i32 to vector<16xi32>
        %and3A_289 = arith.andi %get3A_278, %and3A_288 : vector<16xi32>
        %shift_left3A_290 = arith.constant 7 : i32
        %shift_left3A_291 = vector.broadcast %shift_left3A_290 : i32 to vector<16xi32>
        %shift_left3A_292 = arith.shli %and3A_289, %shift_left3A_291 : vector<16xi32>
        %add3A_293 = arith.addi %shift_left3A_286, %shift_left3A_292 : vector<16xi32>
        %add3A_294 = arith.constant 1024 : i32
        %add3A_295 = arith.addi %mul3A_48, %add3A_294 : i32
        %add3A_296 = arith.constant 0 : i32
        %add3A_297 = arith.addi %add3A_295, %add3A_296 : i32
        %add3A_298 = vector.broadcast %add3A_297 : i32 to vector<16xi32>
        %add3A_299 = arith.addi %add3A_293, %add3A_298 : vector<16xi32>
        %add3A_300 = arith.addi %add3A_299, %iota3A : vector<16xi32>
        %broadcast_in_dim3A_301 = arith.constant 1 : i32
        %broadcast_in_dim3A_302 = vector.broadcast %broadcast_in_dim3A_301 : i32 to vector<16xi32>
        %add3A_303 = arith.constant 0 : i32
        %add3A_304 = vector.broadcast %add3A_303 : i32 to vector<16xi32>
        %add3A_305 = arith.addi %add3A_304, %iota3A : vector<16xi32>
        tpu.vector_store_idx %arg9[%broadcast_in_dim3A_302, %add3A_305], %add3A_300 : memref<8x128xi32, #tpu.memory_space<vmem>>[vector<16xi32>, vector<16xi32>], vector<16xi32>,
        tpu.vector_store_idx %arg10[%broadcast_in_dim3A_302, %add3A_305], %get3A_280 : memref<8x128xf32, #tpu.memory_space<vmem>>[vector<16xi32>, vector<16xi32>], vector<16xf32>,
        %get3A_306 = arith.constant 144 : index
        %get3A_307 = tpu.vector_load %arg7[%get3A_306] {strides = array<i32>} : memref<1024xi32, #tpu.memory_space<vmem>>, vector<16xi32>,
        %get3A_308 = arith.constant 144 : index
        %get3A_309 = tpu.vector_load %arg8[%get3A_308] {strides = array<i32>} : memref<1024xf32, #tpu.memory_space<vmem>>, vector<16xf32>,
        %shift_right_arithmetic3A_310 = arith.constant 3 : i32
        %shift_right_arithmetic3A_311 = vector.broadcast %shift_right_arithmetic3A_310 : i32 to vector<16xi32>
        %shift_right_arithmetic3A_312 = arith.shrsi %get3A_307, %shift_right_arithmetic3A_311 : vector<16xi32>
        %shift_left3A_313 = arith.constant 13 : i32
        %shift_left3A_314 = vector.broadcast %shift_left3A_313 : i32 to vector<16xi32>
        %shift_left3A_315 = arith.shli %shift_right_arithmetic3A_312, %shift_left3A_314 : vector<16xi32>
        %and3A_316 = arith.constant 7 : i32
        %and3A_317 = vector.broadcast %and3A_316 : i32 to vector<16xi32>
        %and3A_318 = arith.andi %get3A_307, %and3A_317 : vector<16xi32>
        %shift_left3A_319 = arith.constant 7 : i32
        %shift_left3A_320 = vector.broadcast %shift_left3A_319 : i32 to vector<16xi32>
        %shift_left3A_321 = arith.shli %and3A_318, %shift_left3A_320 : vector<16xi32>
        %add3A_322 = arith.addi %shift_left3A_315, %shift_left3A_321 : vector<16xi32>
        %add3A_323 = arith.constant 1024 : i32
        %add3A_324 = arith.addi %mul3A_48, %add3A_323 : i32
        %add3A_325 = arith.constant 16 : i32
        %add3A_326 = arith.addi %add3A_324, %add3A_325 : i32
        %add3A_327 = vector.broadcast %add3A_326 : i32 to vector<16xi32>
        %add3A_328 = arith.addi %add3A_322, %add3A_327 : vector<16xi32>
        %add3A_329 = arith.addi %add3A_328, %iota3A : vector<16xi32>
        %broadcast_in_dim3A_330 = arith.constant 1 : i32
        %broadcast_in_dim3A_331 = vector.broadcast %broadcast_in_dim3A_330 : i32 to vector<16xi32>
        %add3A_332 = arith.constant 16 : i32
        %add3A_333 = vector.broadcast %add3A_332 : i32 to vector<16xi32>
        %add3A_334 = arith.addi %add3A_333, %iota3A : vector<16xi32>
        tpu.vector_store_idx %arg9[%broadcast_in_dim3A_331, %add3A_334], %add3A_329 : memref<8x128xi32, #tpu.memory_space<vmem>>[vector<16xi32>, vector<16xi32>], vector<16xi32>,
        tpu.vector_store_idx %arg10[%broadcast_in_dim3A_331, %add3A_334], %get3A_309 : memref<8x128xf32, #tpu.memory_space<vmem>>[vector<16xi32>, vector<16xi32>], vector<16xf32>,
        %get3A_335 = arith.constant 160 : index
        %get3A_336 = tpu.vector_load %arg7[%get3A_335] {strides = array<i32>} : memref<1024xi32, #tpu.memory_space<vmem>>, vector<16xi32>,
        %get3A_337 = arith.constant 160 : index
        %get3A_338 = tpu.vector_load %arg8[%get3A_337] {strides = array<i32>} : memref<1024xf32, #tpu.memory_space<vmem>>, vector<16xf32>,
        %shift_right_arithmetic3A_339 = arith.constant 3 : i32
        %shift_right_arithmetic3A_340 = vector.broadcast %shift_right_arithmetic3A_339 : i32 to vector<16xi32>
        %shift_right_arithmetic3A_341 = arith.shrsi %get3A_336, %shift_right_arithmetic3A_340 : vector<16xi32>
        %shift_left3A_342 = arith.constant 13 : i32
        %shift_left3A_343 = vector.broadcast %shift_left3A_342 : i32 to vector<16xi32>
        %shift_left3A_344 = arith.shli %shift_right_arithmetic3A_341, %shift_left3A_343 : vector<16xi32>
        %and3A_345 = arith.constant 7 : i32
        %and3A_346 = vector.broadcast %and3A_345 : i32 to vector<16xi32>
        %and3A_347 = arith.andi %get3A_336, %and3A_346 : vector<16xi32>
        %shift_left3A_348 = arith.constant 7 : i32
        %shift_left3A_349 = vector.broadcast %shift_left3A_348 : i32 to vector<16xi32>
        %shift_left3A_350 = arith.shli %and3A_347, %shift_left3A_349 : vector<16xi32>
        %add3A_351 = arith.addi %shift_left3A_344, %shift_left3A_350 : vector<16xi32>
        %add3A_352 = arith.constant 1024 : i32
        %add3A_353 = arith.addi %mul3A_48, %add3A_352 : i32
        %add3A_354 = arith.constant 32 : i32
        %add3A_355 = arith.addi %add3A_353, %add3A_354 : i32
        %add3A_356 = vector.broadcast %add3A_355 : i32 to vector<16xi32>
        %add3A_357 = arith.addi %add3A_351, %add3A_356 : vector<16xi32>
        %add3A_358 = arith.addi %add3A_357, %iota3A : vector<16xi32>
        %broadcast_in_dim3A_359 = arith.constant 1 : i32
        %broadcast_in_dim3A_360 = vector.broadcast %broadcast_in_dim3A_359 : i32 to vector<16xi32>
        %add3A_361 = arith.constant 32 : i32
        %add3A_362 = vector.broadcast %add3A_361 : i32 to vector<16xi32>
        %add3A_363 = arith.addi %add3A_362, %iota3A : vector<16xi32>
        tpu.vector_store_idx %arg9[%broadcast_in_dim3A_360, %add3A_363], %add3A_358 : memref<8x128xi32, #tpu.memory_space<vmem>>[vector<16xi32>, vector<16xi32>], vector<16xi32>,
        tpu.vector_store_idx %arg10[%broadcast_in_dim3A_360, %add3A_363], %get3A_338 : memref<8x128xf32, #tpu.memory_space<vmem>>[vector<16xi32>, vector<16xi32>], vector<16xf32>,
        %get3A_364 = arith.constant 176 : index
        %get3A_365 = tpu.vector_load %arg7[%get3A_364] {strides = array<i32>} : memref<1024xi32, #tpu.memory_space<vmem>>, vector<16xi32>,
        %get3A_366 = arith.constant 176 : index
        %get3A_367 = tpu.vector_load %arg8[%get3A_366] {strides = array<i32>} : memref<1024xf32, #tpu.memory_space<vmem>>, vector<16xf32>,
        %shift_right_arithmetic3A_368 = arith.constant 3 : i32
        %shift_right_arithmetic3A_369 = vector.broadcast %shift_right_arithmetic3A_368 : i32 to vector<16xi32>
        %shift_right_arithmetic3A_370 = arith.shrsi %get3A_365, %shift_right_arithmetic3A_369 : vector<16xi32>
        %shift_left3A_371 = arith.constant 13 : i32
        %shift_left3A_372 = vector.broadcast %shift_left3A_371 : i32 to vector<16xi32>
        %shift_left3A_373 = arith.shli %shift_right_arithmetic3A_370, %shift_left3A_372 : vector<16xi32>
        %and3A_374 = arith.constant 7 : i32
        %and3A_375 = vector.broadcast %and3A_374 : i32 to vector<16xi32>
        %and3A_376 = arith.andi %get3A_365, %and3A_375 : vector<16xi32>
        %shift_left3A_377 = arith.constant 7 : i32
        %shift_left3A_378 = vector.broadcast %shift_left3A_377 : i32 to vector<16xi32>
        %shift_left3A_379 = arith.shli %and3A_376, %shift_left3A_378 : vector<16xi32>
        %add3A_380 = arith.addi %shift_left3A_373, %shift_left3A_379 : vector<16xi32>
        %add3A_381 = arith.constant 1024 : i32
        %add3A_382 = arith.addi %mul3A_48, %add3A_381 : i32
        %add3A_383 = arith.constant 48 : i32
        %add3A_384 = arith.addi %add3A_382, %add3A_383 : i32
        %add3A_385 = vector.broadcast %add3A_384 : i32 to vector<16xi32>
        %add3A_386 = arith.addi %add3A_380, %add3A_385 : vector<16xi32>
        %add3A_387 = arith.addi %add3A_386, %iota3A : vector<16xi32>
        %broadcast_in_dim3A_388 = arith.constant 1 : i32
        %broadcast_in_dim3A_389 = vector.broadcast %broadcast_in_dim3A_388 : i32 to vector<16xi32>
        %add3A_390 = arith.constant 48 : i32
        %add3A_391 = vector.broadcast %add3A_390 : i32 to vector<16xi32>
        %add3A_392 = arith.addi %add3A_391, %iota3A : vector<16xi32>
        tpu.vector_store_idx %arg9[%broadcast_in_dim3A_389, %add3A_392], %add3A_387 : memref<8x128xi32, #tpu.memory_space<vmem>>[vector<16xi32>, vector<16xi32>], vector<16xi32>,
        tpu.vector_store_idx %arg10[%broadcast_in_dim3A_389, %add3A_392], %get3A_367 : memref<8x128xf32, #tpu.memory_space<vmem>>[vector<16xi32>, vector<16xi32>], vector<16xf32>,
        %get3A_393 = arith.constant 192 : index
        %get3A_394 = tpu.vector_load %arg7[%get3A_393] {strides = array<i32>} : memref<1024xi32, #tpu.memory_space<vmem>>, vector<16xi32>,
        %get3A_395 = arith.constant 192 : index
        %get3A_396 = tpu.vector_load %arg8[%get3A_395] {strides = array<i32>} : memref<1024xf32, #tpu.memory_space<vmem>>, vector<16xf32>,
        %shift_right_arithmetic3A_397 = arith.constant 3 : i32
        %shift_right_arithmetic3A_398 = vector.broadcast %shift_right_arithmetic3A_397 : i32 to vector<16xi32>
        %shift_right_arithmetic3A_399 = arith.shrsi %get3A_394, %shift_right_arithmetic3A_398 : vector<16xi32>
        %shift_left3A_400 = arith.constant 13 : i32
        %shift_left3A_401 = vector.broadcast %shift_left3A_400 : i32 to vector<16xi32>
        %shift_left3A_402 = arith.shli %shift_right_arithmetic3A_399, %shift_left3A_401 : vector<16xi32>
        %and3A_403 = arith.constant 7 : i32
        %and3A_404 = vector.broadcast %and3A_403 : i32 to vector<16xi32>
        %and3A_405 = arith.andi %get3A_394, %and3A_404 : vector<16xi32>
        %shift_left3A_406 = arith.constant 7 : i32
        %shift_left3A_407 = vector.broadcast %shift_left3A_406 : i32 to vector<16xi32>
        %shift_left3A_408 = arith.shli %and3A_405, %shift_left3A_407 : vector<16xi32>
        %add3A_409 = arith.addi %shift_left3A_402, %shift_left3A_408 : vector<16xi32>
        %add3A_410 = arith.constant 1024 : i32
        %add3A_411 = arith.addi %mul3A_48, %add3A_410 : i32
        %add3A_412 = arith.constant 64 : i32
        %add3A_413 = arith.addi %add3A_411, %add3A_412 : i32
        %add3A_414 = vector.broadcast %add3A_413 : i32 to vector<16xi32>
        %add3A_415 = arith.addi %add3A_409, %add3A_414 : vector<16xi32>
        %add3A_416 = arith.addi %add3A_415, %iota3A : vector<16xi32>
        %broadcast_in_dim3A_417 = arith.constant 1 : i32
        %broadcast_in_dim3A_418 = vector.broadcast %broadcast_in_dim3A_417 : i32 to vector<16xi32>
        %add3A_419 = arith.constant 64 : i32
        %add3A_420 = vector.broadcast %add3A_419 : i32 to vector<16xi32>
        %add3A_421 = arith.addi %add3A_420, %iota3A : vector<16xi32>
        tpu.vector_store_idx %arg9[%broadcast_in_dim3A_418, %add3A_421], %add3A_416 : memref<8x128xi32, #tpu.memory_space<vmem>>[vector<16xi32>, vector<16xi32>], vector<16xi32>,
        tpu.vector_store_idx %arg10[%broadcast_in_dim3A_418, %add3A_421], %get3A_396 : memref<8x128xf32, #tpu.memory_space<vmem>>[vector<16xi32>, vector<16xi32>], vector<16xf32>,
        %get3A_422 = arith.constant 208 : index
        %get3A_423 = tpu.vector_load %arg7[%get3A_422] {strides = array<i32>} : memref<1024xi32, #tpu.memory_space<vmem>>, vector<16xi32>,
        %get3A_424 = arith.constant 208 : index
        %get3A_425 = tpu.vector_load %arg8[%get3A_424] {strides = array<i32>} : memref<1024xf32, #tpu.memory_space<vmem>>, vector<16xf32>,
        %shift_right_arithmetic3A_426 = arith.constant 3 : i32
        %shift_right_arithmetic3A_427 = vector.broadcast %shift_right_arithmetic3A_426 : i32 to vector<16xi32>
        %shift_right_arithmetic3A_428 = arith.shrsi %get3A_423, %shift_right_arithmetic3A_427 : vector<16xi32>
        %shift_left3A_429 = arith.constant 13 : i32
        %shift_left3A_430 = vector.broadcast %shift_left3A_429 : i32 to vector<16xi32>
        %shift_left3A_431 = arith.shli %shift_right_arithmetic3A_428, %shift_left3A_430 : vector<16xi32>
        %and3A_432 = arith.constant 7 : i32
        %and3A_433 = vector.broadcast %and3A_432 : i32 to vector<16xi32>
        %and3A_434 = arith.andi %get3A_423, %and3A_433 : vector<16xi32>
        %shift_left3A_435 = arith.constant 7 : i32
        %shift_left3A_436 = vector.broadcast %shift_left3A_435 : i32 to vector<16xi32>
        %shift_left3A_437 = arith.shli %and3A_434, %shift_left3A_436 : vector<16xi32>
        %add3A_438 = arith.addi %shift_left3A_431, %shift_left3A_437 : vector<16xi32>
        %add3A_439 = arith.constant 1024 : i32
        %add3A_440 = arith.addi %mul3A_48, %add3A_439 : i32
        %add3A_441 = arith.constant 80 : i32
        %add3A_442 = arith.addi %add3A_440, %add3A_441 : i32
        %add3A_443 = vector.broadcast %add3A_442 : i32 to vector<16xi32>
        %add3A_444 = arith.addi %add3A_438, %add3A_443 : vector<16xi32>
        %add3A_445 = arith.addi %add3A_444, %iota3A : vector<16xi32>
        %broadcast_in_dim3A_446 = arith.constant 1 : i32
        %broadcast_in_dim3A_447 = vector.broadcast %broadcast_in_dim3A_446 : i32 to vector<16xi32>
        %add3A_448 = arith.constant 80 : i32
        %add3A_449 = vector.broadcast %add3A_448 : i32 to vector<16xi32>
        %add3A_450 = arith.addi %add3A_449, %iota3A : vector<16xi32>
        tpu.vector_store_idx %arg9[%broadcast_in_dim3A_447, %add3A_450], %add3A_445 : memref<8x128xi32, #tpu.memory_space<vmem>>[vector<16xi32>, vector<16xi32>], vector<16xi32>,
        tpu.vector_store_idx %arg10[%broadcast_in_dim3A_447, %add3A_450], %get3A_425 : memref<8x128xf32, #tpu.memory_space<vmem>>[vector<16xi32>, vector<16xi32>], vector<16xf32>,
        %get3A_451 = arith.constant 224 : index
        %get3A_452 = tpu.vector_load %arg7[%get3A_451] {strides = array<i32>} : memref<1024xi32, #tpu.memory_space<vmem>>, vector<16xi32>,
        %get3A_453 = arith.constant 224 : index
        %get3A_454 = tpu.vector_load %arg8[%get3A_453] {strides = array<i32>} : memref<1024xf32, #tpu.memory_space<vmem>>, vector<16xf32>,
        %shift_right_arithmetic3A_455 = arith.constant 3 : i32
        %shift_right_arithmetic3A_456 = vector.broadcast %shift_right_arithmetic3A_455 : i32 to vector<16xi32>
        %shift_right_arithmetic3A_457 = arith.shrsi %get3A_452, %shift_right_arithmetic3A_456 : vector<16xi32>
        %shift_left3A_458 = arith.constant 13 : i32
        %shift_left3A_459 = vector.broadcast %shift_left3A_458 : i32 to vector<16xi32>
        %shift_left3A_460 = arith.shli %shift_right_arithmetic3A_457, %shift_left3A_459 : vector<16xi32>
        %and3A_461 = arith.constant 7 : i32
        %and3A_462 = vector.broadcast %and3A_461 : i32 to vector<16xi32>
        %and3A_463 = arith.andi %get3A_452, %and3A_462 : vector<16xi32>
        %shift_left3A_464 = arith.constant 7 : i32
        %shift_left3A_465 = vector.broadcast %shift_left3A_464 : i32 to vector<16xi32>
        %shift_left3A_466 = arith.shli %and3A_463, %shift_left3A_465 : vector<16xi32>
        %add3A_467 = arith.addi %shift_left3A_460, %shift_left3A_466 : vector<16xi32>
        %add3A_468 = arith.constant 1024 : i32
        %add3A_469 = arith.addi %mul3A_48, %add3A_468 : i32
        %add3A_470 = arith.constant 96 : i32
        %add3A_471 = arith.addi %add3A_469, %add3A_470 : i32
        %add3A_472 = vector.broadcast %add3A_471 : i32 to vector<16xi32>
        %add3A_473 = arith.addi %add3A_467, %add3A_472 : vector<16xi32>
        %add3A_474 = arith.addi %add3A_473, %iota3A : vector<16xi32>
        %broadcast_in_dim3A_475 = arith.constant 1 : i32
        %broadcast_in_dim3A_476 = vector.broadcast %broadcast_in_dim3A_475 : i32 to vector<16xi32>
        %add3A_477 = arith.constant 96 : i32
        %add3A_478 = vector.broadcast %add3A_477 : i32 to vector<16xi32>
        %add3A_479 = arith.addi %add3A_478, %iota3A : vector<16xi32>
        tpu.vector_store_idx %arg9[%broadcast_in_dim3A_476, %add3A_479], %add3A_474 : memref<8x128xi32, #tpu.memory_space<vmem>>[vector<16xi32>, vector<16xi32>], vector<16xi32>,
        tpu.vector_store_idx %arg10[%broadcast_in_dim3A_476, %add3A_479], %get3A_454 : memref<8x128xf32, #tpu.memory_space<vmem>>[vector<16xi32>, vector<16xi32>], vector<16xf32>,
        %get3A_480 = arith.constant 240 : index
        %get3A_481 = tpu.vector_load %arg7[%get3A_480] {strides = array<i32>} : memref<1024xi32, #tpu.memory_space<vmem>>, vector<16xi32>,
        %get3A_482 = arith.constant 240 : index
        %get3A_483 = tpu.vector_load %arg8[%get3A_482] {strides = array<i32>} : memref<1024xf32, #tpu.memory_space<vmem>>, vector<16xf32>,
        %shift_right_arithmetic3A_484 = arith.constant 3 : i32
        %shift_right_arithmetic3A_485 = vector.broadcast %shift_right_arithmetic3A_484 : i32 to vector<16xi32>
        %shift_right_arithmetic3A_486 = arith.shrsi %get3A_481, %shift_right_arithmetic3A_485 : vector<16xi32>
        %shift_left3A_487 = arith.constant 13 : i32
        %shift_left3A_488 = vector.broadcast %shift_left3A_487 : i32 to vector<16xi32>
        %shift_left3A_489 = arith.shli %shift_right_arithmetic3A_486, %shift_left3A_488 : vector<16xi32>
        %and3A_490 = arith.constant 7 : i32
        %and3A_491 = vector.broadcast %and3A_490 : i32 to vector<16xi32>
        %and3A_492 = arith.andi %get3A_481, %and3A_491 : vector<16xi32>
        %shift_left3A_493 = arith.constant 7 : i32
        %shift_left3A_494 = vector.broadcast %shift_left3A_493 : i32 to vector<16xi32>
        %shift_left3A_495 = arith.shli %and3A_492, %shift_left3A_494 : vector<16xi32>
        %add3A_496 = arith.addi %shift_left3A_489, %shift_left3A_495 : vector<16xi32>
        %add3A_497 = arith.constant 1024 : i32
        %add3A_498 = arith.addi %mul3A_48, %add3A_497 : i32
        %add3A_499 = arith.constant 112 : i32
        %add3A_500 = arith.addi %add3A_498, %add3A_499 : i32
        %add3A_501 = vector.broadcast %add3A_500 : i32 to vector<16xi32>
        %add3A_502 = arith.addi %add3A_496, %add3A_501 : vector<16xi32>
        %add3A_503 = arith.addi %add3A_502, %iota3A : vector<16xi32>
        %broadcast_in_dim3A_504 = arith.constant 1 : i32
        %broadcast_in_dim3A_505 = vector.broadcast %broadcast_in_dim3A_504 : i32 to vector<16xi32>
        %add3A_506 = arith.constant 112 : i32
        %add3A_507 = vector.broadcast %add3A_506 : i32 to vector<16xi32>
        %add3A_508 = arith.addi %add3A_507, %iota3A : vector<16xi32>
        tpu.vector_store_idx %arg9[%broadcast_in_dim3A_505, %add3A_508], %add3A_503 : memref<8x128xi32, #tpu.memory_space<vmem>>[vector<16xi32>, vector<16xi32>], vector<16xi32>,
        tpu.vector_store_idx %arg10[%broadcast_in_dim3A_505, %add3A_508], %get3A_483 : memref<8x128xf32, #tpu.memory_space<vmem>>[vector<16xi32>, vector<16xi32>], vector<16xf32>,
        %get3A_509 = arith.constant 256 : index
        %get3A_510 = tpu.vector_load %arg7[%get3A_509] {strides = array<i32>} : memref<1024xi32, #tpu.memory_space<vmem>>, vector<16xi32>,
        %get3A_511 = arith.constant 256 : index
        %get3A_512 = tpu.vector_load %arg8[%get3A_511] {strides = array<i32>} : memref<1024xf32, #tpu.memory_space<vmem>>, vector<16xf32>,
        %shift_right_arithmetic3A_513 = arith.constant 3 : i32
        %shift_right_arithmetic3A_514 = vector.broadcast %shift_right_arithmetic3A_513 : i32 to vector<16xi32>
        %shift_right_arithmetic3A_515 = arith.shrsi %get3A_510, %shift_right_arithmetic3A_514 : vector<16xi32>
        %shift_left3A_516 = arith.constant 13 : i32
        %shift_left3A_517 = vector.broadcast %shift_left3A_516 : i32 to vector<16xi32>
        %shift_left3A_518 = arith.shli %shift_right_arithmetic3A_515, %shift_left3A_517 : vector<16xi32>
        %and3A_519 = arith.constant 7 : i32
        %and3A_520 = vector.broadcast %and3A_519 : i32 to vector<16xi32>
        %and3A_521 = arith.andi %get3A_510, %and3A_520 : vector<16xi32>
        %shift_left3A_522 = arith.constant 7 : i32
        %shift_left3A_523 = vector.broadcast %shift_left3A_522 : i32 to vector<16xi32>
        %shift_left3A_524 = arith.shli %and3A_521, %shift_left3A_523 : vector<16xi32>
        %add3A_525 = arith.addi %shift_left3A_518, %shift_left3A_524 : vector<16xi32>
        %add3A_526 = arith.constant 2048 : i32
        %add3A_527 = arith.addi %mul3A_48, %add3A_526 : i32
        %add3A_528 = arith.constant 0 : i32
        %add3A_529 = arith.addi %add3A_527, %add3A_528 : i32
        %add3A_530 = vector.broadcast %add3A_529 : i32 to vector<16xi32>
        %add3A_531 = arith.addi %add3A_525, %add3A_530 : vector<16xi32>
        %add3A_532 = arith.addi %add3A_531, %iota3A : vector<16xi32>
        %broadcast_in_dim3A_533 = arith.constant 2 : i32
        %broadcast_in_dim3A_534 = vector.broadcast %broadcast_in_dim3A_533 : i32 to vector<16xi32>
        %add3A_535 = arith.constant 0 : i32
        %add3A_536 = vector.broadcast %add3A_535 : i32 to vector<16xi32>
        %add3A_537 = arith.addi %add3A_536, %iota3A : vector<16xi32>
        tpu.vector_store_idx %arg9[%broadcast_in_dim3A_534, %add3A_537], %add3A_532 : memref<8x128xi32, #tpu.memory_space<vmem>>[vector<16xi32>, vector<16xi32>], vector<16xi32>,
        tpu.vector_store_idx %arg10[%broadcast_in_dim3A_534, %add3A_537], %get3A_512 : memref<8x128xf32, #tpu.memory_space<vmem>>[vector<16xi32>, vector<16xi32>], vector<16xf32>,
        %get3A_538 = arith.constant 272 : index
        %get3A_539 = tpu.vector_load %arg7[%get3A_538] {strides = array<i32>} : memref<1024xi32, #tpu.memory_space<vmem>>, vector<16xi32>,
        %get3A_540 = arith.constant 272 : index
        %get3A_541 = tpu.vector_load %arg8[%get3A_540] {strides = array<i32>} : memref<1024xf32, #tpu.memory_space<vmem>>, vector<16xf32>,
        %shift_right_arithmetic3A_542 = arith.constant 3 : i32
        %shift_right_arithmetic3A_543 = vector.broadcast %shift_right_arithmetic3A_542 : i32 to vector<16xi32>
        %shift_right_arithmetic3A_544 = arith.shrsi %get3A_539, %shift_right_arithmetic3A_543 : vector<16xi32>
        %shift_left3A_545 = arith.constant 13 : i32
        %shift_left3A_546 = vector.broadcast %shift_left3A_545 : i32 to vector<16xi32>
        %shift_left3A_547 = arith.shli %shift_right_arithmetic3A_544, %shift_left3A_546 : vector<16xi32>
        %and3A_548 = arith.constant 7 : i32
        %and3A_549 = vector.broadcast %and3A_548 : i32 to vector<16xi32>
        %and3A_550 = arith.andi %get3A_539, %and3A_549 : vector<16xi32>
        %shift_left3A_551 = arith.constant 7 : i32
        %shift_left3A_552 = vector.broadcast %shift_left3A_551 : i32 to vector<16xi32>
        %shift_left3A_553 = arith.shli %and3A_550, %shift_left3A_552 : vector<16xi32>
        %add3A_554 = arith.addi %shift_left3A_547, %shift_left3A_553 : vector<16xi32>
        %add3A_555 = arith.constant 2048 : i32
        %add3A_556 = arith.addi %mul3A_48, %add3A_555 : i32
        %add3A_557 = arith.constant 16 : i32
        %add3A_558 = arith.addi %add3A_556, %add3A_557 : i32
        %add3A_559 = vector.broadcast %add3A_558 : i32 to vector<16xi32>
        %add3A_560 = arith.addi %add3A_554, %add3A_559 : vector<16xi32>
        %add3A_561 = arith.addi %add3A_560, %iota3A : vector<16xi32>
        %broadcast_in_dim3A_562 = arith.constant 2 : i32
        %broadcast_in_dim3A_563 = vector.broadcast %broadcast_in_dim3A_562 : i32 to vector<16xi32>
        %add3A_564 = arith.constant 16 : i32
        %add3A_565 = vector.broadcast %add3A_564 : i32 to vector<16xi32>
        %add3A_566 = arith.addi %add3A_565, %iota3A : vector<16xi32>
        tpu.vector_store_idx %arg9[%broadcast_in_dim3A_563, %add3A_566], %add3A_561 : memref<8x128xi32, #tpu.memory_space<vmem>>[vector<16xi32>, vector<16xi32>], vector<16xi32>,
        tpu.vector_store_idx %arg10[%broadcast_in_dim3A_563, %add3A_566], %get3A_541 : memref<8x128xf32, #tpu.memory_space<vmem>>[vector<16xi32>, vector<16xi32>], vector<16xf32>,
        %get3A_567 = arith.constant 288 : index
        %get3A_568 = tpu.vector_load %arg7[%get3A_567] {strides = array<i32>} : memref<1024xi32, #tpu.memory_space<vmem>>, vector<16xi32>,
        %get3A_569 = arith.constant 288 : index
        %get3A_570 = tpu.vector_load %arg8[%get3A_569] {strides = array<i32>} : memref<1024xf32, #tpu.memory_space<vmem>>, vector<16xf32>,
        %shift_right_arithmetic3A_571 = arith.constant 3 : i32
        %shift_right_arithmetic3A_572 = vector.broadcast %shift_right_arithmetic3A_571 : i32 to vector<16xi32>
        %shift_right_arithmetic3A_573 = arith.shrsi %get3A_568, %shift_right_arithmetic3A_572 : vector<16xi32>
        %shift_left3A_574 = arith.constant 13 : i32
        %shift_left3A_575 = vector.broadcast %shift_left3A_574 : i32 to vector<16xi32>
        %shift_left3A_576 = arith.shli %shift_right_arithmetic3A_573, %shift_left3A_575 : vector<16xi32>
        %and3A_577 = arith.constant 7 : i32
        %and3A_578 = vector.broadcast %and3A_577 : i32 to vector<16xi32>
        %and3A_579 = arith.andi %get3A_568, %and3A_578 : vector<16xi32>
        %shift_left3A_580 = arith.constant 7 : i32
        %shift_left3A_581 = vector.broadcast %shift_left3A_580 : i32 to vector<16xi32>
        %shift_left3A_582 = arith.shli %and3A_579, %shift_left3A_581 : vector<16xi32>
        %add3A_583 = arith.addi %shift_left3A_576, %shift_left3A_582 : vector<16xi32>
        %add3A_584 = arith.constant 2048 : i32
        %add3A_585 = arith.addi %mul3A_48, %add3A_584 : i32
        %add3A_586 = arith.constant 32 : i32
        %add3A_587 = arith.addi %add3A_585, %add3A_586 : i32
        %add3A_588 = vector.broadcast %add3A_587 : i32 to vector<16xi32>
        %add3A_589 = arith.addi %add3A_583, %add3A_588 : vector<16xi32>
        %add3A_590 = arith.addi %add3A_589, %iota3A : vector<16xi32>
        %broadcast_in_dim3A_591 = arith.constant 2 : i32
        %broadcast_in_dim3A_592 = vector.broadcast %broadcast_in_dim3A_591 : i32 to vector<16xi32>
        %add3A_593 = arith.constant 32 : i32
        %add3A_594 = vector.broadcast %add3A_593 : i32 to vector<16xi32>
        %add3A_595 = arith.addi %add3A_594, %iota3A : vector<16xi32>
        tpu.vector_store_idx %arg9[%broadcast_in_dim3A_592, %add3A_595], %add3A_590 : memref<8x128xi32, #tpu.memory_space<vmem>>[vector<16xi32>, vector<16xi32>], vector<16xi32>,
        tpu.vector_store_idx %arg10[%broadcast_in_dim3A_592, %add3A_595], %get3A_570 : memref<8x128xf32, #tpu.memory_space<vmem>>[vector<16xi32>, vector<16xi32>], vector<16xf32>,
        %get3A_596 = arith.constant 304 : index
        %get3A_597 = tpu.vector_load %arg7[%get3A_596] {strides = array<i32>} : memref<1024xi32, #tpu.memory_space<vmem>>, vector<16xi32>,
        %get3A_598 = arith.constant 304 : index
        %get3A_599 = tpu.vector_load %arg8[%get3A_598] {strides = array<i32>} : memref<1024xf32, #tpu.memory_space<vmem>>, vector<16xf32>,
        %shift_right_arithmetic3A_600 = arith.constant 3 : i32
        %shift_right_arithmetic3A_601 = vector.broadcast %shift_right_arithmetic3A_600 : i32 to vector<16xi32>
        %shift_right_arithmetic3A_602 = arith.shrsi %get3A_597, %shift_right_arithmetic3A_601 : vector<16xi32>
        %shift_left3A_603 = arith.constant 13 : i32
        %shift_left3A_604 = vector.broadcast %shift_left3A_603 : i32 to vector<16xi32>
        %shift_left3A_605 = arith.shli %shift_right_arithmetic3A_602, %shift_left3A_604 : vector<16xi32>
        %and3A_606 = arith.constant 7 : i32
        %and3A_607 = vector.broadcast %and3A_606 : i32 to vector<16xi32>
        %and3A_608 = arith.andi %get3A_597, %and3A_607 : vector<16xi32>
        %shift_left3A_609 = arith.constant 7 : i32
        %shift_left3A_610 = vector.broadcast %shift_left3A_609 : i32 to vector<16xi32>
        %shift_left3A_611 = arith.shli %and3A_608, %shift_left3A_610 : vector<16xi32>
        %add3A_612 = arith.addi %shift_left3A_605, %shift_left3A_611 : vector<16xi32>
        %add3A_613 = arith.constant 2048 : i32
        %add3A_614 = arith.addi %mul3A_48, %add3A_613 : i32
        %add3A_615 = arith.constant 48 : i32
        %add3A_616 = arith.addi %add3A_614, %add3A_615 : i32
        %add3A_617 = vector.broadcast %add3A_616 : i32 to vector<16xi32>
        %add3A_618 = arith.addi %add3A_612, %add3A_617 : vector<16xi32>
        %add3A_619 = arith.addi %add3A_618, %iota3A : vector<16xi32>
        %broadcast_in_dim3A_620 = arith.constant 2 : i32
        %broadcast_in_dim3A_621 = vector.broadcast %broadcast_in_dim3A_620 : i32 to vector<16xi32>
        %add3A_622 = arith.constant 48 : i32
        %add3A_623 = vector.broadcast %add3A_622 : i32 to vector<16xi32>
        %add3A_624 = arith.addi %add3A_623, %iota3A : vector<16xi32>
        tpu.vector_store_idx %arg9[%broadcast_in_dim3A_621, %add3A_624], %add3A_619 : memref<8x128xi32, #tpu.memory_space<vmem>>[vector<16xi32>, vector<16xi32>], vector<16xi32>,
        tpu.vector_store_idx %arg10[%broadcast_in_dim3A_621, %add3A_624], %get3A_599 : memref<8x128xf32, #tpu.memory_space<vmem>>[vector<16xi32>, vector<16xi32>], vector<16xf32>,
        %get3A_625 = arith.constant 320 : index
        %get3A_626 = tpu.vector_load %arg7[%get3A_625] {strides = array<i32>} : memref<1024xi32, #tpu.memory_space<vmem>>, vector<16xi32>,
        %get3A_627 = arith.constant 320 : index
        %get3A_628 = tpu.vector_load %arg8[%get3A_627] {strides = array<i32>} : memref<1024xf32, #tpu.memory_space<vmem>>, vector<16xf32>,
        %shift_right_arithmetic3A_629 = arith.constant 3 : i32
        %shift_right_arithmetic3A_630 = vector.broadcast %shift_right_arithmetic3A_629 : i32 to vector<16xi32>
        %shift_right_arithmetic3A_631 = arith.shrsi %get3A_626, %shift_right_arithmetic3A_630 : vector<16xi32>
        %shift_left3A_632 = arith.constant 13 : i32
        %shift_left3A_633 = vector.broadcast %shift_left3A_632 : i32 to vector<16xi32>
        %shift_left3A_634 = arith.shli %shift_right_arithmetic3A_631, %shift_left3A_633 : vector<16xi32>
        %and3A_635 = arith.constant 7 : i32
        %and3A_636 = vector.broadcast %and3A_635 : i32 to vector<16xi32>
        %and3A_637 = arith.andi %get3A_626, %and3A_636 : vector<16xi32>
        %shift_left3A_638 = arith.constant 7 : i32
        %shift_left3A_639 = vector.broadcast %shift_left3A_638 : i32 to vector<16xi32>
        %shift_left3A_640 = arith.shli %and3A_637, %shift_left3A_639 : vector<16xi32>
        %add3A_641 = arith.addi %shift_left3A_634, %shift_left3A_640 : vector<16xi32>
        %add3A_642 = arith.constant 2048 : i32
        %add3A_643 = arith.addi %mul3A_48, %add3A_642 : i32
        %add3A_644 = arith.constant 64 : i32
        %add3A_645 = arith.addi %add3A_643, %add3A_644 : i32
        %add3A_646 = vector.broadcast %add3A_645 : i32 to vector<16xi32>
        %add3A_647 = arith.addi %add3A_641, %add3A_646 : vector<16xi32>
        %add3A_648 = arith.addi %add3A_647, %iota3A : vector<16xi32>
        %broadcast_in_dim3A_649 = arith.constant 2 : i32
        %broadcast_in_dim3A_650 = vector.broadcast %broadcast_in_dim3A_649 : i32 to vector<16xi32>
        %add3A_651 = arith.constant 64 : i32
        %add3A_652 = vector.broadcast %add3A_651 : i32 to vector<16xi32>
        %add3A_653 = arith.addi %add3A_652, %iota3A : vector<16xi32>
        tpu.vector_store_idx %arg9[%broadcast_in_dim3A_650, %add3A_653], %add3A_648 : memref<8x128xi32, #tpu.memory_space<vmem>>[vector<16xi32>, vector<16xi32>], vector<16xi32>,
        tpu.vector_store_idx %arg10[%broadcast_in_dim3A_650, %add3A_653], %get3A_628 : memref<8x128xf32, #tpu.memory_space<vmem>>[vector<16xi32>, vector<16xi32>], vector<16xf32>,
        %get3A_654 = arith.constant 336 : index
        %get3A_655 = tpu.vector_load %arg7[%get3A_654] {strides = array<i32>} : memref<1024xi32, #tpu.memory_space<vmem>>, vector<16xi32>,
        %get3A_656 = arith.constant 336 : index
        %get3A_657 = tpu.vector_load %arg8[%get3A_656] {strides = array<i32>} : memref<1024xf32, #tpu.memory_space<vmem>>, vector<16xf32>,
        %shift_right_arithmetic3A_658 = arith.constant 3 : i32
        %shift_right_arithmetic3A_659 = vector.broadcast %shift_right_arithmetic3A_658 : i32 to vector<16xi32>
        %shift_right_arithmetic3A_660 = arith.shrsi %get3A_655, %shift_right_arithmetic3A_659 : vector<16xi32>
        %shift_left3A_661 = arith.constant 13 : i32
        %shift_left3A_662 = vector.broadcast %shift_left3A_661 : i32 to vector<16xi32>
        %shift_left3A_663 = arith.shli %shift_right_arithmetic3A_660, %shift_left3A_662 : vector<16xi32>
        %and3A_664 = arith.constant 7 : i32
        %and3A_665 = vector.broadcast %and3A_664 : i32 to vector<16xi32>
        %and3A_666 = arith.andi %get3A_655, %and3A_665 : vector<16xi32>
        %shift_left3A_667 = arith.constant 7 : i32
        %shift_left3A_668 = vector.broadcast %shift_left3A_667 : i32 to vector<16xi32>
        %shift_left3A_669 = arith.shli %and3A_666, %shift_left3A_668 : vector<16xi32>
        %add3A_670 = arith.addi %shift_left3A_663, %shift_left3A_669 : vector<16xi32>
        %add3A_671 = arith.constant 2048 : i32
        %add3A_672 = arith.addi %mul3A_48, %add3A_671 : i32
        %add3A_673 = arith.constant 80 : i32
        %add3A_674 = arith.addi %add3A_672, %add3A_673 : i32
        %add3A_675 = vector.broadcast %add3A_674 : i32 to vector<16xi32>
        %add3A_676 = arith.addi %add3A_670, %add3A_675 : vector<16xi32>
        %add3A_677 = arith.addi %add3A_676, %iota3A : vector<16xi32>
        %broadcast_in_dim3A_678 = arith.constant 2 : i32
        %broadcast_in_dim3A_679 = vector.broadcast %broadcast_in_dim3A_678 : i32 to vector<16xi32>
        %add3A_680 = arith.constant 80 : i32
        %add3A_681 = vector.broadcast %add3A_680 : i32 to vector<16xi32>
        %add3A_682 = arith.addi %add3A_681, %iota3A : vector<16xi32>
        tpu.vector_store_idx %arg9[%broadcast_in_dim3A_679, %add3A_682], %add3A_677 : memref<8x128xi32, #tpu.memory_space<vmem>>[vector<16xi32>, vector<16xi32>], vector<16xi32>,
        tpu.vector_store_idx %arg10[%broadcast_in_dim3A_679, %add3A_682], %get3A_657 : memref<8x128xf32, #tpu.memory_space<vmem>>[vector<16xi32>, vector<16xi32>], vector<16xf32>,
        %get3A_683 = arith.constant 352 : index
        %get3A_684 = tpu.vector_load %arg7[%get3A_683] {strides = array<i32>} : memref<1024xi32, #tpu.memory_space<vmem>>, vector<16xi32>,
        %get3A_685 = arith.constant 352 : index
        %get3A_686 = tpu.vector_load %arg8[%get3A_685] {strides = array<i32>} : memref<1024xf32, #tpu.memory_space<vmem>>, vector<16xf32>,
        %shift_right_arithmetic3A_687 = arith.constant 3 : i32
        %shift_right_arithmetic3A_688 = vector.broadcast %shift_right_arithmetic3A_687 : i32 to vector<16xi32>
        %shift_right_arithmetic3A_689 = arith.shrsi %get3A_684, %shift_right_arithmetic3A_688 : vector<16xi32>
        %shift_left3A_690 = arith.constant 13 : i32
        %shift_left3A_691 = vector.broadcast %shift_left3A_690 : i32 to vector<16xi32>
        %shift_left3A_692 = arith.shli %shift_right_arithmetic3A_689, %shift_left3A_691 : vector<16xi32>
        %and3A_693 = arith.constant 7 : i32
        %and3A_694 = vector.broadcast %and3A_693 : i32 to vector<16xi32>
        %and3A_695 = arith.andi %get3A_684, %and3A_694 : vector<16xi32>
        %shift_left3A_696 = arith.constant 7 : i32
        %shift_left3A_697 = vector.broadcast %shift_left3A_696 : i32 to vector<16xi32>
        %shift_left3A_698 = arith.shli %and3A_695, %shift_left3A_697 : vector<16xi32>
        %add3A_699 = arith.addi %shift_left3A_692, %shift_left3A_698 : vector<16xi32>
        %add3A_700 = arith.constant 2048 : i32
        %add3A_701 = arith.addi %mul3A_48, %add3A_700 : i32
        %add3A_702 = arith.constant 96 : i32
        %add3A_703 = arith.addi %add3A_701, %add3A_702 : i32
        %add3A_704 = vector.broadcast %add3A_703 : i32 to vector<16xi32>
        %add3A_705 = arith.addi %add3A_699, %add3A_704 : vector<16xi32>
        %add3A_706 = arith.addi %add3A_705, %iota3A : vector<16xi32>
        %broadcast_in_dim3A_707 = arith.constant 2 : i32
        %broadcast_in_dim3A_708 = vector.broadcast %broadcast_in_dim3A_707 : i32 to vector<16xi32>
        %add3A_709 = arith.constant 96 : i32
        %add3A_710 = vector.broadcast %add3A_709 : i32 to vector<16xi32>
        %add3A_711 = arith.addi %add3A_710, %iota3A : vector<16xi32>
        tpu.vector_store_idx %arg9[%broadcast_in_dim3A_708, %add3A_711], %add3A_706 : memref<8x128xi32, #tpu.memory_space<vmem>>[vector<16xi32>, vector<16xi32>], vector<16xi32>,
        tpu.vector_store_idx %arg10[%broadcast_in_dim3A_708, %add3A_711], %get3A_686 : memref<8x128xf32, #tpu.memory_space<vmem>>[vector<16xi32>, vector<16xi32>], vector<16xf32>,
        %get3A_712 = arith.constant 368 : index
        %get3A_713 = tpu.vector_load %arg7[%get3A_712] {strides = array<i32>} : memref<1024xi32, #tpu.memory_space<vmem>>, vector<16xi32>,
        %get3A_714 = arith.constant 368 : index
        %get3A_715 = tpu.vector_load %arg8[%get3A_714] {strides = array<i32>} : memref<1024xf32, #tpu.memory_space<vmem>>, vector<16xf32>,
        %shift_right_arithmetic3A_716 = arith.constant 3 : i32
        %shift_right_arithmetic3A_717 = vector.broadcast %shift_right_arithmetic3A_716 : i32 to vector<16xi32>
        %shift_right_arithmetic3A_718 = arith.shrsi %get3A_713, %shift_right_arithmetic3A_717 : vector<16xi32>
        %shift_left3A_719 = arith.constant 13 : i32
        %shift_left3A_720 = vector.broadcast %shift_left3A_719 : i32 to vector<16xi32>
        %shift_left3A_721 = arith.shli %shift_right_arithmetic3A_718, %shift_left3A_720 : vector<16xi32>
        %and3A_722 = arith.constant 7 : i32
        %and3A_723 = vector.broadcast %and3A_722 : i32 to vector<16xi32>
        %and3A_724 = arith.andi %get3A_713, %and3A_723 : vector<16xi32>
        %shift_left3A_725 = arith.constant 7 : i32
        %shift_left3A_726 = vector.broadcast %shift_left3A_725 : i32 to vector<16xi32>
        %shift_left3A_727 = arith.shli %and3A_724, %shift_left3A_726 : vector<16xi32>
        %add3A_728 = arith.addi %shift_left3A_721, %shift_left3A_727 : vector<16xi32>
        %add3A_729 = arith.constant 2048 : i32
        %add3A_730 = arith.addi %mul3A_48, %add3A_729 : i32
        %add3A_731 = arith.constant 112 : i32
        %add3A_732 = arith.addi %add3A_730, %add3A_731 : i32
        %add3A_733 = vector.broadcast %add3A_732 : i32 to vector<16xi32>
        %add3A_734 = arith.addi %add3A_728, %add3A_733 : vector<16xi32>
        %add3A_735 = arith.addi %add3A_734, %iota3A : vector<16xi32>
        %broadcast_in_dim3A_736 = arith.constant 2 : i32
        %broadcast_in_dim3A_737 = vector.broadcast %broadcast_in_dim3A_736 : i32 to vector<16xi32>
        %add3A_738 = arith.constant 112 : i32
        %add3A_739 = vector.broadcast %add3A_738 : i32 to vector<16xi32>
        %add3A_740 = arith.addi %add3A_739, %iota3A : vector<16xi32>
        tpu.vector_store_idx %arg9[%broadcast_in_dim3A_737, %add3A_740], %add3A_735 : memref<8x128xi32, #tpu.memory_space<vmem>>[vector<16xi32>, vector<16xi32>], vector<16xi32>,
        tpu.vector_store_idx %arg10[%broadcast_in_dim3A_737, %add3A_740], %get3A_715 : memref<8x128xf32, #tpu.memory_space<vmem>>[vector<16xi32>, vector<16xi32>], vector<16xf32>,
        %get3A_741 = arith.constant 384 : index
        %get3A_742 = tpu.vector_load %arg7[%get3A_741] {strides = array<i32>} : memref<1024xi32, #tpu.memory_space<vmem>>, vector<16xi32>,
        %get3A_743 = arith.constant 384 : index
        %get3A_744 = tpu.vector_load %arg8[%get3A_743] {strides = array<i32>} : memref<1024xf32, #tpu.memory_space<vmem>>, vector<16xf32>,
        %shift_right_arithmetic3A_745 = arith.constant 3 : i32
        %shift_right_arithmetic3A_746 = vector.broadcast %shift_right_arithmetic3A_745 : i32 to vector<16xi32>
        %shift_right_arithmetic3A_747 = arith.shrsi %get3A_742, %shift_right_arithmetic3A_746 : vector<16xi32>
        %shift_left3A_748 = arith.constant 13 : i32
        %shift_left3A_749 = vector.broadcast %shift_left3A_748 : i32 to vector<16xi32>
        %shift_left3A_750 = arith.shli %shift_right_arithmetic3A_747, %shift_left3A_749 : vector<16xi32>
        %and3A_751 = arith.constant 7 : i32
        %and3A_752 = vector.broadcast %and3A_751 : i32 to vector<16xi32>
        %and3A_753 = arith.andi %get3A_742, %and3A_752 : vector<16xi32>
        %shift_left3A_754 = arith.constant 7 : i32
        %shift_left3A_755 = vector.broadcast %shift_left3A_754 : i32 to vector<16xi32>
        %shift_left3A_756 = arith.shli %and3A_753, %shift_left3A_755 : vector<16xi32>
        %add3A_757 = arith.addi %shift_left3A_750, %shift_left3A_756 : vector<16xi32>
        %add3A_758 = arith.constant 3072 : i32
        %add3A_759 = arith.addi %mul3A_48, %add3A_758 : i32
        %add3A_760 = arith.constant 0 : i32
        %add3A_761 = arith.addi %add3A_759, %add3A_760 : i32
        %add3A_762 = vector.broadcast %add3A_761 : i32 to vector<16xi32>
        %add3A_763 = arith.addi %add3A_757, %add3A_762 : vector<16xi32>
        %add3A_764 = arith.addi %add3A_763, %iota3A : vector<16xi32>
        %broadcast_in_dim3A_765 = arith.constant 3 : i32
        %broadcast_in_dim3A_766 = vector.broadcast %broadcast_in_dim3A_765 : i32 to vector<16xi32>
        %add3A_767 = arith.constant 0 : i32
        %add3A_768 = vector.broadcast %add3A_767 : i32 to vector<16xi32>
        %add3A_769 = arith.addi %add3A_768, %iota3A : vector<16xi32>
        tpu.vector_store_idx %arg9[%broadcast_in_dim3A_766, %add3A_769], %add3A_764 : memref<8x128xi32, #tpu.memory_space<vmem>>[vector<16xi32>, vector<16xi32>], vector<16xi32>,
        tpu.vector_store_idx %arg10[%broadcast_in_dim3A_766, %add3A_769], %get3A_744 : memref<8x128xf32, #tpu.memory_space<vmem>>[vector<16xi32>, vector<16xi32>], vector<16xf32>,
        %get3A_770 = arith.constant 400 : index
        %get3A_771 = tpu.vector_load %arg7[%get3A_770] {strides = array<i32>} : memref<1024xi32, #tpu.memory_space<vmem>>, vector<16xi32>,
        %get3A_772 = arith.constant 400 : index
        %get3A_773 = tpu.vector_load %arg8[%get3A_772] {strides = array<i32>} : memref<1024xf32, #tpu.memory_space<vmem>>, vector<16xf32>,
        %shift_right_arithmetic3A_774 = arith.constant 3 : i32
        %shift_right_arithmetic3A_775 = vector.broadcast %shift_right_arithmetic3A_774 : i32 to vector<16xi32>
        %shift_right_arithmetic3A_776 = arith.shrsi %get3A_771, %shift_right_arithmetic3A_775 : vector<16xi32>
        %shift_left3A_777 = arith.constant 13 : i32
        %shift_left3A_778 = vector.broadcast %shift_left3A_777 : i32 to vector<16xi32>
        %shift_left3A_779 = arith.shli %shift_right_arithmetic3A_776, %shift_left3A_778 : vector<16xi32>
        %and3A_780 = arith.constant 7 : i32
        %and3A_781 = vector.broadcast %and3A_780 : i32 to vector<16xi32>
        %and3A_782 = arith.andi %get3A_771, %and3A_781 : vector<16xi32>
        %shift_left3A_783 = arith.constant 7 : i32
        %shift_left3A_784 = vector.broadcast %shift_left3A_783 : i32 to vector<16xi32>
        %shift_left3A_785 = arith.shli %and3A_782, %shift_left3A_784 : vector<16xi32>
        %add3A_786 = arith.addi %shift_left3A_779, %shift_left3A_785 : vector<16xi32>
        %add3A_787 = arith.constant 3072 : i32
        %add3A_788 = arith.addi %mul3A_48, %add3A_787 : i32
        %add3A_789 = arith.constant 16 : i32
        %add3A_790 = arith.addi %add3A_788, %add3A_789 : i32
        %add3A_791 = vector.broadcast %add3A_790 : i32 to vector<16xi32>
        %add3A_792 = arith.addi %add3A_786, %add3A_791 : vector<16xi32>
        %add3A_793 = arith.addi %add3A_792, %iota3A : vector<16xi32>
        %broadcast_in_dim3A_794 = arith.constant 3 : i32
        %broadcast_in_dim3A_795 = vector.broadcast %broadcast_in_dim3A_794 : i32 to vector<16xi32>
        %add3A_796 = arith.constant 16 : i32
        %add3A_797 = vector.broadcast %add3A_796 : i32 to vector<16xi32>
        %add3A_798 = arith.addi %add3A_797, %iota3A : vector<16xi32>
        tpu.vector_store_idx %arg9[%broadcast_in_dim3A_795, %add3A_798], %add3A_793 : memref<8x128xi32, #tpu.memory_space<vmem>>[vector<16xi32>, vector<16xi32>], vector<16xi32>,
        tpu.vector_store_idx %arg10[%broadcast_in_dim3A_795, %add3A_798], %get3A_773 : memref<8x128xf32, #tpu.memory_space<vmem>>[vector<16xi32>, vector<16xi32>], vector<16xf32>,
        %get3A_799 = arith.constant 416 : index
        %get3A_800 = tpu.vector_load %arg7[%get3A_799] {strides = array<i32>} : memref<1024xi32, #tpu.memory_space<vmem>>, vector<16xi32>,
        %get3A_801 = arith.constant 416 : index
        %get3A_802 = tpu.vector_load %arg8[%get3A_801] {strides = array<i32>} : memref<1024xf32, #tpu.memory_space<vmem>>, vector<16xf32>,
        %shift_right_arithmetic3A_803 = arith.constant 3 : i32
        %shift_right_arithmetic3A_804 = vector.broadcast %shift_right_arithmetic3A_803 : i32 to vector<16xi32>
        %shift_right_arithmetic3A_805 = arith.shrsi %get3A_800, %shift_right_arithmetic3A_804 : vector<16xi32>
        %shift_left3A_806 = arith.constant 13 : i32
        %shift_left3A_807 = vector.broadcast %shift_left3A_806 : i32 to vector<16xi32>
        %shift_left3A_808 = arith.shli %shift_right_arithmetic3A_805, %shift_left3A_807 : vector<16xi32>
        %and3A_809 = arith.constant 7 : i32
        %and3A_810 = vector.broadcast %and3A_809 : i32 to vector<16xi32>
        %and3A_811 = arith.andi %get3A_800, %and3A_810 : vector<16xi32>
        %shift_left3A_812 = arith.constant 7 : i32
        %shift_left3A_813 = vector.broadcast %shift_left3A_812 : i32 to vector<16xi32>
        %shift_left3A_814 = arith.shli %and3A_811, %shift_left3A_813 : vector<16xi32>
        %add3A_815 = arith.addi %shift_left3A_808, %shift_left3A_814 : vector<16xi32>
        %add3A_816 = arith.constant 3072 : i32
        %add3A_817 = arith.addi %mul3A_48, %add3A_816 : i32
        %add3A_818 = arith.constant 32 : i32
        %add3A_819 = arith.addi %add3A_817, %add3A_818 : i32
        %add3A_820 = vector.broadcast %add3A_819 : i32 to vector<16xi32>
        %add3A_821 = arith.addi %add3A_815, %add3A_820 : vector<16xi32>
        %add3A_822 = arith.addi %add3A_821, %iota3A : vector<16xi32>
        %broadcast_in_dim3A_823 = arith.constant 3 : i32
        %broadcast_in_dim3A_824 = vector.broadcast %broadcast_in_dim3A_823 : i32 to vector<16xi32>
        %add3A_825 = arith.constant 32 : i32
        %add3A_826 = vector.broadcast %add3A_825 : i32 to vector<16xi32>
        %add3A_827 = arith.addi %add3A_826, %iota3A : vector<16xi32>
        tpu.vector_store_idx %arg9[%broadcast_in_dim3A_824, %add3A_827], %add3A_822 : memref<8x128xi32, #tpu.memory_space<vmem>>[vector<16xi32>, vector<16xi32>], vector<16xi32>,
        tpu.vector_store_idx %arg10[%broadcast_in_dim3A_824, %add3A_827], %get3A_802 : memref<8x128xf32, #tpu.memory_space<vmem>>[vector<16xi32>, vector<16xi32>], vector<16xf32>,
        %get3A_828 = arith.constant 432 : index
        %get3A_829 = tpu.vector_load %arg7[%get3A_828] {strides = array<i32>} : memref<1024xi32, #tpu.memory_space<vmem>>, vector<16xi32>,
        %get3A_830 = arith.constant 432 : index
        %get3A_831 = tpu.vector_load %arg8[%get3A_830] {strides = array<i32>} : memref<1024xf32, #tpu.memory_space<vmem>>, vector<16xf32>,
        %shift_right_arithmetic3A_832 = arith.constant 3 : i32
        %shift_right_arithmetic3A_833 = vector.broadcast %shift_right_arithmetic3A_832 : i32 to vector<16xi32>
        %shift_right_arithmetic3A_834 = arith.shrsi %get3A_829, %shift_right_arithmetic3A_833 : vector<16xi32>
        %shift_left3A_835 = arith.constant 13 : i32
        %shift_left3A_836 = vector.broadcast %shift_left3A_835 : i32 to vector<16xi32>
        %shift_left3A_837 = arith.shli %shift_right_arithmetic3A_834, %shift_left3A_836 : vector<16xi32>
        %and3A_838 = arith.constant 7 : i32
        %and3A_839 = vector.broadcast %and3A_838 : i32 to vector<16xi32>
        %and3A_840 = arith.andi %get3A_829, %and3A_839 : vector<16xi32>
        %shift_left3A_841 = arith.constant 7 : i32
        %shift_left3A_842 = vector.broadcast %shift_left3A_841 : i32 to vector<16xi32>
        %shift_left3A_843 = arith.shli %and3A_840, %shift_left3A_842 : vector<16xi32>
        %add3A_844 = arith.addi %shift_left3A_837, %shift_left3A_843 : vector<16xi32>
        %add3A_845 = arith.constant 3072 : i32
        %add3A_846 = arith.addi %mul3A_48, %add3A_845 : i32
        %add3A_847 = arith.constant 48 : i32
        %add3A_848 = arith.addi %add3A_846, %add3A_847 : i32
        %add3A_849 = vector.broadcast %add3A_848 : i32 to vector<16xi32>
        %add3A_850 = arith.addi %add3A_844, %add3A_849 : vector<16xi32>
        %add3A_851 = arith.addi %add3A_850, %iota3A : vector<16xi32>
        %broadcast_in_dim3A_852 = arith.constant 3 : i32
        %broadcast_in_dim3A_853 = vector.broadcast %broadcast_in_dim3A_852 : i32 to vector<16xi32>
        %add3A_854 = arith.constant 48 : i32
        %add3A_855 = vector.broadcast %add3A_854 : i32 to vector<16xi32>
        %add3A_856 = arith.addi %add3A_855, %iota3A : vector<16xi32>
        tpu.vector_store_idx %arg9[%broadcast_in_dim3A_853, %add3A_856], %add3A_851 : memref<8x128xi32, #tpu.memory_space<vmem>>[vector<16xi32>, vector<16xi32>], vector<16xi32>,
        tpu.vector_store_idx %arg10[%broadcast_in_dim3A_853, %add3A_856], %get3A_831 : memref<8x128xf32, #tpu.memory_space<vmem>>[vector<16xi32>, vector<16xi32>], vector<16xf32>,
        %get3A_857 = arith.constant 448 : index
        %get3A_858 = tpu.vector_load %arg7[%get3A_857] {strides = array<i32>} : memref<1024xi32, #tpu.memory_space<vmem>>, vector<16xi32>,
        %get3A_859 = arith.constant 448 : index
        %get3A_860 = tpu.vector_load %arg8[%get3A_859] {strides = array<i32>} : memref<1024xf32, #tpu.memory_space<vmem>>, vector<16xf32>,
        %shift_right_arithmetic3A_861 = arith.constant 3 : i32
        %shift_right_arithmetic3A_862 = vector.broadcast %shift_right_arithmetic3A_861 : i32 to vector<16xi32>
        %shift_right_arithmetic3A_863 = arith.shrsi %get3A_858, %shift_right_arithmetic3A_862 : vector<16xi32>
        %shift_left3A_864 = arith.constant 13 : i32
        %shift_left3A_865 = vector.broadcast %shift_left3A_864 : i32 to vector<16xi32>
        %shift_left3A_866 = arith.shli %shift_right_arithmetic3A_863, %shift_left3A_865 : vector<16xi32>
        %and3A_867 = arith.constant 7 : i32
        %and3A_868 = vector.broadcast %and3A_867 : i32 to vector<16xi32>
        %and3A_869 = arith.andi %get3A_858, %and3A_868 : vector<16xi32>
        %shift_left3A_870 = arith.constant 7 : i32
        %shift_left3A_871 = vector.broadcast %shift_left3A_870 : i32 to vector<16xi32>
        %shift_left3A_872 = arith.shli %and3A_869, %shift_left3A_871 : vector<16xi32>
        %add3A_873 = arith.addi %shift_left3A_866, %shift_left3A_872 : vector<16xi32>
        %add3A_874 = arith.constant 3072 : i32
        %add3A_875 = arith.addi %mul3A_48, %add3A_874 : i32
        %add3A_876 = arith.constant 64 : i32
        %add3A_877 = arith.addi %add3A_875, %add3A_876 : i32
        %add3A_878 = vector.broadcast %add3A_877 : i32 to vector<16xi32>
        %add3A_879 = arith.addi %add3A_873, %add3A_878 : vector<16xi32>
        %add3A_880 = arith.addi %add3A_879, %iota3A : vector<16xi32>
        %broadcast_in_dim3A_881 = arith.constant 3 : i32
        %broadcast_in_dim3A_882 = vector.broadcast %broadcast_in_dim3A_881 : i32 to vector<16xi32>
        %add3A_883 = arith.constant 64 : i32
        %add3A_884 = vector.broadcast %add3A_883 : i32 to vector<16xi32>
        %add3A_885 = arith.addi %add3A_884, %iota3A : vector<16xi32>
        tpu.vector_store_idx %arg9[%broadcast_in_dim3A_882, %add3A_885], %add3A_880 : memref<8x128xi32, #tpu.memory_space<vmem>>[vector<16xi32>, vector<16xi32>], vector<16xi32>,
        tpu.vector_store_idx %arg10[%broadcast_in_dim3A_882, %add3A_885], %get3A_860 : memref<8x128xf32, #tpu.memory_space<vmem>>[vector<16xi32>, vector<16xi32>], vector<16xf32>,
        %get3A_886 = arith.constant 464 : index
        %get3A_887 = tpu.vector_load %arg7[%get3A_886] {strides = array<i32>} : memref<1024xi32, #tpu.memory_space<vmem>>, vector<16xi32>,
        %get3A_888 = arith.constant 464 : index
        %get3A_889 = tpu.vector_load %arg8[%get3A_888] {strides = array<i32>} : memref<1024xf32, #tpu.memory_space<vmem>>, vector<16xf32>,
        %shift_right_arithmetic3A_890 = arith.constant 3 : i32
        %shift_right_arithmetic3A_891 = vector.broadcast %shift_right_arithmetic3A_890 : i32 to vector<16xi32>
        %shift_right_arithmetic3A_892 = arith.shrsi %get3A_887, %shift_right_arithmetic3A_891 : vector<16xi32>
        %shift_left3A_893 = arith.constant 13 : i32
        %shift_left3A_894 = vector.broadcast %shift_left3A_893 : i32 to vector<16xi32>
        %shift_left3A_895 = arith.shli %shift_right_arithmetic3A_892, %shift_left3A_894 : vector<16xi32>
        %and3A_896 = arith.constant 7 : i32
        %and3A_897 = vector.broadcast %and3A_896 : i32 to vector<16xi32>
        %and3A_898 = arith.andi %get3A_887, %and3A_897 : vector<16xi32>
        %shift_left3A_899 = arith.constant 7 : i32
        %shift_left3A_900 = vector.broadcast %shift_left3A_899 : i32 to vector<16xi32>
        %shift_left3A_901 = arith.shli %and3A_898, %shift_left3A_900 : vector<16xi32>
        %add3A_902 = arith.addi %shift_left3A_895, %shift_left3A_901 : vector<16xi32>
        %add3A_903 = arith.constant 3072 : i32
        %add3A_904 = arith.addi %mul3A_48, %add3A_903 : i32
        %add3A_905 = arith.constant 80 : i32
        %add3A_906 = arith.addi %add3A_904, %add3A_905 : i32
        %add3A_907 = vector.broadcast %add3A_906 : i32 to vector<16xi32>
        %add3A_908 = arith.addi %add3A_902, %add3A_907 : vector<16xi32>
        %add3A_909 = arith.addi %add3A_908, %iota3A : vector<16xi32>
        %broadcast_in_dim3A_910 = arith.constant 3 : i32
        %broadcast_in_dim3A_911 = vector.broadcast %broadcast_in_dim3A_910 : i32 to vector<16xi32>
        %add3A_912 = arith.constant 80 : i32
        %add3A_913 = vector.broadcast %add3A_912 : i32 to vector<16xi32>
        %add3A_914 = arith.addi %add3A_913, %iota3A : vector<16xi32>
        tpu.vector_store_idx %arg9[%broadcast_in_dim3A_911, %add3A_914], %add3A_909 : memref<8x128xi32, #tpu.memory_space<vmem>>[vector<16xi32>, vector<16xi32>], vector<16xi32>,
        tpu.vector_store_idx %arg10[%broadcast_in_dim3A_911, %add3A_914], %get3A_889 : memref<8x128xf32, #tpu.memory_space<vmem>>[vector<16xi32>, vector<16xi32>], vector<16xf32>,
        %get3A_915 = arith.constant 480 : index
        %get3A_916 = tpu.vector_load %arg7[%get3A_915] {strides = array<i32>} : memref<1024xi32, #tpu.memory_space<vmem>>, vector<16xi32>,
        %get3A_917 = arith.constant 480 : index
        %get3A_918 = tpu.vector_load %arg8[%get3A_917] {strides = array<i32>} : memref<1024xf32, #tpu.memory_space<vmem>>, vector<16xf32>,
        %shift_right_arithmetic3A_919 = arith.constant 3 : i32
        %shift_right_arithmetic3A_920 = vector.broadcast %shift_right_arithmetic3A_919 : i32 to vector<16xi32>
        %shift_right_arithmetic3A_921 = arith.shrsi %get3A_916, %shift_right_arithmetic3A_920 : vector<16xi32>
        %shift_left3A_922 = arith.constant 13 : i32
        %shift_left3A_923 = vector.broadcast %shift_left3A_922 : i32 to vector<16xi32>
        %shift_left3A_924 = arith.shli %shift_right_arithmetic3A_921, %shift_left3A_923 : vector<16xi32>
        %and3A_925 = arith.constant 7 : i32
        %and3A_926 = vector.broadcast %and3A_925 : i32 to vector<16xi32>
        %and3A_927 = arith.andi %get3A_916, %and3A_926 : vector<16xi32>
        %shift_left3A_928 = arith.constant 7 : i32
        %shift_left3A_929 = vector.broadcast %shift_left3A_928 : i32 to vector<16xi32>
        %shift_left3A_930 = arith.shli %and3A_927, %shift_left3A_929 : vector<16xi32>
        %add3A_931 = arith.addi %shift_left3A_924, %shift_left3A_930 : vector<16xi32>
        %add3A_932 = arith.constant 3072 : i32
        %add3A_933 = arith.addi %mul3A_48, %add3A_932 : i32
        %add3A_934 = arith.constant 96 : i32
        %add3A_935 = arith.addi %add3A_933, %add3A_934 : i32
        %add3A_936 = vector.broadcast %add3A_935 : i32 to vector<16xi32>
        %add3A_937 = arith.addi %add3A_931, %add3A_936 : vector<16xi32>
        %add3A_938 = arith.addi %add3A_937, %iota3A : vector<16xi32>
        %broadcast_in_dim3A_939 = arith.constant 3 : i32
        %broadcast_in_dim3A_940 = vector.broadcast %broadcast_in_dim3A_939 : i32 to vector<16xi32>
        %add3A_941 = arith.constant 96 : i32
        %add3A_942 = vector.broadcast %add3A_941 : i32 to vector<16xi32>
        %add3A_943 = arith.addi %add3A_942, %iota3A : vector<16xi32>
        tpu.vector_store_idx %arg9[%broadcast_in_dim3A_940, %add3A_943], %add3A_938 : memref<8x128xi32, #tpu.memory_space<vmem>>[vector<16xi32>, vector<16xi32>], vector<16xi32>,
        tpu.vector_store_idx %arg10[%broadcast_in_dim3A_940, %add3A_943], %get3A_918 : memref<8x128xf32, #tpu.memory_space<vmem>>[vector<16xi32>, vector<16xi32>], vector<16xf32>,
        %get3A_944 = arith.constant 496 : index
        %get3A_945 = tpu.vector_load %arg7[%get3A_944] {strides = array<i32>} : memref<1024xi32, #tpu.memory_space<vmem>>, vector<16xi32>,
        %get3A_946 = arith.constant 496 : index
        %get3A_947 = tpu.vector_load %arg8[%get3A_946] {strides = array<i32>} : memref<1024xf32, #tpu.memory_space<vmem>>, vector<16xf32>,
        %shift_right_arithmetic3A_948 = arith.constant 3 : i32
        %shift_right_arithmetic3A_949 = vector.broadcast %shift_right_arithmetic3A_948 : i32 to vector<16xi32>
        %shift_right_arithmetic3A_950 = arith.shrsi %get3A_945, %shift_right_arithmetic3A_949 : vector<16xi32>
        %shift_left3A_951 = arith.constant 13 : i32
        %shift_left3A_952 = vector.broadcast %shift_left3A_951 : i32 to vector<16xi32>
        %shift_left3A_953 = arith.shli %shift_right_arithmetic3A_950, %shift_left3A_952 : vector<16xi32>
        %and3A_954 = arith.constant 7 : i32
        %and3A_955 = vector.broadcast %and3A_954 : i32 to vector<16xi32>
        %and3A_956 = arith.andi %get3A_945, %and3A_955 : vector<16xi32>
        %shift_left3A_957 = arith.constant 7 : i32
        %shift_left3A_958 = vector.broadcast %shift_left3A_957 : i32 to vector<16xi32>
        %shift_left3A_959 = arith.shli %and3A_956, %shift_left3A_958 : vector<16xi32>
        %add3A_960 = arith.addi %shift_left3A_953, %shift_left3A_959 : vector<16xi32>
        %add3A_961 = arith.constant 3072 : i32
        %add3A_962 = arith.addi %mul3A_48, %add3A_961 : i32
        %add3A_963 = arith.constant 112 : i32
        %add3A_964 = arith.addi %add3A_962, %add3A_963 : i32
        %add3A_965 = vector.broadcast %add3A_964 : i32 to vector<16xi32>
        %add3A_966 = arith.addi %add3A_960, %add3A_965 : vector<16xi32>
        %add3A_967 = arith.addi %add3A_966, %iota3A : vector<16xi32>
        %broadcast_in_dim3A_968 = arith.constant 3 : i32
        %broadcast_in_dim3A_969 = vector.broadcast %broadcast_in_dim3A_968 : i32 to vector<16xi32>
        %add3A_970 = arith.constant 112 : i32
        %add3A_971 = vector.broadcast %add3A_970 : i32 to vector<16xi32>
        %add3A_972 = arith.addi %add3A_971, %iota3A : vector<16xi32>
        tpu.vector_store_idx %arg9[%broadcast_in_dim3A_969, %add3A_972], %add3A_967 : memref<8x128xi32, #tpu.memory_space<vmem>>[vector<16xi32>, vector<16xi32>], vector<16xi32>,
        tpu.vector_store_idx %arg10[%broadcast_in_dim3A_969, %add3A_972], %get3A_947 : memref<8x128xf32, #tpu.memory_space<vmem>>[vector<16xi32>, vector<16xi32>], vector<16xf32>,
        %get3A_973 = arith.constant 512 : index
        %get3A_974 = tpu.vector_load %arg7[%get3A_973] {strides = array<i32>} : memref<1024xi32, #tpu.memory_space<vmem>>, vector<16xi32>,
        %get3A_975 = arith.constant 512 : index
        %get3A_976 = tpu.vector_load %arg8[%get3A_975] {strides = array<i32>} : memref<1024xf32, #tpu.memory_space<vmem>>, vector<16xf32>,
        %shift_right_arithmetic3A_977 = arith.constant 3 : i32
        %shift_right_arithmetic3A_978 = vector.broadcast %shift_right_arithmetic3A_977 : i32 to vector<16xi32>
        %shift_right_arithmetic3A_979 = arith.shrsi %get3A_974, %shift_right_arithmetic3A_978 : vector<16xi32>
        %shift_left3A_980 = arith.constant 13 : i32
        %shift_left3A_981 = vector.broadcast %shift_left3A_980 : i32 to vector<16xi32>
        %shift_left3A_982 = arith.shli %shift_right_arithmetic3A_979, %shift_left3A_981 : vector<16xi32>
        %and3A_983 = arith.constant 7 : i32
        %and3A_984 = vector.broadcast %and3A_983 : i32 to vector<16xi32>
        %and3A_985 = arith.andi %get3A_974, %and3A_984 : vector<16xi32>
        %shift_left3A_986 = arith.constant 7 : i32
        %shift_left3A_987 = vector.broadcast %shift_left3A_986 : i32 to vector<16xi32>
        %shift_left3A_988 = arith.shli %and3A_985, %shift_left3A_987 : vector<16xi32>
        %add3A_989 = arith.addi %shift_left3A_982, %shift_left3A_988 : vector<16xi32>
        %add3A_990 = arith.constant 4096 : i32
        %add3A_991 = arith.addi %mul3A_48, %add3A_990 : i32
        %add3A_992 = arith.constant 0 : i32
        %add3A_993 = arith.addi %add3A_991, %add3A_992 : i32
        %add3A_994 = vector.broadcast %add3A_993 : i32 to vector<16xi32>
        %add3A_995 = arith.addi %add3A_989, %add3A_994 : vector<16xi32>
        %add3A_996 = arith.addi %add3A_995, %iota3A : vector<16xi32>
        %broadcast_in_dim3A_997 = arith.constant 4 : i32
        %broadcast_in_dim3A_998 = vector.broadcast %broadcast_in_dim3A_997 : i32 to vector<16xi32>
        %add3A_999 = arith.constant 0 : i32
        %add3A_1000 = vector.broadcast %add3A_999 : i32 to vector<16xi32>
        %add3A_1001 = arith.addi %add3A_1000, %iota3A : vector<16xi32>
        tpu.vector_store_idx %arg9[%broadcast_in_dim3A_998, %add3A_1001], %add3A_996 : memref<8x128xi32, #tpu.memory_space<vmem>>[vector<16xi32>, vector<16xi32>], vector<16xi32>,
        tpu.vector_store_idx %arg10[%broadcast_in_dim3A_998, %add3A_1001], %get3A_976 : memref<8x128xf32, #tpu.memory_space<vmem>>[vector<16xi32>, vector<16xi32>], vector<16xf32>,
        %get3A_1002 = arith.constant 528 : index
        %get3A_1003 = tpu.vector_load %arg7[%get3A_1002] {strides = array<i32>} : memref<1024xi32, #tpu.memory_space<vmem>>, vector<16xi32>,
        %get3A_1004 = arith.constant 528 : index
        %get3A_1005 = tpu.vector_load %arg8[%get3A_1004] {strides = array<i32>} : memref<1024xf32, #tpu.memory_space<vmem>>, vector<16xf32>,
        %shift_right_arithmetic3A_1006 = arith.constant 3 : i32
        %shift_right_arithmetic3A_1007 = vector.broadcast %shift_right_arithmetic3A_1006 : i32 to vector<16xi32>
        %shift_right_arithmetic3A_1008 = arith.shrsi %get3A_1003, %shift_right_arithmetic3A_1007 : vector<16xi32>
        %shift_left3A_1009 = arith.constant 13 : i32
        %shift_left3A_1010 = vector.broadcast %shift_left3A_1009 : i32 to vector<16xi32>
        %shift_left3A_1011 = arith.shli %shift_right_arithmetic3A_1008, %shift_left3A_1010 : vector<16xi32>
        %and3A_1012 = arith.constant 7 : i32
        %and3A_1013 = vector.broadcast %and3A_1012 : i32 to vector<16xi32>
        %and3A_1014 = arith.andi %get3A_1003, %and3A_1013 : vector<16xi32>
        %shift_left3A_1015 = arith.constant 7 : i32
        %shift_left3A_1016 = vector.broadcast %shift_left3A_1015 : i32 to vector<16xi32>
        %shift_left3A_1017 = arith.shli %and3A_1014, %shift_left3A_1016 : vector<16xi32>
        %add3A_1018 = arith.addi %shift_left3A_1011, %shift_left3A_1017 : vector<16xi32>
        %add3A_1019 = arith.constant 4096 : i32
        %add3A_1020 = arith.addi %mul3A_48, %add3A_1019 : i32
        %add3A_1021 = arith.constant 16 : i32
        %add3A_1022 = arith.addi %add3A_1020, %add3A_1021 : i32
        %add3A_1023 = vector.broadcast %add3A_1022 : i32 to vector<16xi32>
        %add3A_1024 = arith.addi %add3A_1018, %add3A_1023 : vector<16xi32>
        %add3A_1025 = arith.addi %add3A_1024, %iota3A : vector<16xi32>
        %broadcast_in_dim3A_1026 = arith.constant 4 : i32
        %broadcast_in_dim3A_1027 = vector.broadcast %broadcast_in_dim3A_1026 : i32 to vector<16xi32>
        %add3A_1028 = arith.constant 16 : i32
        %add3A_1029 = vector.broadcast %add3A_1028 : i32 to vector<16xi32>
        %add3A_1030 = arith.addi %add3A_1029, %iota3A : vector<16xi32>
        tpu.vector_store_idx %arg9[%broadcast_in_dim3A_1027, %add3A_1030], %add3A_1025 : memref<8x128xi32, #tpu.memory_space<vmem>>[vector<16xi32>, vector<16xi32>], vector<16xi32>,
        tpu.vector_store_idx %arg10[%broadcast_in_dim3A_1027, %add3A_1030], %get3A_1005 : memref<8x128xf32, #tpu.memory_space<vmem>>[vector<16xi32>, vector<16xi32>], vector<16xf32>,
        %get3A_1031 = arith.constant 544 : index
        %get3A_1032 = tpu.vector_load %arg7[%get3A_1031] {strides = array<i32>} : memref<1024xi32, #tpu.memory_space<vmem>>, vector<16xi32>,
        %get3A_1033 = arith.constant 544 : index
        %get3A_1034 = tpu.vector_load %arg8[%get3A_1033] {strides = array<i32>} : memref<1024xf32, #tpu.memory_space<vmem>>, vector<16xf32>,
        %shift_right_arithmetic3A_1035 = arith.constant 3 : i32
        %shift_right_arithmetic3A_1036 = vector.broadcast %shift_right_arithmetic3A_1035 : i32 to vector<16xi32>
        %shift_right_arithmetic3A_1037 = arith.shrsi %get3A_1032, %shift_right_arithmetic3A_1036 : vector<16xi32>
        %shift_left3A_1038 = arith.constant 13 : i32
        %shift_left3A_1039 = vector.broadcast %shift_left3A_1038 : i32 to vector<16xi32>
        %shift_left3A_1040 = arith.shli %shift_right_arithmetic3A_1037, %shift_left3A_1039 : vector<16xi32>
        %and3A_1041 = arith.constant 7 : i32
        %and3A_1042 = vector.broadcast %and3A_1041 : i32 to vector<16xi32>
        %and3A_1043 = arith.andi %get3A_1032, %and3A_1042 : vector<16xi32>
        %shift_left3A_1044 = arith.constant 7 : i32
        %shift_left3A_1045 = vector.broadcast %shift_left3A_1044 : i32 to vector<16xi32>
        %shift_left3A_1046 = arith.shli %and3A_1043, %shift_left3A_1045 : vector<16xi32>
        %add3A_1047 = arith.addi %shift_left3A_1040, %shift_left3A_1046 : vector<16xi32>
        %add3A_1048 = arith.constant 4096 : i32
        %add3A_1049 = arith.addi %mul3A_48, %add3A_1048 : i32
        %add3A_1050 = arith.constant 32 : i32
        %add3A_1051 = arith.addi %add3A_1049, %add3A_1050 : i32
        %add3A_1052 = vector.broadcast %add3A_1051 : i32 to vector<16xi32>
        %add3A_1053 = arith.addi %add3A_1047, %add3A_1052 : vector<16xi32>
        %add3A_1054 = arith.addi %add3A_1053, %iota3A : vector<16xi32>
        %broadcast_in_dim3A_1055 = arith.constant 4 : i32
        %broadcast_in_dim3A_1056 = vector.broadcast %broadcast_in_dim3A_1055 : i32 to vector<16xi32>
        %add3A_1057 = arith.constant 32 : i32
        %add3A_1058 = vector.broadcast %add3A_1057 : i32 to vector<16xi32>
        %add3A_1059 = arith.addi %add3A_1058, %iota3A : vector<16xi32>
        tpu.vector_store_idx %arg9[%broadcast_in_dim3A_1056, %add3A_1059], %add3A_1054 : memref<8x128xi32, #tpu.memory_space<vmem>>[vector<16xi32>, vector<16xi32>], vector<16xi32>,
        tpu.vector_store_idx %arg10[%broadcast_in_dim3A_1056, %add3A_1059], %get3A_1034 : memref<8x128xf32, #tpu.memory_space<vmem>>[vector<16xi32>, vector<16xi32>], vector<16xf32>,
        %get3A_1060 = arith.constant 560 : index
        %get3A_1061 = tpu.vector_load %arg7[%get3A_1060] {strides = array<i32>} : memref<1024xi32, #tpu.memory_space<vmem>>, vector<16xi32>,
        %get3A_1062 = arith.constant 560 : index
        %get3A_1063 = tpu.vector_load %arg8[%get3A_1062] {strides = array<i32>} : memref<1024xf32, #tpu.memory_space<vmem>>, vector<16xf32>,
        %shift_right_arithmetic3A_1064 = arith.constant 3 : i32
        %shift_right_arithmetic3A_1065 = vector.broadcast %shift_right_arithmetic3A_1064 : i32 to vector<16xi32>
        %shift_right_arithmetic3A_1066 = arith.shrsi %get3A_1061, %shift_right_arithmetic3A_1065 : vector<16xi32>
        %shift_left3A_1067 = arith.constant 13 : i32
        %shift_left3A_1068 = vector.broadcast %shift_left3A_1067 : i32 to vector<16xi32>
        %shift_left3A_1069 = arith.shli %shift_right_arithmetic3A_1066, %shift_left3A_1068 : vector<16xi32>
        %and3A_1070 = arith.constant 7 : i32
        %and3A_1071 = vector.broadcast %and3A_1070 : i32 to vector<16xi32>
        %and3A_1072 = arith.andi %get3A_1061, %and3A_1071 : vector<16xi32>
        %shift_left3A_1073 = arith.constant 7 : i32
        %shift_left3A_1074 = vector.broadcast %shift_left3A_1073 : i32 to vector<16xi32>
        %shift_left3A_1075 = arith.shli %and3A_1072, %shift_left3A_1074 : vector<16xi32>
        %add3A_1076 = arith.addi %shift_left3A_1069, %shift_left3A_1075 : vector<16xi32>
        %add3A_1077 = arith.constant 4096 : i32
        %add3A_1078 = arith.addi %mul3A_48, %add3A_1077 : i32
        %add3A_1079 = arith.constant 48 : i32
        %add3A_1080 = arith.addi %add3A_1078, %add3A_1079 : i32
        %add3A_1081 = vector.broadcast %add3A_1080 : i32 to vector<16xi32>
        %add3A_1082 = arith.addi %add3A_1076, %add3A_1081 : vector<16xi32>
        %add3A_1083 = arith.addi %add3A_1082, %iota3A : vector<16xi32>
        %broadcast_in_dim3A_1084 = arith.constant 4 : i32
        %broadcast_in_dim3A_1085 = vector.broadcast %broadcast_in_dim3A_1084 : i32 to vector<16xi32>
        %add3A_1086 = arith.constant 48 : i32
        %add3A_1087 = vector.broadcast %add3A_1086 : i32 to vector<16xi32>
        %add3A_1088 = arith.addi %add3A_1087, %iota3A : vector<16xi32>
        tpu.vector_store_idx %arg9[%broadcast_in_dim3A_1085, %add3A_1088], %add3A_1083 : memref<8x128xi32, #tpu.memory_space<vmem>>[vector<16xi32>, vector<16xi32>], vector<16xi32>,
        tpu.vector_store_idx %arg10[%broadcast_in_dim3A_1085, %add3A_1088], %get3A_1063 : memref<8x128xf32, #tpu.memory_space<vmem>>[vector<16xi32>, vector<16xi32>], vector<16xf32>,
        %get3A_1089 = arith.constant 576 : index
        %get3A_1090 = tpu.vector_load %arg7[%get3A_1089] {strides = array<i32>} : memref<1024xi32, #tpu.memory_space<vmem>>, vector<16xi32>,
        %get3A_1091 = arith.constant 576 : index
        %get3A_1092 = tpu.vector_load %arg8[%get3A_1091] {strides = array<i32>} : memref<1024xf32, #tpu.memory_space<vmem>>, vector<16xf32>,
        %shift_right_arithmetic3A_1093 = arith.constant 3 : i32
        %shift_right_arithmetic3A_1094 = vector.broadcast %shift_right_arithmetic3A_1093 : i32 to vector<16xi32>
        %shift_right_arithmetic3A_1095 = arith.shrsi %get3A_1090, %shift_right_arithmetic3A_1094 : vector<16xi32>
        %shift_left3A_1096 = arith.constant 13 : i32
        %shift_left3A_1097 = vector.broadcast %shift_left3A_1096 : i32 to vector<16xi32>
        %shift_left3A_1098 = arith.shli %shift_right_arithmetic3A_1095, %shift_left3A_1097 : vector<16xi32>
        %and3A_1099 = arith.constant 7 : i32
        %and3A_1100 = vector.broadcast %and3A_1099 : i32 to vector<16xi32>
        %and3A_1101 = arith.andi %get3A_1090, %and3A_1100 : vector<16xi32>
        %shift_left3A_1102 = arith.constant 7 : i32
        %shift_left3A_1103 = vector.broadcast %shift_left3A_1102 : i32 to vector<16xi32>
        %shift_left3A_1104 = arith.shli %and3A_1101, %shift_left3A_1103 : vector<16xi32>
        %add3A_1105 = arith.addi %shift_left3A_1098, %shift_left3A_1104 : vector<16xi32>
        %add3A_1106 = arith.constant 4096 : i32
        %add3A_1107 = arith.addi %mul3A_48, %add3A_1106 : i32
        %add3A_1108 = arith.constant 64 : i32
        %add3A_1109 = arith.addi %add3A_1107, %add3A_1108 : i32
        %add3A_1110 = vector.broadcast %add3A_1109 : i32 to vector<16xi32>
        %add3A_1111 = arith.addi %add3A_1105, %add3A_1110 : vector<16xi32>
        %add3A_1112 = arith.addi %add3A_1111, %iota3A : vector<16xi32>
        %broadcast_in_dim3A_1113 = arith.constant 4 : i32
        %broadcast_in_dim3A_1114 = vector.broadcast %broadcast_in_dim3A_1113 : i32 to vector<16xi32>
        %add3A_1115 = arith.constant 64 : i32
        %add3A_1116 = vector.broadcast %add3A_1115 : i32 to vector<16xi32>
        %add3A_1117 = arith.addi %add3A_1116, %iota3A : vector<16xi32>
        tpu.vector_store_idx %arg9[%broadcast_in_dim3A_1114, %add3A_1117], %add3A_1112 : memref<8x128xi32, #tpu.memory_space<vmem>>[vector<16xi32>, vector<16xi32>], vector<16xi32>,
        tpu.vector_store_idx %arg10[%broadcast_in_dim3A_1114, %add3A_1117], %get3A_1092 : memref<8x128xf32, #tpu.memory_space<vmem>>[vector<16xi32>, vector<16xi32>], vector<16xf32>,
        %get3A_1118 = arith.constant 592 : index
        %get3A_1119 = tpu.vector_load %arg7[%get3A_1118] {strides = array<i32>} : memref<1024xi32, #tpu.memory_space<vmem>>, vector<16xi32>,
        %get3A_1120 = arith.constant 592 : index
        %get3A_1121 = tpu.vector_load %arg8[%get3A_1120] {strides = array<i32>} : memref<1024xf32, #tpu.memory_space<vmem>>, vector<16xf32>,
        %shift_right_arithmetic3A_1122 = arith.constant 3 : i32
        %shift_right_arithmetic3A_1123 = vector.broadcast %shift_right_arithmetic3A_1122 : i32 to vector<16xi32>
        %shift_right_arithmetic3A_1124 = arith.shrsi %get3A_1119, %shift_right_arithmetic3A_1123 : vector<16xi32>
        %shift_left3A_1125 = arith.constant 13 : i32
        %shift_left3A_1126 = vector.broadcast %shift_left3A_1125 : i32 to vector<16xi32>
        %shift_left3A_1127 = arith.shli %shift_right_arithmetic3A_1124, %shift_left3A_1126 : vector<16xi32>
        %and3A_1128 = arith.constant 7 : i32
        %and3A_1129 = vector.broadcast %and3A_1128 : i32 to vector<16xi32>
        %and3A_1130 = arith.andi %get3A_1119, %and3A_1129 : vector<16xi32>
        %shift_left3A_1131 = arith.constant 7 : i32
        %shift_left3A_1132 = vector.broadcast %shift_left3A_1131 : i32 to vector<16xi32>
        %shift_left3A_1133 = arith.shli %and3A_1130, %shift_left3A_1132 : vector<16xi32>
        %add3A_1134 = arith.addi %shift_left3A_1127, %shift_left3A_1133 : vector<16xi32>
        %add3A_1135 = arith.constant 4096 : i32
        %add3A_1136 = arith.addi %mul3A_48, %add3A_1135 : i32
        %add3A_1137 = arith.constant 80 : i32
        %add3A_1138 = arith.addi %add3A_1136, %add3A_1137 : i32
        %add3A_1139 = vector.broadcast %add3A_1138 : i32 to vector<16xi32>
        %add3A_1140 = arith.addi %add3A_1134, %add3A_1139 : vector<16xi32>
        %add3A_1141 = arith.addi %add3A_1140, %iota3A : vector<16xi32>
        %broadcast_in_dim3A_1142 = arith.constant 4 : i32
        %broadcast_in_dim3A_1143 = vector.broadcast %broadcast_in_dim3A_1142 : i32 to vector<16xi32>
        %add3A_1144 = arith.constant 80 : i32
        %add3A_1145 = vector.broadcast %add3A_1144 : i32 to vector<16xi32>
        %add3A_1146 = arith.addi %add3A_1145, %iota3A : vector<16xi32>
        tpu.vector_store_idx %arg9[%broadcast_in_dim3A_1143, %add3A_1146], %add3A_1141 : memref<8x128xi32, #tpu.memory_space<vmem>>[vector<16xi32>, vector<16xi32>], vector<16xi32>,
        tpu.vector_store_idx %arg10[%broadcast_in_dim3A_1143, %add3A_1146], %get3A_1121 : memref<8x128xf32, #tpu.memory_space<vmem>>[vector<16xi32>, vector<16xi32>], vector<16xf32>,
        %get3A_1147 = arith.constant 608 : index
        %get3A_1148 = tpu.vector_load %arg7[%get3A_1147] {strides = array<i32>} : memref<1024xi32, #tpu.memory_space<vmem>>, vector<16xi32>,
        %get3A_1149 = arith.constant 608 : index
        %get3A_1150 = tpu.vector_load %arg8[%get3A_1149] {strides = array<i32>} : memref<1024xf32, #tpu.memory_space<vmem>>, vector<16xf32>,
        %shift_right_arithmetic3A_1151 = arith.constant 3 : i32
        %shift_right_arithmetic3A_1152 = vector.broadcast %shift_right_arithmetic3A_1151 : i32 to vector<16xi32>
        %shift_right_arithmetic3A_1153 = arith.shrsi %get3A_1148, %shift_right_arithmetic3A_1152 : vector<16xi32>
        %shift_left3A_1154 = arith.constant 13 : i32
        %shift_left3A_1155 = vector.broadcast %shift_left3A_1154 : i32 to vector<16xi32>
        %shift_left3A_1156 = arith.shli %shift_right_arithmetic3A_1153, %shift_left3A_1155 : vector<16xi32>
        %and3A_1157 = arith.constant 7 : i32
        %and3A_1158 = vector.broadcast %and3A_1157 : i32 to vector<16xi32>
        %and3A_1159 = arith.andi %get3A_1148, %and3A_1158 : vector<16xi32>
        %shift_left3A_1160 = arith.constant 7 : i32
        %shift_left3A_1161 = vector.broadcast %shift_left3A_1160 : i32 to vector<16xi32>
        %shift_left3A_1162 = arith.shli %and3A_1159, %shift_left3A_1161 : vector<16xi32>
        %add3A_1163 = arith.addi %shift_left3A_1156, %shift_left3A_1162 : vector<16xi32>
        %add3A_1164 = arith.constant 4096 : i32
        %add3A_1165 = arith.addi %mul3A_48, %add3A_1164 : i32
        %add3A_1166 = arith.constant 96 : i32
        %add3A_1167 = arith.addi %add3A_1165, %add3A_1166 : i32
        %add3A_1168 = vector.broadcast %add3A_1167 : i32 to vector<16xi32>
        %add3A_1169 = arith.addi %add3A_1163, %add3A_1168 : vector<16xi32>
        %add3A_1170 = arith.addi %add3A_1169, %iota3A : vector<16xi32>
        %broadcast_in_dim3A_1171 = arith.constant 4 : i32
        %broadcast_in_dim3A_1172 = vector.broadcast %broadcast_in_dim3A_1171 : i32 to vector<16xi32>
        %add3A_1173 = arith.constant 96 : i32
        %add3A_1174 = vector.broadcast %add3A_1173 : i32 to vector<16xi32>
        %add3A_1175 = arith.addi %add3A_1174, %iota3A : vector<16xi32>
        tpu.vector_store_idx %arg9[%broadcast_in_dim3A_1172, %add3A_1175], %add3A_1170 : memref<8x128xi32, #tpu.memory_space<vmem>>[vector<16xi32>, vector<16xi32>], vector<16xi32>,
        tpu.vector_store_idx %arg10[%broadcast_in_dim3A_1172, %add3A_1175], %get3A_1150 : memref<8x128xf32, #tpu.memory_space<vmem>>[vector<16xi32>, vector<16xi32>], vector<16xf32>,
        %get3A_1176 = arith.constant 624 : index
        %get3A_1177 = tpu.vector_load %arg7[%get3A_1176] {strides = array<i32>} : memref<1024xi32, #tpu.memory_space<vmem>>, vector<16xi32>,
        %get3A_1178 = arith.constant 624 : index
        %get3A_1179 = tpu.vector_load %arg8[%get3A_1178] {strides = array<i32>} : memref<1024xf32, #tpu.memory_space<vmem>>, vector<16xf32>,
        %shift_right_arithmetic3A_1180 = arith.constant 3 : i32
        %shift_right_arithmetic3A_1181 = vector.broadcast %shift_right_arithmetic3A_1180 : i32 to vector<16xi32>
        %shift_right_arithmetic3A_1182 = arith.shrsi %get3A_1177, %shift_right_arithmetic3A_1181 : vector<16xi32>
        %shift_left3A_1183 = arith.constant 13 : i32
        %shift_left3A_1184 = vector.broadcast %shift_left3A_1183 : i32 to vector<16xi32>
        %shift_left3A_1185 = arith.shli %shift_right_arithmetic3A_1182, %shift_left3A_1184 : vector<16xi32>
        %and3A_1186 = arith.constant 7 : i32
        %and3A_1187 = vector.broadcast %and3A_1186 : i32 to vector<16xi32>
        %and3A_1188 = arith.andi %get3A_1177, %and3A_1187 : vector<16xi32>
        %shift_left3A_1189 = arith.constant 7 : i32
        %shift_left3A_1190 = vector.broadcast %shift_left3A_1189 : i32 to vector<16xi32>
        %shift_left3A_1191 = arith.shli %and3A_1188, %shift_left3A_1190 : vector<16xi32>
        %add3A_1192 = arith.addi %shift_left3A_1185, %shift_left3A_1191 : vector<16xi32>
        %add3A_1193 = arith.constant 4096 : i32
        %add3A_1194 = arith.addi %mul3A_48, %add3A_1193 : i32
        %add3A_1195 = arith.constant 112 : i32
        %add3A_1196 = arith.addi %add3A_1194, %add3A_1195 : i32
        %add3A_1197 = vector.broadcast %add3A_1196 : i32 to vector<16xi32>
        %add3A_1198 = arith.addi %add3A_1192, %add3A_1197 : vector<16xi32>
        %add3A_1199 = arith.addi %add3A_1198, %iota3A : vector<16xi32>
        %broadcast_in_dim3A_1200 = arith.constant 4 : i32
        %broadcast_in_dim3A_1201 = vector.broadcast %broadcast_in_dim3A_1200 : i32 to vector<16xi32>
        %add3A_1202 = arith.constant 112 : i32
        %add3A_1203 = vector.broadcast %add3A_1202 : i32 to vector<16xi32>
        %add3A_1204 = arith.addi %add3A_1203, %iota3A : vector<16xi32>
        tpu.vector_store_idx %arg9[%broadcast_in_dim3A_1201, %add3A_1204], %add3A_1199 : memref<8x128xi32, #tpu.memory_space<vmem>>[vector<16xi32>, vector<16xi32>], vector<16xi32>,
        tpu.vector_store_idx %arg10[%broadcast_in_dim3A_1201, %add3A_1204], %get3A_1179 : memref<8x128xf32, #tpu.memory_space<vmem>>[vector<16xi32>, vector<16xi32>], vector<16xf32>,
        %get3A_1205 = arith.constant 640 : index
        %get3A_1206 = tpu.vector_load %arg7[%get3A_1205] {strides = array<i32>} : memref<1024xi32, #tpu.memory_space<vmem>>, vector<16xi32>,
        %get3A_1207 = arith.constant 640 : index
        %get3A_1208 = tpu.vector_load %arg8[%get3A_1207] {strides = array<i32>} : memref<1024xf32, #tpu.memory_space<vmem>>, vector<16xf32>,
        %shift_right_arithmetic3A_1209 = arith.constant 3 : i32
        %shift_right_arithmetic3A_1210 = vector.broadcast %shift_right_arithmetic3A_1209 : i32 to vector<16xi32>
        %shift_right_arithmetic3A_1211 = arith.shrsi %get3A_1206, %shift_right_arithmetic3A_1210 : vector<16xi32>
        %shift_left3A_1212 = arith.constant 13 : i32
        %shift_left3A_1213 = vector.broadcast %shift_left3A_1212 : i32 to vector<16xi32>
        %shift_left3A_1214 = arith.shli %shift_right_arithmetic3A_1211, %shift_left3A_1213 : vector<16xi32>
        %and3A_1215 = arith.constant 7 : i32
        %and3A_1216 = vector.broadcast %and3A_1215 : i32 to vector<16xi32>
        %and3A_1217 = arith.andi %get3A_1206, %and3A_1216 : vector<16xi32>
        %shift_left3A_1218 = arith.constant 7 : i32
        %shift_left3A_1219 = vector.broadcast %shift_left3A_1218 : i32 to vector<16xi32>
        %shift_left3A_1220 = arith.shli %and3A_1217, %shift_left3A_1219 : vector<16xi32>
        %add3A_1221 = arith.addi %shift_left3A_1214, %shift_left3A_1220 : vector<16xi32>
        %add3A_1222 = arith.constant 5120 : i32
        %add3A_1223 = arith.addi %mul3A_48, %add3A_1222 : i32
        %add3A_1224 = arith.constant 0 : i32
        %add3A_1225 = arith.addi %add3A_1223, %add3A_1224 : i32
        %add3A_1226 = vector.broadcast %add3A_1225 : i32 to vector<16xi32>
        %add3A_1227 = arith.addi %add3A_1221, %add3A_1226 : vector<16xi32>
        %add3A_1228 = arith.addi %add3A_1227, %iota3A : vector<16xi32>
        %broadcast_in_dim3A_1229 = arith.constant 5 : i32
        %broadcast_in_dim3A_1230 = vector.broadcast %broadcast_in_dim3A_1229 : i32 to vector<16xi32>
        %add3A_1231 = arith.constant 0 : i32
        %add3A_1232 = vector.broadcast %add3A_1231 : i32 to vector<16xi32>
        %add3A_1233 = arith.addi %add3A_1232, %iota3A : vector<16xi32>
        tpu.vector_store_idx %arg9[%broadcast_in_dim3A_1230, %add3A_1233], %add3A_1228 : memref<8x128xi32, #tpu.memory_space<vmem>>[vector<16xi32>, vector<16xi32>], vector<16xi32>,
        tpu.vector_store_idx %arg10[%broadcast_in_dim3A_1230, %add3A_1233], %get3A_1208 : memref<8x128xf32, #tpu.memory_space<vmem>>[vector<16xi32>, vector<16xi32>], vector<16xf32>,
        %get3A_1234 = arith.constant 656 : index
        %get3A_1235 = tpu.vector_load %arg7[%get3A_1234] {strides = array<i32>} : memref<1024xi32, #tpu.memory_space<vmem>>, vector<16xi32>,
        %get3A_1236 = arith.constant 656 : index
        %get3A_1237 = tpu.vector_load %arg8[%get3A_1236] {strides = array<i32>} : memref<1024xf32, #tpu.memory_space<vmem>>, vector<16xf32>,
        %shift_right_arithmetic3A_1238 = arith.constant 3 : i32
        %shift_right_arithmetic3A_1239 = vector.broadcast %shift_right_arithmetic3A_1238 : i32 to vector<16xi32>
        %shift_right_arithmetic3A_1240 = arith.shrsi %get3A_1235, %shift_right_arithmetic3A_1239 : vector<16xi32>
        %shift_left3A_1241 = arith.constant 13 : i32
        %shift_left3A_1242 = vector.broadcast %shift_left3A_1241 : i32 to vector<16xi32>
        %shift_left3A_1243 = arith.shli %shift_right_arithmetic3A_1240, %shift_left3A_1242 : vector<16xi32>
        %and3A_1244 = arith.constant 7 : i32
        %and3A_1245 = vector.broadcast %and3A_1244 : i32 to vector<16xi32>
        %and3A_1246 = arith.andi %get3A_1235, %and3A_1245 : vector<16xi32>
        %shift_left3A_1247 = arith.constant 7 : i32
        %shift_left3A_1248 = vector.broadcast %shift_left3A_1247 : i32 to vector<16xi32>
        %shift_left3A_1249 = arith.shli %and3A_1246, %shift_left3A_1248 : vector<16xi32>
        %add3A_1250 = arith.addi %shift_left3A_1243, %shift_left3A_1249 : vector<16xi32>
        %add3A_1251 = arith.constant 5120 : i32
        %add3A_1252 = arith.addi %mul3A_48, %add3A_1251 : i32
        %add3A_1253 = arith.constant 16 : i32
        %add3A_1254 = arith.addi %add3A_1252, %add3A_1253 : i32
        %add3A_1255 = vector.broadcast %add3A_1254 : i32 to vector<16xi32>
        %add3A_1256 = arith.addi %add3A_1250, %add3A_1255 : vector<16xi32>
        %add3A_1257 = arith.addi %add3A_1256, %iota3A : vector<16xi32>
        %broadcast_in_dim3A_1258 = arith.constant 5 : i32
        %broadcast_in_dim3A_1259 = vector.broadcast %broadcast_in_dim3A_1258 : i32 to vector<16xi32>
        %add3A_1260 = arith.constant 16 : i32
        %add3A_1261 = vector.broadcast %add3A_1260 : i32 to vector<16xi32>
        %add3A_1262 = arith.addi %add3A_1261, %iota3A : vector<16xi32>
        tpu.vector_store_idx %arg9[%broadcast_in_dim3A_1259, %add3A_1262], %add3A_1257 : memref<8x128xi32, #tpu.memory_space<vmem>>[vector<16xi32>, vector<16xi32>], vector<16xi32>,
        tpu.vector_store_idx %arg10[%broadcast_in_dim3A_1259, %add3A_1262], %get3A_1237 : memref<8x128xf32, #tpu.memory_space<vmem>>[vector<16xi32>, vector<16xi32>], vector<16xf32>,
        %get3A_1263 = arith.constant 672 : index
        %get3A_1264 = tpu.vector_load %arg7[%get3A_1263] {strides = array<i32>} : memref<1024xi32, #tpu.memory_space<vmem>>, vector<16xi32>,
        %get3A_1265 = arith.constant 672 : index
        %get3A_1266 = tpu.vector_load %arg8[%get3A_1265] {strides = array<i32>} : memref<1024xf32, #tpu.memory_space<vmem>>, vector<16xf32>,
        %shift_right_arithmetic3A_1267 = arith.constant 3 : i32
        %shift_right_arithmetic3A_1268 = vector.broadcast %shift_right_arithmetic3A_1267 : i32 to vector<16xi32>
        %shift_right_arithmetic3A_1269 = arith.shrsi %get3A_1264, %shift_right_arithmetic3A_1268 : vector<16xi32>
        %shift_left3A_1270 = arith.constant 13 : i32
        %shift_left3A_1271 = vector.broadcast %shift_left3A_1270 : i32 to vector<16xi32>
        %shift_left3A_1272 = arith.shli %shift_right_arithmetic3A_1269, %shift_left3A_1271 : vector<16xi32>
        %and3A_1273 = arith.constant 7 : i32
        %and3A_1274 = vector.broadcast %and3A_1273 : i32 to vector<16xi32>
        %and3A_1275 = arith.andi %get3A_1264, %and3A_1274 : vector<16xi32>
        %shift_left3A_1276 = arith.constant 7 : i32
        %shift_left3A_1277 = vector.broadcast %shift_left3A_1276 : i32 to vector<16xi32>
        %shift_left3A_1278 = arith.shli %and3A_1275, %shift_left3A_1277 : vector<16xi32>
        %add3A_1279 = arith.addi %shift_left3A_1272, %shift_left3A_1278 : vector<16xi32>
        %add3A_1280 = arith.constant 5120 : i32
        %add3A_1281 = arith.addi %mul3A_48, %add3A_1280 : i32
        %add3A_1282 = arith.constant 32 : i32
        %add3A_1283 = arith.addi %add3A_1281, %add3A_1282 : i32
        %add3A_1284 = vector.broadcast %add3A_1283 : i32 to vector<16xi32>
        %add3A_1285 = arith.addi %add3A_1279, %add3A_1284 : vector<16xi32>
        %add3A_1286 = arith.addi %add3A_1285, %iota3A : vector<16xi32>
        %broadcast_in_dim3A_1287 = arith.constant 5 : i32
        %broadcast_in_dim3A_1288 = vector.broadcast %broadcast_in_dim3A_1287 : i32 to vector<16xi32>
        %add3A_1289 = arith.constant 32 : i32
        %add3A_1290 = vector.broadcast %add3A_1289 : i32 to vector<16xi32>
        %add3A_1291 = arith.addi %add3A_1290, %iota3A : vector<16xi32>
        tpu.vector_store_idx %arg9[%broadcast_in_dim3A_1288, %add3A_1291], %add3A_1286 : memref<8x128xi32, #tpu.memory_space<vmem>>[vector<16xi32>, vector<16xi32>], vector<16xi32>,
        tpu.vector_store_idx %arg10[%broadcast_in_dim3A_1288, %add3A_1291], %get3A_1266 : memref<8x128xf32, #tpu.memory_space<vmem>>[vector<16xi32>, vector<16xi32>], vector<16xf32>,
        %get3A_1292 = arith.constant 688 : index
        %get3A_1293 = tpu.vector_load %arg7[%get3A_1292] {strides = array<i32>} : memref<1024xi32, #tpu.memory_space<vmem>>, vector<16xi32>,
        %get3A_1294 = arith.constant 688 : index
        %get3A_1295 = tpu.vector_load %arg8[%get3A_1294] {strides = array<i32>} : memref<1024xf32, #tpu.memory_space<vmem>>, vector<16xf32>,
        %shift_right_arithmetic3A_1296 = arith.constant 3 : i32
        %shift_right_arithmetic3A_1297 = vector.broadcast %shift_right_arithmetic3A_1296 : i32 to vector<16xi32>
        %shift_right_arithmetic3A_1298 = arith.shrsi %get3A_1293, %shift_right_arithmetic3A_1297 : vector<16xi32>
        %shift_left3A_1299 = arith.constant 13 : i32
        %shift_left3A_1300 = vector.broadcast %shift_left3A_1299 : i32 to vector<16xi32>
        %shift_left3A_1301 = arith.shli %shift_right_arithmetic3A_1298, %shift_left3A_1300 : vector<16xi32>
        %and3A_1302 = arith.constant 7 : i32
        %and3A_1303 = vector.broadcast %and3A_1302 : i32 to vector<16xi32>
        %and3A_1304 = arith.andi %get3A_1293, %and3A_1303 : vector<16xi32>
        %shift_left3A_1305 = arith.constant 7 : i32
        %shift_left3A_1306 = vector.broadcast %shift_left3A_1305 : i32 to vector<16xi32>
        %shift_left3A_1307 = arith.shli %and3A_1304, %shift_left3A_1306 : vector<16xi32>
        %add3A_1308 = arith.addi %shift_left3A_1301, %shift_left3A_1307 : vector<16xi32>
        %add3A_1309 = arith.constant 5120 : i32
        %add3A_1310 = arith.addi %mul3A_48, %add3A_1309 : i32
        %add3A_1311 = arith.constant 48 : i32
        %add3A_1312 = arith.addi %add3A_1310, %add3A_1311 : i32
        %add3A_1313 = vector.broadcast %add3A_1312 : i32 to vector<16xi32>
        %add3A_1314 = arith.addi %add3A_1308, %add3A_1313 : vector<16xi32>
        %add3A_1315 = arith.addi %add3A_1314, %iota3A : vector<16xi32>
        %broadcast_in_dim3A_1316 = arith.constant 5 : i32
        %broadcast_in_dim3A_1317 = vector.broadcast %broadcast_in_dim3A_1316 : i32 to vector<16xi32>
        %add3A_1318 = arith.constant 48 : i32
        %add3A_1319 = vector.broadcast %add3A_1318 : i32 to vector<16xi32>
        %add3A_1320 = arith.addi %add3A_1319, %iota3A : vector<16xi32>
        tpu.vector_store_idx %arg9[%broadcast_in_dim3A_1317, %add3A_1320], %add3A_1315 : memref<8x128xi32, #tpu.memory_space<vmem>>[vector<16xi32>, vector<16xi32>], vector<16xi32>,
        tpu.vector_store_idx %arg10[%broadcast_in_dim3A_1317, %add3A_1320], %get3A_1295 : memref<8x128xf32, #tpu.memory_space<vmem>>[vector<16xi32>, vector<16xi32>], vector<16xf32>,
        %get3A_1321 = arith.constant 704 : index
        %get3A_1322 = tpu.vector_load %arg7[%get3A_1321] {strides = array<i32>} : memref<1024xi32, #tpu.memory_space<vmem>>, vector<16xi32>,
        %get3A_1323 = arith.constant 704 : index
        %get3A_1324 = tpu.vector_load %arg8[%get3A_1323] {strides = array<i32>} : memref<1024xf32, #tpu.memory_space<vmem>>, vector<16xf32>,
        %shift_right_arithmetic3A_1325 = arith.constant 3 : i32
        %shift_right_arithmetic3A_1326 = vector.broadcast %shift_right_arithmetic3A_1325 : i32 to vector<16xi32>
        %shift_right_arithmetic3A_1327 = arith.shrsi %get3A_1322, %shift_right_arithmetic3A_1326 : vector<16xi32>
        %shift_left3A_1328 = arith.constant 13 : i32
        %shift_left3A_1329 = vector.broadcast %shift_left3A_1328 : i32 to vector<16xi32>
        %shift_left3A_1330 = arith.shli %shift_right_arithmetic3A_1327, %shift_left3A_1329 : vector<16xi32>
        %and3A_1331 = arith.constant 7 : i32
        %and3A_1332 = vector.broadcast %and3A_1331 : i32 to vector<16xi32>
        %and3A_1333 = arith.andi %get3A_1322, %and3A_1332 : vector<16xi32>
        %shift_left3A_1334 = arith.constant 7 : i32
        %shift_left3A_1335 = vector.broadcast %shift_left3A_1334 : i32 to vector<16xi32>
        %shift_left3A_1336 = arith.shli %and3A_1333, %shift_left3A_1335 : vector<16xi32>
        %add3A_1337 = arith.addi %shift_left3A_1330, %shift_left3A_1336 : vector<16xi32>
        %add3A_1338 = arith.constant 5120 : i32
        %add3A_1339 = arith.addi %mul3A_48, %add3A_1338 : i32
        %add3A_1340 = arith.constant 64 : i32
        %add3A_1341 = arith.addi %add3A_1339, %add3A_1340 : i32
        %add3A_1342 = vector.broadcast %add3A_1341 : i32 to vector<16xi32>
        %add3A_1343 = arith.addi %add3A_1337, %add3A_1342 : vector<16xi32>
        %add3A_1344 = arith.addi %add3A_1343, %iota3A : vector<16xi32>
        %broadcast_in_dim3A_1345 = arith.constant 5 : i32
        %broadcast_in_dim3A_1346 = vector.broadcast %broadcast_in_dim3A_1345 : i32 to vector<16xi32>
        %add3A_1347 = arith.constant 64 : i32
        %add3A_1348 = vector.broadcast %add3A_1347 : i32 to vector<16xi32>
        %add3A_1349 = arith.addi %add3A_1348, %iota3A : vector<16xi32>
        tpu.vector_store_idx %arg9[%broadcast_in_dim3A_1346, %add3A_1349], %add3A_1344 : memref<8x128xi32, #tpu.memory_space<vmem>>[vector<16xi32>, vector<16xi32>], vector<16xi32>,
        tpu.vector_store_idx %arg10[%broadcast_in_dim3A_1346, %add3A_1349], %get3A_1324 : memref<8x128xf32, #tpu.memory_space<vmem>>[vector<16xi32>, vector<16xi32>], vector<16xf32>,
        %get3A_1350 = arith.constant 720 : index
        %get3A_1351 = tpu.vector_load %arg7[%get3A_1350] {strides = array<i32>} : memref<1024xi32, #tpu.memory_space<vmem>>, vector<16xi32>,
        %get3A_1352 = arith.constant 720 : index
        %get3A_1353 = tpu.vector_load %arg8[%get3A_1352] {strides = array<i32>} : memref<1024xf32, #tpu.memory_space<vmem>>, vector<16xf32>,
        %shift_right_arithmetic3A_1354 = arith.constant 3 : i32
        %shift_right_arithmetic3A_1355 = vector.broadcast %shift_right_arithmetic3A_1354 : i32 to vector<16xi32>
        %shift_right_arithmetic3A_1356 = arith.shrsi %get3A_1351, %shift_right_arithmetic3A_1355 : vector<16xi32>
        %shift_left3A_1357 = arith.constant 13 : i32
        %shift_left3A_1358 = vector.broadcast %shift_left3A_1357 : i32 to vector<16xi32>
        %shift_left3A_1359 = arith.shli %shift_right_arithmetic3A_1356, %shift_left3A_1358 : vector<16xi32>
        %and3A_1360 = arith.constant 7 : i32
        %and3A_1361 = vector.broadcast %and3A_1360 : i32 to vector<16xi32>
        %and3A_1362 = arith.andi %get3A_1351, %and3A_1361 : vector<16xi32>
        %shift_left3A_1363 = arith.constant 7 : i32
        %shift_left3A_1364 = vector.broadcast %shift_left3A_1363 : i32 to vector<16xi32>
        %shift_left3A_1365 = arith.shli %and3A_1362, %shift_left3A_1364 : vector<16xi32>
        %add3A_1366 = arith.addi %shift_left3A_1359, %shift_left3A_1365 : vector<16xi32>
        %add3A_1367 = arith.constant 5120 : i32
        %add3A_1368 = arith.addi %mul3A_48, %add3A_1367 : i32
        %add3A_1369 = arith.constant 80 : i32
        %add3A_1370 = arith.addi %add3A_1368, %add3A_1369 : i32
        %add3A_1371 = vector.broadcast %add3A_1370 : i32 to vector<16xi32>
        %add3A_1372 = arith.addi %add3A_1366, %add3A_1371 : vector<16xi32>
        %add3A_1373 = arith.addi %add3A_1372, %iota3A : vector<16xi32>
        %broadcast_in_dim3A_1374 = arith.constant 5 : i32
        %broadcast_in_dim3A_1375 = vector.broadcast %broadcast_in_dim3A_1374 : i32 to vector<16xi32>
        %add3A_1376 = arith.constant 80 : i32
        %add3A_1377 = vector.broadcast %add3A_1376 : i32 to vector<16xi32>
        %add3A_1378 = arith.addi %add3A_1377, %iota3A : vector<16xi32>
        tpu.vector_store_idx %arg9[%broadcast_in_dim3A_1375, %add3A_1378], %add3A_1373 : memref<8x128xi32, #tpu.memory_space<vmem>>[vector<16xi32>, vector<16xi32>], vector<16xi32>,
        tpu.vector_store_idx %arg10[%broadcast_in_dim3A_1375, %add3A_1378], %get3A_1353 : memref<8x128xf32, #tpu.memory_space<vmem>>[vector<16xi32>, vector<16xi32>], vector<16xf32>,
        %get3A_1379 = arith.constant 736 : index
        %get3A_1380 = tpu.vector_load %arg7[%get3A_1379] {strides = array<i32>} : memref<1024xi32, #tpu.memory_space<vmem>>, vector<16xi32>,
        %get3A_1381 = arith.constant 736 : index
        %get3A_1382 = tpu.vector_load %arg8[%get3A_1381] {strides = array<i32>} : memref<1024xf32, #tpu.memory_space<vmem>>, vector<16xf32>,
        %shift_right_arithmetic3A_1383 = arith.constant 3 : i32
        %shift_right_arithmetic3A_1384 = vector.broadcast %shift_right_arithmetic3A_1383 : i32 to vector<16xi32>
        %shift_right_arithmetic3A_1385 = arith.shrsi %get3A_1380, %shift_right_arithmetic3A_1384 : vector<16xi32>
        %shift_left3A_1386 = arith.constant 13 : i32
        %shift_left3A_1387 = vector.broadcast %shift_left3A_1386 : i32 to vector<16xi32>
        %shift_left3A_1388 = arith.shli %shift_right_arithmetic3A_1385, %shift_left3A_1387 : vector<16xi32>
        %and3A_1389 = arith.constant 7 : i32
        %and3A_1390 = vector.broadcast %and3A_1389 : i32 to vector<16xi32>
        %and3A_1391 = arith.andi %get3A_1380, %and3A_1390 : vector<16xi32>
        %shift_left3A_1392 = arith.constant 7 : i32
        %shift_left3A_1393 = vector.broadcast %shift_left3A_1392 : i32 to vector<16xi32>
        %shift_left3A_1394 = arith.shli %and3A_1391, %shift_left3A_1393 : vector<16xi32>
        %add3A_1395 = arith.addi %shift_left3A_1388, %shift_left3A_1394 : vector<16xi32>
        %add3A_1396 = arith.constant 5120 : i32
        %add3A_1397 = arith.addi %mul3A_48, %add3A_1396 : i32
        %add3A_1398 = arith.constant 96 : i32
        %add3A_1399 = arith.addi %add3A_1397, %add3A_1398 : i32
        %add3A_1400 = vector.broadcast %add3A_1399 : i32 to vector<16xi32>
        %add3A_1401 = arith.addi %add3A_1395, %add3A_1400 : vector<16xi32>
        %add3A_1402 = arith.addi %add3A_1401, %iota3A : vector<16xi32>
        %broadcast_in_dim3A_1403 = arith.constant 5 : i32
        %broadcast_in_dim3A_1404 = vector.broadcast %broadcast_in_dim3A_1403 : i32 to vector<16xi32>
        %add3A_1405 = arith.constant 96 : i32
        %add3A_1406 = vector.broadcast %add3A_1405 : i32 to vector<16xi32>
        %add3A_1407 = arith.addi %add3A_1406, %iota3A : vector<16xi32>
        tpu.vector_store_idx %arg9[%broadcast_in_dim3A_1404, %add3A_1407], %add3A_1402 : memref<8x128xi32, #tpu.memory_space<vmem>>[vector<16xi32>, vector<16xi32>], vector<16xi32>,
        tpu.vector_store_idx %arg10[%broadcast_in_dim3A_1404, %add3A_1407], %get3A_1382 : memref<8x128xf32, #tpu.memory_space<vmem>>[vector<16xi32>, vector<16xi32>], vector<16xf32>,
        %get3A_1408 = arith.constant 752 : index
        %get3A_1409 = tpu.vector_load %arg7[%get3A_1408] {strides = array<i32>} : memref<1024xi32, #tpu.memory_space<vmem>>, vector<16xi32>,
        %get3A_1410 = arith.constant 752 : index
        %get3A_1411 = tpu.vector_load %arg8[%get3A_1410] {strides = array<i32>} : memref<1024xf32, #tpu.memory_space<vmem>>, vector<16xf32>,
        %shift_right_arithmetic3A_1412 = arith.constant 3 : i32
        %shift_right_arithmetic3A_1413 = vector.broadcast %shift_right_arithmetic3A_1412 : i32 to vector<16xi32>
        %shift_right_arithmetic3A_1414 = arith.shrsi %get3A_1409, %shift_right_arithmetic3A_1413 : vector<16xi32>
        %shift_left3A_1415 = arith.constant 13 : i32
        %shift_left3A_1416 = vector.broadcast %shift_left3A_1415 : i32 to vector<16xi32>
        %shift_left3A_1417 = arith.shli %shift_right_arithmetic3A_1414, %shift_left3A_1416 : vector<16xi32>
        %and3A_1418 = arith.constant 7 : i32
        %and3A_1419 = vector.broadcast %and3A_1418 : i32 to vector<16xi32>
        %and3A_1420 = arith.andi %get3A_1409, %and3A_1419 : vector<16xi32>
        %shift_left3A_1421 = arith.constant 7 : i32
        %shift_left3A_1422 = vector.broadcast %shift_left3A_1421 : i32 to vector<16xi32>
        %shift_left3A_1423 = arith.shli %and3A_1420, %shift_left3A_1422 : vector<16xi32>
        %add3A_1424 = arith.addi %shift_left3A_1417, %shift_left3A_1423 : vector<16xi32>
        %add3A_1425 = arith.constant 5120 : i32
        %add3A_1426 = arith.addi %mul3A_48, %add3A_1425 : i32
        %add3A_1427 = arith.constant 112 : i32
        %add3A_1428 = arith.addi %add3A_1426, %add3A_1427 : i32
        %add3A_1429 = vector.broadcast %add3A_1428 : i32 to vector<16xi32>
        %add3A_1430 = arith.addi %add3A_1424, %add3A_1429 : vector<16xi32>
        %add3A_1431 = arith.addi %add3A_1430, %iota3A : vector<16xi32>
        %broadcast_in_dim3A_1432 = arith.constant 5 : i32
        %broadcast_in_dim3A_1433 = vector.broadcast %broadcast_in_dim3A_1432 : i32 to vector<16xi32>
        %add3A_1434 = arith.constant 112 : i32
        %add3A_1435 = vector.broadcast %add3A_1434 : i32 to vector<16xi32>
        %add3A_1436 = arith.addi %add3A_1435, %iota3A : vector<16xi32>
        tpu.vector_store_idx %arg9[%broadcast_in_dim3A_1433, %add3A_1436], %add3A_1431 : memref<8x128xi32, #tpu.memory_space<vmem>>[vector<16xi32>, vector<16xi32>], vector<16xi32>,
        tpu.vector_store_idx %arg10[%broadcast_in_dim3A_1433, %add3A_1436], %get3A_1411 : memref<8x128xf32, #tpu.memory_space<vmem>>[vector<16xi32>, vector<16xi32>], vector<16xf32>,
        %get3A_1437 = arith.constant 768 : index
        %get3A_1438 = tpu.vector_load %arg7[%get3A_1437] {strides = array<i32>} : memref<1024xi32, #tpu.memory_space<vmem>>, vector<16xi32>,
        %get3A_1439 = arith.constant 768 : index
        %get3A_1440 = tpu.vector_load %arg8[%get3A_1439] {strides = array<i32>} : memref<1024xf32, #tpu.memory_space<vmem>>, vector<16xf32>,
        %shift_right_arithmetic3A_1441 = arith.constant 3 : i32
        %shift_right_arithmetic3A_1442 = vector.broadcast %shift_right_arithmetic3A_1441 : i32 to vector<16xi32>
        %shift_right_arithmetic3A_1443 = arith.shrsi %get3A_1438, %shift_right_arithmetic3A_1442 : vector<16xi32>
        %shift_left3A_1444 = arith.constant 13 : i32
        %shift_left3A_1445 = vector.broadcast %shift_left3A_1444 : i32 to vector<16xi32>
        %shift_left3A_1446 = arith.shli %shift_right_arithmetic3A_1443, %shift_left3A_1445 : vector<16xi32>
        %and3A_1447 = arith.constant 7 : i32
        %and3A_1448 = vector.broadcast %and3A_1447 : i32 to vector<16xi32>
        %and3A_1449 = arith.andi %get3A_1438, %and3A_1448 : vector<16xi32>
        %shift_left3A_1450 = arith.constant 7 : i32
        %shift_left3A_1451 = vector.broadcast %shift_left3A_1450 : i32 to vector<16xi32>
        %shift_left3A_1452 = arith.shli %and3A_1449, %shift_left3A_1451 : vector<16xi32>
        %add3A_1453 = arith.addi %shift_left3A_1446, %shift_left3A_1452 : vector<16xi32>
        %add3A_1454 = arith.constant 6144 : i32
        %add3A_1455 = arith.addi %mul3A_48, %add3A_1454 : i32
        %add3A_1456 = arith.constant 0 : i32
        %add3A_1457 = arith.addi %add3A_1455, %add3A_1456 : i32
        %add3A_1458 = vector.broadcast %add3A_1457 : i32 to vector<16xi32>
        %add3A_1459 = arith.addi %add3A_1453, %add3A_1458 : vector<16xi32>
        %add3A_1460 = arith.addi %add3A_1459, %iota3A : vector<16xi32>
        %broadcast_in_dim3A_1461 = arith.constant 6 : i32
        %broadcast_in_dim3A_1462 = vector.broadcast %broadcast_in_dim3A_1461 : i32 to vector<16xi32>
        %add3A_1463 = arith.constant 0 : i32
        %add3A_1464 = vector.broadcast %add3A_1463 : i32 to vector<16xi32>
        %add3A_1465 = arith.addi %add3A_1464, %iota3A : vector<16xi32>
        tpu.vector_store_idx %arg9[%broadcast_in_dim3A_1462, %add3A_1465], %add3A_1460 : memref<8x128xi32, #tpu.memory_space<vmem>>[vector<16xi32>, vector<16xi32>], vector<16xi32>,
        tpu.vector_store_idx %arg10[%broadcast_in_dim3A_1462, %add3A_1465], %get3A_1440 : memref<8x128xf32, #tpu.memory_space<vmem>>[vector<16xi32>, vector<16xi32>], vector<16xf32>,
        %get3A_1466 = arith.constant 784 : index
        %get3A_1467 = tpu.vector_load %arg7[%get3A_1466] {strides = array<i32>} : memref<1024xi32, #tpu.memory_space<vmem>>, vector<16xi32>,
        %get3A_1468 = arith.constant 784 : index
        %get3A_1469 = tpu.vector_load %arg8[%get3A_1468] {strides = array<i32>} : memref<1024xf32, #tpu.memory_space<vmem>>, vector<16xf32>,
        %shift_right_arithmetic3A_1470 = arith.constant 3 : i32
        %shift_right_arithmetic3A_1471 = vector.broadcast %shift_right_arithmetic3A_1470 : i32 to vector<16xi32>
        %shift_right_arithmetic3A_1472 = arith.shrsi %get3A_1467, %shift_right_arithmetic3A_1471 : vector<16xi32>
        %shift_left3A_1473 = arith.constant 13 : i32
        %shift_left3A_1474 = vector.broadcast %shift_left3A_1473 : i32 to vector<16xi32>
        %shift_left3A_1475 = arith.shli %shift_right_arithmetic3A_1472, %shift_left3A_1474 : vector<16xi32>
        %and3A_1476 = arith.constant 7 : i32
        %and3A_1477 = vector.broadcast %and3A_1476 : i32 to vector<16xi32>
        %and3A_1478 = arith.andi %get3A_1467, %and3A_1477 : vector<16xi32>
        %shift_left3A_1479 = arith.constant 7 : i32
        %shift_left3A_1480 = vector.broadcast %shift_left3A_1479 : i32 to vector<16xi32>
        %shift_left3A_1481 = arith.shli %and3A_1478, %shift_left3A_1480 : vector<16xi32>
        %add3A_1482 = arith.addi %shift_left3A_1475, %shift_left3A_1481 : vector<16xi32>
        %add3A_1483 = arith.constant 6144 : i32
        %add3A_1484 = arith.addi %mul3A_48, %add3A_1483 : i32
        %add3A_1485 = arith.constant 16 : i32
        %add3A_1486 = arith.addi %add3A_1484, %add3A_1485 : i32
        %add3A_1487 = vector.broadcast %add3A_1486 : i32 to vector<16xi32>
        %add3A_1488 = arith.addi %add3A_1482, %add3A_1487 : vector<16xi32>
        %add3A_1489 = arith.addi %add3A_1488, %iota3A : vector<16xi32>
        %broadcast_in_dim3A_1490 = arith.constant 6 : i32
        %broadcast_in_dim3A_1491 = vector.broadcast %broadcast_in_dim3A_1490 : i32 to vector<16xi32>
        %add3A_1492 = arith.constant 16 : i32
        %add3A_1493 = vector.broadcast %add3A_1492 : i32 to vector<16xi32>
        %add3A_1494 = arith.addi %add3A_1493, %iota3A : vector<16xi32>
        tpu.vector_store_idx %arg9[%broadcast_in_dim3A_1491, %add3A_1494], %add3A_1489 : memref<8x128xi32, #tpu.memory_space<vmem>>[vector<16xi32>, vector<16xi32>], vector<16xi32>,
        tpu.vector_store_idx %arg10[%broadcast_in_dim3A_1491, %add3A_1494], %get3A_1469 : memref<8x128xf32, #tpu.memory_space<vmem>>[vector<16xi32>, vector<16xi32>], vector<16xf32>,
        %get3A_1495 = arith.constant 800 : index
        %get3A_1496 = tpu.vector_load %arg7[%get3A_1495] {strides = array<i32>} : memref<1024xi32, #tpu.memory_space<vmem>>, vector<16xi32>,
        %get3A_1497 = arith.constant 800 : index
        %get3A_1498 = tpu.vector_load %arg8[%get3A_1497] {strides = array<i32>} : memref<1024xf32, #tpu.memory_space<vmem>>, vector<16xf32>,
        %shift_right_arithmetic3A_1499 = arith.constant 3 : i32
        %shift_right_arithmetic3A_1500 = vector.broadcast %shift_right_arithmetic3A_1499 : i32 to vector<16xi32>
        %shift_right_arithmetic3A_1501 = arith.shrsi %get3A_1496, %shift_right_arithmetic3A_1500 : vector<16xi32>
        %shift_left3A_1502 = arith.constant 13 : i32
        %shift_left3A_1503 = vector.broadcast %shift_left3A_1502 : i32 to vector<16xi32>
        %shift_left3A_1504 = arith.shli %shift_right_arithmetic3A_1501, %shift_left3A_1503 : vector<16xi32>
        %and3A_1505 = arith.constant 7 : i32
        %and3A_1506 = vector.broadcast %and3A_1505 : i32 to vector<16xi32>
        %and3A_1507 = arith.andi %get3A_1496, %and3A_1506 : vector<16xi32>
        %shift_left3A_1508 = arith.constant 7 : i32
        %shift_left3A_1509 = vector.broadcast %shift_left3A_1508 : i32 to vector<16xi32>
        %shift_left3A_1510 = arith.shli %and3A_1507, %shift_left3A_1509 : vector<16xi32>
        %add3A_1511 = arith.addi %shift_left3A_1504, %shift_left3A_1510 : vector<16xi32>
        %add3A_1512 = arith.constant 6144 : i32
        %add3A_1513 = arith.addi %mul3A_48, %add3A_1512 : i32
        %add3A_1514 = arith.constant 32 : i32
        %add3A_1515 = arith.addi %add3A_1513, %add3A_1514 : i32
        %add3A_1516 = vector.broadcast %add3A_1515 : i32 to vector<16xi32>
        %add3A_1517 = arith.addi %add3A_1511, %add3A_1516 : vector<16xi32>
        %add3A_1518 = arith.addi %add3A_1517, %iota3A : vector<16xi32>
        %broadcast_in_dim3A_1519 = arith.constant 6 : i32
        %broadcast_in_dim3A_1520 = vector.broadcast %broadcast_in_dim3A_1519 : i32 to vector<16xi32>
        %add3A_1521 = arith.constant 32 : i32
        %add3A_1522 = vector.broadcast %add3A_1521 : i32 to vector<16xi32>
        %add3A_1523 = arith.addi %add3A_1522, %iota3A : vector<16xi32>
        tpu.vector_store_idx %arg9[%broadcast_in_dim3A_1520, %add3A_1523], %add3A_1518 : memref<8x128xi32, #tpu.memory_space<vmem>>[vector<16xi32>, vector<16xi32>], vector<16xi32>,
        tpu.vector_store_idx %arg10[%broadcast_in_dim3A_1520, %add3A_1523], %get3A_1498 : memref<8x128xf32, #tpu.memory_space<vmem>>[vector<16xi32>, vector<16xi32>], vector<16xf32>,
        %get3A_1524 = arith.constant 816 : index
        %get3A_1525 = tpu.vector_load %arg7[%get3A_1524] {strides = array<i32>} : memref<1024xi32, #tpu.memory_space<vmem>>, vector<16xi32>,
        %get3A_1526 = arith.constant 816 : index
        %get3A_1527 = tpu.vector_load %arg8[%get3A_1526] {strides = array<i32>} : memref<1024xf32, #tpu.memory_space<vmem>>, vector<16xf32>,
        %shift_right_arithmetic3A_1528 = arith.constant 3 : i32
        %shift_right_arithmetic3A_1529 = vector.broadcast %shift_right_arithmetic3A_1528 : i32 to vector<16xi32>
        %shift_right_arithmetic3A_1530 = arith.shrsi %get3A_1525, %shift_right_arithmetic3A_1529 : vector<16xi32>
        %shift_left3A_1531 = arith.constant 13 : i32
        %shift_left3A_1532 = vector.broadcast %shift_left3A_1531 : i32 to vector<16xi32>
        %shift_left3A_1533 = arith.shli %shift_right_arithmetic3A_1530, %shift_left3A_1532 : vector<16xi32>
        %and3A_1534 = arith.constant 7 : i32
        %and3A_1535 = vector.broadcast %and3A_1534 : i32 to vector<16xi32>
        %and3A_1536 = arith.andi %get3A_1525, %and3A_1535 : vector<16xi32>
        %shift_left3A_1537 = arith.constant 7 : i32
        %shift_left3A_1538 = vector.broadcast %shift_left3A_1537 : i32 to vector<16xi32>
        %shift_left3A_1539 = arith.shli %and3A_1536, %shift_left3A_1538 : vector<16xi32>
        %add3A_1540 = arith.addi %shift_left3A_1533, %shift_left3A_1539 : vector<16xi32>
        %add3A_1541 = arith.constant 6144 : i32
        %add3A_1542 = arith.addi %mul3A_48, %add3A_1541 : i32
        %add3A_1543 = arith.constant 48 : i32
        %add3A_1544 = arith.addi %add3A_1542, %add3A_1543 : i32
        %add3A_1545 = vector.broadcast %add3A_1544 : i32 to vector<16xi32>
        %add3A_1546 = arith.addi %add3A_1540, %add3A_1545 : vector<16xi32>
        %add3A_1547 = arith.addi %add3A_1546, %iota3A : vector<16xi32>
        %broadcast_in_dim3A_1548 = arith.constant 6 : i32
        %broadcast_in_dim3A_1549 = vector.broadcast %broadcast_in_dim3A_1548 : i32 to vector<16xi32>
        %add3A_1550 = arith.constant 48 : i32
        %add3A_1551 = vector.broadcast %add3A_1550 : i32 to vector<16xi32>
        %add3A_1552 = arith.addi %add3A_1551, %iota3A : vector<16xi32>
        tpu.vector_store_idx %arg9[%broadcast_in_dim3A_1549, %add3A_1552], %add3A_1547 : memref<8x128xi32, #tpu.memory_space<vmem>>[vector<16xi32>, vector<16xi32>], vector<16xi32>,
        tpu.vector_store_idx %arg10[%broadcast_in_dim3A_1549, %add3A_1552], %get3A_1527 : memref<8x128xf32, #tpu.memory_space<vmem>>[vector<16xi32>, vector<16xi32>], vector<16xf32>,
        %get3A_1553 = arith.constant 832 : index
        %get3A_1554 = tpu.vector_load %arg7[%get3A_1553] {strides = array<i32>} : memref<1024xi32, #tpu.memory_space<vmem>>, vector<16xi32>,
        %get3A_1555 = arith.constant 832 : index
        %get3A_1556 = tpu.vector_load %arg8[%get3A_1555] {strides = array<i32>} : memref<1024xf32, #tpu.memory_space<vmem>>, vector<16xf32>,
        %shift_right_arithmetic3A_1557 = arith.constant 3 : i32
        %shift_right_arithmetic3A_1558 = vector.broadcast %shift_right_arithmetic3A_1557 : i32 to vector<16xi32>
        %shift_right_arithmetic3A_1559 = arith.shrsi %get3A_1554, %shift_right_arithmetic3A_1558 : vector<16xi32>
        %shift_left3A_1560 = arith.constant 13 : i32
        %shift_left3A_1561 = vector.broadcast %shift_left3A_1560 : i32 to vector<16xi32>
        %shift_left3A_1562 = arith.shli %shift_right_arithmetic3A_1559, %shift_left3A_1561 : vector<16xi32>
        %and3A_1563 = arith.constant 7 : i32
        %and3A_1564 = vector.broadcast %and3A_1563 : i32 to vector<16xi32>
        %and3A_1565 = arith.andi %get3A_1554, %and3A_1564 : vector<16xi32>
        %shift_left3A_1566 = arith.constant 7 : i32
        %shift_left3A_1567 = vector.broadcast %shift_left3A_1566 : i32 to vector<16xi32>
        %shift_left3A_1568 = arith.shli %and3A_1565, %shift_left3A_1567 : vector<16xi32>
        %add3A_1569 = arith.addi %shift_left3A_1562, %shift_left3A_1568 : vector<16xi32>
        %add3A_1570 = arith.constant 6144 : i32
        %add3A_1571 = arith.addi %mul3A_48, %add3A_1570 : i32
        %add3A_1572 = arith.constant 64 : i32
        %add3A_1573 = arith.addi %add3A_1571, %add3A_1572 : i32
        %add3A_1574 = vector.broadcast %add3A_1573 : i32 to vector<16xi32>
        %add3A_1575 = arith.addi %add3A_1569, %add3A_1574 : vector<16xi32>
        %add3A_1576 = arith.addi %add3A_1575, %iota3A : vector<16xi32>
        %broadcast_in_dim3A_1577 = arith.constant 6 : i32
        %broadcast_in_dim3A_1578 = vector.broadcast %broadcast_in_dim3A_1577 : i32 to vector<16xi32>
        %add3A_1579 = arith.constant 64 : i32
        %add3A_1580 = vector.broadcast %add3A_1579 : i32 to vector<16xi32>
        %add3A_1581 = arith.addi %add3A_1580, %iota3A : vector<16xi32>
        tpu.vector_store_idx %arg9[%broadcast_in_dim3A_1578, %add3A_1581], %add3A_1576 : memref<8x128xi32, #tpu.memory_space<vmem>>[vector<16xi32>, vector<16xi32>], vector<16xi32>,
        tpu.vector_store_idx %arg10[%broadcast_in_dim3A_1578, %add3A_1581], %get3A_1556 : memref<8x128xf32, #tpu.memory_space<vmem>>[vector<16xi32>, vector<16xi32>], vector<16xf32>,
        %get3A_1582 = arith.constant 848 : index
        %get3A_1583 = tpu.vector_load %arg7[%get3A_1582] {strides = array<i32>} : memref<1024xi32, #tpu.memory_space<vmem>>, vector<16xi32>,
        %get3A_1584 = arith.constant 848 : index
        %get3A_1585 = tpu.vector_load %arg8[%get3A_1584] {strides = array<i32>} : memref<1024xf32, #tpu.memory_space<vmem>>, vector<16xf32>,
        %shift_right_arithmetic3A_1586 = arith.constant 3 : i32
        %shift_right_arithmetic3A_1587 = vector.broadcast %shift_right_arithmetic3A_1586 : i32 to vector<16xi32>
        %shift_right_arithmetic3A_1588 = arith.shrsi %get3A_1583, %shift_right_arithmetic3A_1587 : vector<16xi32>
        %shift_left3A_1589 = arith.constant 13 : i32
        %shift_left3A_1590 = vector.broadcast %shift_left3A_1589 : i32 to vector<16xi32>
        %shift_left3A_1591 = arith.shli %shift_right_arithmetic3A_1588, %shift_left3A_1590 : vector<16xi32>
        %and3A_1592 = arith.constant 7 : i32
        %and3A_1593 = vector.broadcast %and3A_1592 : i32 to vector<16xi32>
        %and3A_1594 = arith.andi %get3A_1583, %and3A_1593 : vector<16xi32>
        %shift_left3A_1595 = arith.constant 7 : i32
        %shift_left3A_1596 = vector.broadcast %shift_left3A_1595 : i32 to vector<16xi32>
        %shift_left3A_1597 = arith.shli %and3A_1594, %shift_left3A_1596 : vector<16xi32>
        %add3A_1598 = arith.addi %shift_left3A_1591, %shift_left3A_1597 : vector<16xi32>
        %add3A_1599 = arith.constant 6144 : i32
        %add3A_1600 = arith.addi %mul3A_48, %add3A_1599 : i32
        %add3A_1601 = arith.constant 80 : i32
        %add3A_1602 = arith.addi %add3A_1600, %add3A_1601 : i32
        %add3A_1603 = vector.broadcast %add3A_1602 : i32 to vector<16xi32>
        %add3A_1604 = arith.addi %add3A_1598, %add3A_1603 : vector<16xi32>
        %add3A_1605 = arith.addi %add3A_1604, %iota3A : vector<16xi32>
        %broadcast_in_dim3A_1606 = arith.constant 6 : i32
        %broadcast_in_dim3A_1607 = vector.broadcast %broadcast_in_dim3A_1606 : i32 to vector<16xi32>
        %add3A_1608 = arith.constant 80 : i32
        %add3A_1609 = vector.broadcast %add3A_1608 : i32 to vector<16xi32>
        %add3A_1610 = arith.addi %add3A_1609, %iota3A : vector<16xi32>
        tpu.vector_store_idx %arg9[%broadcast_in_dim3A_1607, %add3A_1610], %add3A_1605 : memref<8x128xi32, #tpu.memory_space<vmem>>[vector<16xi32>, vector<16xi32>], vector<16xi32>,
        tpu.vector_store_idx %arg10[%broadcast_in_dim3A_1607, %add3A_1610], %get3A_1585 : memref<8x128xf32, #tpu.memory_space<vmem>>[vector<16xi32>, vector<16xi32>], vector<16xf32>,
        %get3A_1611 = arith.constant 864 : index
        %get3A_1612 = tpu.vector_load %arg7[%get3A_1611] {strides = array<i32>} : memref<1024xi32, #tpu.memory_space<vmem>>, vector<16xi32>,
        %get3A_1613 = arith.constant 864 : index
        %get3A_1614 = tpu.vector_load %arg8[%get3A_1613] {strides = array<i32>} : memref<1024xf32, #tpu.memory_space<vmem>>, vector<16xf32>,
        %shift_right_arithmetic3A_1615 = arith.constant 3 : i32
        %shift_right_arithmetic3A_1616 = vector.broadcast %shift_right_arithmetic3A_1615 : i32 to vector<16xi32>
        %shift_right_arithmetic3A_1617 = arith.shrsi %get3A_1612, %shift_right_arithmetic3A_1616 : vector<16xi32>
        %shift_left3A_1618 = arith.constant 13 : i32
        %shift_left3A_1619 = vector.broadcast %shift_left3A_1618 : i32 to vector<16xi32>
        %shift_left3A_1620 = arith.shli %shift_right_arithmetic3A_1617, %shift_left3A_1619 : vector<16xi32>
        %and3A_1621 = arith.constant 7 : i32
        %and3A_1622 = vector.broadcast %and3A_1621 : i32 to vector<16xi32>
        %and3A_1623 = arith.andi %get3A_1612, %and3A_1622 : vector<16xi32>
        %shift_left3A_1624 = arith.constant 7 : i32
        %shift_left3A_1625 = vector.broadcast %shift_left3A_1624 : i32 to vector<16xi32>
        %shift_left3A_1626 = arith.shli %and3A_1623, %shift_left3A_1625 : vector<16xi32>
        %add3A_1627 = arith.addi %shift_left3A_1620, %shift_left3A_1626 : vector<16xi32>
        %add3A_1628 = arith.constant 6144 : i32
        %add3A_1629 = arith.addi %mul3A_48, %add3A_1628 : i32
        %add3A_1630 = arith.constant 96 : i32
        %add3A_1631 = arith.addi %add3A_1629, %add3A_1630 : i32
        %add3A_1632 = vector.broadcast %add3A_1631 : i32 to vector<16xi32>
        %add3A_1633 = arith.addi %add3A_1627, %add3A_1632 : vector<16xi32>
        %add3A_1634 = arith.addi %add3A_1633, %iota3A : vector<16xi32>
        %broadcast_in_dim3A_1635 = arith.constant 6 : i32
        %broadcast_in_dim3A_1636 = vector.broadcast %broadcast_in_dim3A_1635 : i32 to vector<16xi32>
        %add3A_1637 = arith.constant 96 : i32
        %add3A_1638 = vector.broadcast %add3A_1637 : i32 to vector<16xi32>
        %add3A_1639 = arith.addi %add3A_1638, %iota3A : vector<16xi32>
        tpu.vector_store_idx %arg9[%broadcast_in_dim3A_1636, %add3A_1639], %add3A_1634 : memref<8x128xi32, #tpu.memory_space<vmem>>[vector<16xi32>, vector<16xi32>], vector<16xi32>,
        tpu.vector_store_idx %arg10[%broadcast_in_dim3A_1636, %add3A_1639], %get3A_1614 : memref<8x128xf32, #tpu.memory_space<vmem>>[vector<16xi32>, vector<16xi32>], vector<16xf32>,
        %get3A_1640 = arith.constant 880 : index
        %get3A_1641 = tpu.vector_load %arg7[%get3A_1640] {strides = array<i32>} : memref<1024xi32, #tpu.memory_space<vmem>>, vector<16xi32>,
        %get3A_1642 = arith.constant 880 : index
        %get3A_1643 = tpu.vector_load %arg8[%get3A_1642] {strides = array<i32>} : memref<1024xf32, #tpu.memory_space<vmem>>, vector<16xf32>,
        %shift_right_arithmetic3A_1644 = arith.constant 3 : i32
        %shift_right_arithmetic3A_1645 = vector.broadcast %shift_right_arithmetic3A_1644 : i32 to vector<16xi32>
        %shift_right_arithmetic3A_1646 = arith.shrsi %get3A_1641, %shift_right_arithmetic3A_1645 : vector<16xi32>
        %shift_left3A_1647 = arith.constant 13 : i32
        %shift_left3A_1648 = vector.broadcast %shift_left3A_1647 : i32 to vector<16xi32>
        %shift_left3A_1649 = arith.shli %shift_right_arithmetic3A_1646, %shift_left3A_1648 : vector<16xi32>
        %and3A_1650 = arith.constant 7 : i32
        %and3A_1651 = vector.broadcast %and3A_1650 : i32 to vector<16xi32>
        %and3A_1652 = arith.andi %get3A_1641, %and3A_1651 : vector<16xi32>
        %shift_left3A_1653 = arith.constant 7 : i32
        %shift_left3A_1654 = vector.broadcast %shift_left3A_1653 : i32 to vector<16xi32>
        %shift_left3A_1655 = arith.shli %and3A_1652, %shift_left3A_1654 : vector<16xi32>
        %add3A_1656 = arith.addi %shift_left3A_1649, %shift_left3A_1655 : vector<16xi32>
        %add3A_1657 = arith.constant 6144 : i32
        %add3A_1658 = arith.addi %mul3A_48, %add3A_1657 : i32
        %add3A_1659 = arith.constant 112 : i32
        %add3A_1660 = arith.addi %add3A_1658, %add3A_1659 : i32
        %add3A_1661 = vector.broadcast %add3A_1660 : i32 to vector<16xi32>
        %add3A_1662 = arith.addi %add3A_1656, %add3A_1661 : vector<16xi32>
        %add3A_1663 = arith.addi %add3A_1662, %iota3A : vector<16xi32>
        %broadcast_in_dim3A_1664 = arith.constant 6 : i32
        %broadcast_in_dim3A_1665 = vector.broadcast %broadcast_in_dim3A_1664 : i32 to vector<16xi32>
        %add3A_1666 = arith.constant 112 : i32
        %add3A_1667 = vector.broadcast %add3A_1666 : i32 to vector<16xi32>
        %add3A_1668 = arith.addi %add3A_1667, %iota3A : vector<16xi32>
        tpu.vector_store_idx %arg9[%broadcast_in_dim3A_1665, %add3A_1668], %add3A_1663 : memref<8x128xi32, #tpu.memory_space<vmem>>[vector<16xi32>, vector<16xi32>], vector<16xi32>,
        tpu.vector_store_idx %arg10[%broadcast_in_dim3A_1665, %add3A_1668], %get3A_1643 : memref<8x128xf32, #tpu.memory_space<vmem>>[vector<16xi32>, vector<16xi32>], vector<16xf32>,
        %get3A_1669 = arith.constant 896 : index
        %get3A_1670 = tpu.vector_load %arg7[%get3A_1669] {strides = array<i32>} : memref<1024xi32, #tpu.memory_space<vmem>>, vector<16xi32>,
        %get3A_1671 = arith.constant 896 : index
        %get3A_1672 = tpu.vector_load %arg8[%get3A_1671] {strides = array<i32>} : memref<1024xf32, #tpu.memory_space<vmem>>, vector<16xf32>,
        %shift_right_arithmetic3A_1673 = arith.constant 3 : i32
        %shift_right_arithmetic3A_1674 = vector.broadcast %shift_right_arithmetic3A_1673 : i32 to vector<16xi32>
        %shift_right_arithmetic3A_1675 = arith.shrsi %get3A_1670, %shift_right_arithmetic3A_1674 : vector<16xi32>
        %shift_left3A_1676 = arith.constant 13 : i32
        %shift_left3A_1677 = vector.broadcast %shift_left3A_1676 : i32 to vector<16xi32>
        %shift_left3A_1678 = arith.shli %shift_right_arithmetic3A_1675, %shift_left3A_1677 : vector<16xi32>
        %and3A_1679 = arith.constant 7 : i32
        %and3A_1680 = vector.broadcast %and3A_1679 : i32 to vector<16xi32>
        %and3A_1681 = arith.andi %get3A_1670, %and3A_1680 : vector<16xi32>
        %shift_left3A_1682 = arith.constant 7 : i32
        %shift_left3A_1683 = vector.broadcast %shift_left3A_1682 : i32 to vector<16xi32>
        %shift_left3A_1684 = arith.shli %and3A_1681, %shift_left3A_1683 : vector<16xi32>
        %add3A_1685 = arith.addi %shift_left3A_1678, %shift_left3A_1684 : vector<16xi32>
        %add3A_1686 = arith.constant 7168 : i32
        %add3A_1687 = arith.addi %mul3A_48, %add3A_1686 : i32
        %add3A_1688 = arith.constant 0 : i32
        %add3A_1689 = arith.addi %add3A_1687, %add3A_1688 : i32
        %add3A_1690 = vector.broadcast %add3A_1689 : i32 to vector<16xi32>
        %add3A_1691 = arith.addi %add3A_1685, %add3A_1690 : vector<16xi32>
        %add3A_1692 = arith.addi %add3A_1691, %iota3A : vector<16xi32>
        %broadcast_in_dim3A_1693 = arith.constant 7 : i32
        %broadcast_in_dim3A_1694 = vector.broadcast %broadcast_in_dim3A_1693 : i32 to vector<16xi32>
        %add3A_1695 = arith.constant 0 : i32
        %add3A_1696 = vector.broadcast %add3A_1695 : i32 to vector<16xi32>
        %add3A_1697 = arith.addi %add3A_1696, %iota3A : vector<16xi32>
        tpu.vector_store_idx %arg9[%broadcast_in_dim3A_1694, %add3A_1697], %add3A_1692 : memref<8x128xi32, #tpu.memory_space<vmem>>[vector<16xi32>, vector<16xi32>], vector<16xi32>,
        tpu.vector_store_idx %arg10[%broadcast_in_dim3A_1694, %add3A_1697], %get3A_1672 : memref<8x128xf32, #tpu.memory_space<vmem>>[vector<16xi32>, vector<16xi32>], vector<16xf32>,
        %get3A_1698 = arith.constant 912 : index
        %get3A_1699 = tpu.vector_load %arg7[%get3A_1698] {strides = array<i32>} : memref<1024xi32, #tpu.memory_space<vmem>>, vector<16xi32>,
        %get3A_1700 = arith.constant 912 : index
        %get3A_1701 = tpu.vector_load %arg8[%get3A_1700] {strides = array<i32>} : memref<1024xf32, #tpu.memory_space<vmem>>, vector<16xf32>,
        %shift_right_arithmetic3A_1702 = arith.constant 3 : i32
        %shift_right_arithmetic3A_1703 = vector.broadcast %shift_right_arithmetic3A_1702 : i32 to vector<16xi32>
        %shift_right_arithmetic3A_1704 = arith.shrsi %get3A_1699, %shift_right_arithmetic3A_1703 : vector<16xi32>
        %shift_left3A_1705 = arith.constant 13 : i32
        %shift_left3A_1706 = vector.broadcast %shift_left3A_1705 : i32 to vector<16xi32>
        %shift_left3A_1707 = arith.shli %shift_right_arithmetic3A_1704, %shift_left3A_1706 : vector<16xi32>
        %and3A_1708 = arith.constant 7 : i32
        %and3A_1709 = vector.broadcast %and3A_1708 : i32 to vector<16xi32>
        %and3A_1710 = arith.andi %get3A_1699, %and3A_1709 : vector<16xi32>
        %shift_left3A_1711 = arith.constant 7 : i32
        %shift_left3A_1712 = vector.broadcast %shift_left3A_1711 : i32 to vector<16xi32>
        %shift_left3A_1713 = arith.shli %and3A_1710, %shift_left3A_1712 : vector<16xi32>
        %add3A_1714 = arith.addi %shift_left3A_1707, %shift_left3A_1713 : vector<16xi32>
        %add3A_1715 = arith.constant 7168 : i32
        %add3A_1716 = arith.addi %mul3A_48, %add3A_1715 : i32
        %add3A_1717 = arith.constant 16 : i32
        %add3A_1718 = arith.addi %add3A_1716, %add3A_1717 : i32
        %add3A_1719 = vector.broadcast %add3A_1718 : i32 to vector<16xi32>
        %add3A_1720 = arith.addi %add3A_1714, %add3A_1719 : vector<16xi32>
        %add3A_1721 = arith.addi %add3A_1720, %iota3A : vector<16xi32>
        %broadcast_in_dim3A_1722 = arith.constant 7 : i32
        %broadcast_in_dim3A_1723 = vector.broadcast %broadcast_in_dim3A_1722 : i32 to vector<16xi32>
        %add3A_1724 = arith.constant 16 : i32
        %add3A_1725 = vector.broadcast %add3A_1724 : i32 to vector<16xi32>
        %add3A_1726 = arith.addi %add3A_1725, %iota3A : vector<16xi32>
        tpu.vector_store_idx %arg9[%broadcast_in_dim3A_1723, %add3A_1726], %add3A_1721 : memref<8x128xi32, #tpu.memory_space<vmem>>[vector<16xi32>, vector<16xi32>], vector<16xi32>,
        tpu.vector_store_idx %arg10[%broadcast_in_dim3A_1723, %add3A_1726], %get3A_1701 : memref<8x128xf32, #tpu.memory_space<vmem>>[vector<16xi32>, vector<16xi32>], vector<16xf32>,
        %get3A_1727 = arith.constant 928 : index
        %get3A_1728 = tpu.vector_load %arg7[%get3A_1727] {strides = array<i32>} : memref<1024xi32, #tpu.memory_space<vmem>>, vector<16xi32>,
        %get3A_1729 = arith.constant 928 : index
        %get3A_1730 = tpu.vector_load %arg8[%get3A_1729] {strides = array<i32>} : memref<1024xf32, #tpu.memory_space<vmem>>, vector<16xf32>,
        %shift_right_arithmetic3A_1731 = arith.constant 3 : i32
        %shift_right_arithmetic3A_1732 = vector.broadcast %shift_right_arithmetic3A_1731 : i32 to vector<16xi32>
        %shift_right_arithmetic3A_1733 = arith.shrsi %get3A_1728, %shift_right_arithmetic3A_1732 : vector<16xi32>
        %shift_left3A_1734 = arith.constant 13 : i32
        %shift_left3A_1735 = vector.broadcast %shift_left3A_1734 : i32 to vector<16xi32>
        %shift_left3A_1736 = arith.shli %shift_right_arithmetic3A_1733, %shift_left3A_1735 : vector<16xi32>
        %and3A_1737 = arith.constant 7 : i32
        %and3A_1738 = vector.broadcast %and3A_1737 : i32 to vector<16xi32>
        %and3A_1739 = arith.andi %get3A_1728, %and3A_1738 : vector<16xi32>
        %shift_left3A_1740 = arith.constant 7 : i32
        %shift_left3A_1741 = vector.broadcast %shift_left3A_1740 : i32 to vector<16xi32>
        %shift_left3A_1742 = arith.shli %and3A_1739, %shift_left3A_1741 : vector<16xi32>
        %add3A_1743 = arith.addi %shift_left3A_1736, %shift_left3A_1742 : vector<16xi32>
        %add3A_1744 = arith.constant 7168 : i32
        %add3A_1745 = arith.addi %mul3A_48, %add3A_1744 : i32
        %add3A_1746 = arith.constant 32 : i32
        %add3A_1747 = arith.addi %add3A_1745, %add3A_1746 : i32
        %add3A_1748 = vector.broadcast %add3A_1747 : i32 to vector<16xi32>
        %add3A_1749 = arith.addi %add3A_1743, %add3A_1748 : vector<16xi32>
        %add3A_1750 = arith.addi %add3A_1749, %iota3A : vector<16xi32>
        %broadcast_in_dim3A_1751 = arith.constant 7 : i32
        %broadcast_in_dim3A_1752 = vector.broadcast %broadcast_in_dim3A_1751 : i32 to vector<16xi32>
        %add3A_1753 = arith.constant 32 : i32
        %add3A_1754 = vector.broadcast %add3A_1753 : i32 to vector<16xi32>
        %add3A_1755 = arith.addi %add3A_1754, %iota3A : vector<16xi32>
        tpu.vector_store_idx %arg9[%broadcast_in_dim3A_1752, %add3A_1755], %add3A_1750 : memref<8x128xi32, #tpu.memory_space<vmem>>[vector<16xi32>, vector<16xi32>], vector<16xi32>,
        tpu.vector_store_idx %arg10[%broadcast_in_dim3A_1752, %add3A_1755], %get3A_1730 : memref<8x128xf32, #tpu.memory_space<vmem>>[vector<16xi32>, vector<16xi32>], vector<16xf32>,
        %get3A_1756 = arith.constant 944 : index
        %get3A_1757 = tpu.vector_load %arg7[%get3A_1756] {strides = array<i32>} : memref<1024xi32, #tpu.memory_space<vmem>>, vector<16xi32>,
        %get3A_1758 = arith.constant 944 : index
        %get3A_1759 = tpu.vector_load %arg8[%get3A_1758] {strides = array<i32>} : memref<1024xf32, #tpu.memory_space<vmem>>, vector<16xf32>,
        %shift_right_arithmetic3A_1760 = arith.constant 3 : i32
        %shift_right_arithmetic3A_1761 = vector.broadcast %shift_right_arithmetic3A_1760 : i32 to vector<16xi32>
        %shift_right_arithmetic3A_1762 = arith.shrsi %get3A_1757, %shift_right_arithmetic3A_1761 : vector<16xi32>
        %shift_left3A_1763 = arith.constant 13 : i32
        %shift_left3A_1764 = vector.broadcast %shift_left3A_1763 : i32 to vector<16xi32>
        %shift_left3A_1765 = arith.shli %shift_right_arithmetic3A_1762, %shift_left3A_1764 : vector<16xi32>
        %and3A_1766 = arith.constant 7 : i32
        %and3A_1767 = vector.broadcast %and3A_1766 : i32 to vector<16xi32>
        %and3A_1768 = arith.andi %get3A_1757, %and3A_1767 : vector<16xi32>
        %shift_left3A_1769 = arith.constant 7 : i32
        %shift_left3A_1770 = vector.broadcast %shift_left3A_1769 : i32 to vector<16xi32>
        %shift_left3A_1771 = arith.shli %and3A_1768, %shift_left3A_1770 : vector<16xi32>
        %add3A_1772 = arith.addi %shift_left3A_1765, %shift_left3A_1771 : vector<16xi32>
        %add3A_1773 = arith.constant 7168 : i32
        %add3A_1774 = arith.addi %mul3A_48, %add3A_1773 : i32
        %add3A_1775 = arith.constant 48 : i32
        %add3A_1776 = arith.addi %add3A_1774, %add3A_1775 : i32
        %add3A_1777 = vector.broadcast %add3A_1776 : i32 to vector<16xi32>
        %add3A_1778 = arith.addi %add3A_1772, %add3A_1777 : vector<16xi32>
        %add3A_1779 = arith.addi %add3A_1778, %iota3A : vector<16xi32>
        %broadcast_in_dim3A_1780 = arith.constant 7 : i32
        %broadcast_in_dim3A_1781 = vector.broadcast %broadcast_in_dim3A_1780 : i32 to vector<16xi32>
        %add3A_1782 = arith.constant 48 : i32
        %add3A_1783 = vector.broadcast %add3A_1782 : i32 to vector<16xi32>
        %add3A_1784 = arith.addi %add3A_1783, %iota3A : vector<16xi32>
        tpu.vector_store_idx %arg9[%broadcast_in_dim3A_1781, %add3A_1784], %add3A_1779 : memref<8x128xi32, #tpu.memory_space<vmem>>[vector<16xi32>, vector<16xi32>], vector<16xi32>,
        tpu.vector_store_idx %arg10[%broadcast_in_dim3A_1781, %add3A_1784], %get3A_1759 : memref<8x128xf32, #tpu.memory_space<vmem>>[vector<16xi32>, vector<16xi32>], vector<16xf32>,
        %get3A_1785 = arith.constant 960 : index
        %get3A_1786 = tpu.vector_load %arg7[%get3A_1785] {strides = array<i32>} : memref<1024xi32, #tpu.memory_space<vmem>>, vector<16xi32>,
        %get3A_1787 = arith.constant 960 : index
        %get3A_1788 = tpu.vector_load %arg8[%get3A_1787] {strides = array<i32>} : memref<1024xf32, #tpu.memory_space<vmem>>, vector<16xf32>,
        %shift_right_arithmetic3A_1789 = arith.constant 3 : i32
        %shift_right_arithmetic3A_1790 = vector.broadcast %shift_right_arithmetic3A_1789 : i32 to vector<16xi32>
        %shift_right_arithmetic3A_1791 = arith.shrsi %get3A_1786, %shift_right_arithmetic3A_1790 : vector<16xi32>
        %shift_left3A_1792 = arith.constant 13 : i32
        %shift_left3A_1793 = vector.broadcast %shift_left3A_1792 : i32 to vector<16xi32>
        %shift_left3A_1794 = arith.shli %shift_right_arithmetic3A_1791, %shift_left3A_1793 : vector<16xi32>
        %and3A_1795 = arith.constant 7 : i32
        %and3A_1796 = vector.broadcast %and3A_1795 : i32 to vector<16xi32>
        %and3A_1797 = arith.andi %get3A_1786, %and3A_1796 : vector<16xi32>
        %shift_left3A_1798 = arith.constant 7 : i32
        %shift_left3A_1799 = vector.broadcast %shift_left3A_1798 : i32 to vector<16xi32>
        %shift_left3A_1800 = arith.shli %and3A_1797, %shift_left3A_1799 : vector<16xi32>
        %add3A_1801 = arith.addi %shift_left3A_1794, %shift_left3A_1800 : vector<16xi32>
        %add3A_1802 = arith.constant 7168 : i32
        %add3A_1803 = arith.addi %mul3A_48, %add3A_1802 : i32
        %add3A_1804 = arith.constant 64 : i32
        %add3A_1805 = arith.addi %add3A_1803, %add3A_1804 : i32
        %add3A_1806 = vector.broadcast %add3A_1805 : i32 to vector<16xi32>
        %add3A_1807 = arith.addi %add3A_1801, %add3A_1806 : vector<16xi32>
        %add3A_1808 = arith.addi %add3A_1807, %iota3A : vector<16xi32>
        %broadcast_in_dim3A_1809 = arith.constant 7 : i32
        %broadcast_in_dim3A_1810 = vector.broadcast %broadcast_in_dim3A_1809 : i32 to vector<16xi32>
        %add3A_1811 = arith.constant 64 : i32
        %add3A_1812 = vector.broadcast %add3A_1811 : i32 to vector<16xi32>
        %add3A_1813 = arith.addi %add3A_1812, %iota3A : vector<16xi32>
        tpu.vector_store_idx %arg9[%broadcast_in_dim3A_1810, %add3A_1813], %add3A_1808 : memref<8x128xi32, #tpu.memory_space<vmem>>[vector<16xi32>, vector<16xi32>], vector<16xi32>,
        tpu.vector_store_idx %arg10[%broadcast_in_dim3A_1810, %add3A_1813], %get3A_1788 : memref<8x128xf32, #tpu.memory_space<vmem>>[vector<16xi32>, vector<16xi32>], vector<16xf32>,
        %get3A_1814 = arith.constant 976 : index
        %get3A_1815 = tpu.vector_load %arg7[%get3A_1814] {strides = array<i32>} : memref<1024xi32, #tpu.memory_space<vmem>>, vector<16xi32>,
        %get3A_1816 = arith.constant 976 : index
        %get3A_1817 = tpu.vector_load %arg8[%get3A_1816] {strides = array<i32>} : memref<1024xf32, #tpu.memory_space<vmem>>, vector<16xf32>,
        %shift_right_arithmetic3A_1818 = arith.constant 3 : i32
        %shift_right_arithmetic3A_1819 = vector.broadcast %shift_right_arithmetic3A_1818 : i32 to vector<16xi32>
        %shift_right_arithmetic3A_1820 = arith.shrsi %get3A_1815, %shift_right_arithmetic3A_1819 : vector<16xi32>
        %shift_left3A_1821 = arith.constant 13 : i32
        %shift_left3A_1822 = vector.broadcast %shift_left3A_1821 : i32 to vector<16xi32>
        %shift_left3A_1823 = arith.shli %shift_right_arithmetic3A_1820, %shift_left3A_1822 : vector<16xi32>
        %and3A_1824 = arith.constant 7 : i32
        %and3A_1825 = vector.broadcast %and3A_1824 : i32 to vector<16xi32>
        %and3A_1826 = arith.andi %get3A_1815, %and3A_1825 : vector<16xi32>
        %shift_left3A_1827 = arith.constant 7 : i32
        %shift_left3A_1828 = vector.broadcast %shift_left3A_1827 : i32 to vector<16xi32>
        %shift_left3A_1829 = arith.shli %and3A_1826, %shift_left3A_1828 : vector<16xi32>
        %add3A_1830 = arith.addi %shift_left3A_1823, %shift_left3A_1829 : vector<16xi32>
        %add3A_1831 = arith.constant 7168 : i32
        %add3A_1832 = arith.addi %mul3A_48, %add3A_1831 : i32
        %add3A_1833 = arith.constant 80 : i32
        %add3A_1834 = arith.addi %add3A_1832, %add3A_1833 : i32
        %add3A_1835 = vector.broadcast %add3A_1834 : i32 to vector<16xi32>
        %add3A_1836 = arith.addi %add3A_1830, %add3A_1835 : vector<16xi32>
        %add3A_1837 = arith.addi %add3A_1836, %iota3A : vector<16xi32>
        %broadcast_in_dim3A_1838 = arith.constant 7 : i32
        %broadcast_in_dim3A_1839 = vector.broadcast %broadcast_in_dim3A_1838 : i32 to vector<16xi32>
        %add3A_1840 = arith.constant 80 : i32
        %add3A_1841 = vector.broadcast %add3A_1840 : i32 to vector<16xi32>
        %add3A_1842 = arith.addi %add3A_1841, %iota3A : vector<16xi32>
        tpu.vector_store_idx %arg9[%broadcast_in_dim3A_1839, %add3A_1842], %add3A_1837 : memref<8x128xi32, #tpu.memory_space<vmem>>[vector<16xi32>, vector<16xi32>], vector<16xi32>,
        tpu.vector_store_idx %arg10[%broadcast_in_dim3A_1839, %add3A_1842], %get3A_1817 : memref<8x128xf32, #tpu.memory_space<vmem>>[vector<16xi32>, vector<16xi32>], vector<16xf32>,
        %get3A_1843 = arith.constant 992 : index
        %get3A_1844 = tpu.vector_load %arg7[%get3A_1843] {strides = array<i32>} : memref<1024xi32, #tpu.memory_space<vmem>>, vector<16xi32>,
        %get3A_1845 = arith.constant 992 : index
        %get3A_1846 = tpu.vector_load %arg8[%get3A_1845] {strides = array<i32>} : memref<1024xf32, #tpu.memory_space<vmem>>, vector<16xf32>,
        %shift_right_arithmetic3A_1847 = arith.constant 3 : i32
        %shift_right_arithmetic3A_1848 = vector.broadcast %shift_right_arithmetic3A_1847 : i32 to vector<16xi32>
        %shift_right_arithmetic3A_1849 = arith.shrsi %get3A_1844, %shift_right_arithmetic3A_1848 : vector<16xi32>
        %shift_left3A_1850 = arith.constant 13 : i32
        %shift_left3A_1851 = vector.broadcast %shift_left3A_1850 : i32 to vector<16xi32>
        %shift_left3A_1852 = arith.shli %shift_right_arithmetic3A_1849, %shift_left3A_1851 : vector<16xi32>
        %and3A_1853 = arith.constant 7 : i32
        %and3A_1854 = vector.broadcast %and3A_1853 : i32 to vector<16xi32>
        %and3A_1855 = arith.andi %get3A_1844, %and3A_1854 : vector<16xi32>
        %shift_left3A_1856 = arith.constant 7 : i32
        %shift_left3A_1857 = vector.broadcast %shift_left3A_1856 : i32 to vector<16xi32>
        %shift_left3A_1858 = arith.shli %and3A_1855, %shift_left3A_1857 : vector<16xi32>
        %add3A_1859 = arith.addi %shift_left3A_1852, %shift_left3A_1858 : vector<16xi32>
        %add3A_1860 = arith.constant 7168 : i32
        %add3A_1861 = arith.addi %mul3A_48, %add3A_1860 : i32
        %add3A_1862 = arith.constant 96 : i32
        %add3A_1863 = arith.addi %add3A_1861, %add3A_1862 : i32
        %add3A_1864 = vector.broadcast %add3A_1863 : i32 to vector<16xi32>
        %add3A_1865 = arith.addi %add3A_1859, %add3A_1864 : vector<16xi32>
        %add3A_1866 = arith.addi %add3A_1865, %iota3A : vector<16xi32>
        %broadcast_in_dim3A_1867 = arith.constant 7 : i32
        %broadcast_in_dim3A_1868 = vector.broadcast %broadcast_in_dim3A_1867 : i32 to vector<16xi32>
        %add3A_1869 = arith.constant 96 : i32
        %add3A_1870 = vector.broadcast %add3A_1869 : i32 to vector<16xi32>
        %add3A_1871 = arith.addi %add3A_1870, %iota3A : vector<16xi32>
        tpu.vector_store_idx %arg9[%broadcast_in_dim3A_1868, %add3A_1871], %add3A_1866 : memref<8x128xi32, #tpu.memory_space<vmem>>[vector<16xi32>, vector<16xi32>], vector<16xi32>,
        tpu.vector_store_idx %arg10[%broadcast_in_dim3A_1868, %add3A_1871], %get3A_1846 : memref<8x128xf32, #tpu.memory_space<vmem>>[vector<16xi32>, vector<16xi32>], vector<16xf32>,
        %get3A_1872 = arith.constant 1008 : index
        %get3A_1873 = tpu.vector_load %arg7[%get3A_1872] {strides = array<i32>} : memref<1024xi32, #tpu.memory_space<vmem>>, vector<16xi32>,
        %get3A_1874 = arith.constant 1008 : index
        %get3A_1875 = tpu.vector_load %arg8[%get3A_1874] {strides = array<i32>} : memref<1024xf32, #tpu.memory_space<vmem>>, vector<16xf32>,
        %shift_right_arithmetic3A_1876 = arith.constant 3 : i32
        %shift_right_arithmetic3A_1877 = vector.broadcast %shift_right_arithmetic3A_1876 : i32 to vector<16xi32>
        %shift_right_arithmetic3A_1878 = arith.shrsi %get3A_1873, %shift_right_arithmetic3A_1877 : vector<16xi32>
        %shift_left3A_1879 = arith.constant 13 : i32
        %shift_left3A_1880 = vector.broadcast %shift_left3A_1879 : i32 to vector<16xi32>
        %shift_left3A_1881 = arith.shli %shift_right_arithmetic3A_1878, %shift_left3A_1880 : vector<16xi32>
        %and3A_1882 = arith.constant 7 : i32
        %and3A_1883 = vector.broadcast %and3A_1882 : i32 to vector<16xi32>
        %and3A_1884 = arith.andi %get3A_1873, %and3A_1883 : vector<16xi32>
        %shift_left3A_1885 = arith.constant 7 : i32
        %shift_left3A_1886 = vector.broadcast %shift_left3A_1885 : i32 to vector<16xi32>
        %shift_left3A_1887 = arith.shli %and3A_1884, %shift_left3A_1886 : vector<16xi32>
        %add3A_1888 = arith.addi %shift_left3A_1881, %shift_left3A_1887 : vector<16xi32>
        %add3A_1889 = arith.constant 7168 : i32
        %add3A_1890 = arith.addi %mul3A_48, %add3A_1889 : i32
        %add3A_1891 = arith.constant 112 : i32
        %add3A_1892 = arith.addi %add3A_1890, %add3A_1891 : i32
        %add3A_1893 = vector.broadcast %add3A_1892 : i32 to vector<16xi32>
        %add3A_1894 = arith.addi %add3A_1888, %add3A_1893 : vector<16xi32>
        %add3A_1895 = arith.addi %add3A_1894, %iota3A : vector<16xi32>
        %broadcast_in_dim3A_1896 = arith.constant 7 : i32
        %broadcast_in_dim3A_1897 = vector.broadcast %broadcast_in_dim3A_1896 : i32 to vector<16xi32>
        %add3A_1898 = arith.constant 112 : i32
        %add3A_1899 = vector.broadcast %add3A_1898 : i32 to vector<16xi32>
        %add3A_1900 = arith.addi %add3A_1899, %iota3A : vector<16xi32>
        tpu.vector_store_idx %arg9[%broadcast_in_dim3A_1897, %add3A_1900], %add3A_1895 : memref<8x128xi32, #tpu.memory_space<vmem>>[vector<16xi32>, vector<16xi32>], vector<16xi32>,
        tpu.vector_store_idx %arg10[%broadcast_in_dim3A_1897, %add3A_1900], %get3A_1875 : memref<8x128xf32, #tpu.memory_space<vmem>>[vector<16xi32>, vector<16xi32>], vector<16xf32>,
        %dma_start3A = arith.constant 0 : i32
        %dma_start3A_1901 = arith.constant 0 : i32
        %dma_start3A_1902 = arith.constant 0 : i32
        %dma_start3A_1903 = tpu.memref_slice %arg10[%dma_start3A, %dma_start3A_1902] : memref<8x128xf32, #tpu.memory_space<vmem>> -> memref<1x128xf32, #tpu.memory_space<vmem>>
        %dma_start3A_1904 = tpu.memref_squeeze %dma_start3A_1903 : memref<1x128xf32, #tpu.memory_space<vmem>> -> memref<128xf32, #tpu.memory_space<vmem>>
        %dma_start3A_1905 = arith.constant 0 : i32
        %dma_start3A_1906 = tpu.memref_slice %arg9[%dma_start3A_1901, %dma_start3A_1905] : memref<8x128xi32, #tpu.memory_space<vmem>> -> memref<1x128xi32, #tpu.memory_space<vmem>>
        %dma_start3A_1907 = tpu.memref_squeeze %dma_start3A_1906 : memref<1x128xi32, #tpu.memory_space<vmem>> -> memref<128xi32, #tpu.memory_space<vmem>>
        %dma_start3A_1908 = arith.constant 0 : i32
        %dma_start3A_1909 = tpu.memref_slice %arg5[%dma_start3A_1908] : memref<51200000xf32, #tpu.memory_space<hbm>> -> memref<51200000xf32, #tpu.memory_space<hbm>>
        tpu.enqueue_indirect_dma source(%dma_start3A_1904 : memref<128xf32, #tpu.memory_space<vmem>>) target(%dma_start3A_1909 : memref<51200000xf32, #tpu.memory_space<hbm>>) offsets(%dma_start3A_1907 : memref<128xi32, #tpu.memory_space<vmem>>) semaphore(%arg12 : memref<!tpu.dma_semaphore, #tpu.memory_space<semaphore_mem>>)
        %dma_start3A_1910 = arith.constant 1 : i32
        %dma_start3A_1911 = arith.constant 1 : i32
        %dma_start3A_1912 = arith.constant 0 : i32
        %dma_start3A_1913 = tpu.memref_slice %arg10[%dma_start3A_1910, %dma_start3A_1912] : memref<8x128xf32, #tpu.memory_space<vmem>> -> memref<1x128xf32, #tpu.memory_space<vmem>>
        %dma_start3A_1914 = tpu.memref_squeeze %dma_start3A_1913 : memref<1x128xf32, #tpu.memory_space<vmem>> -> memref<128xf32, #tpu.memory_space<vmem>>
        %dma_start3A_1915 = arith.constant 0 : i32
        %dma_start3A_1916 = tpu.memref_slice %arg9[%dma_start3A_1911, %dma_start3A_1915] : memref<8x128xi32, #tpu.memory_space<vmem>> -> memref<1x128xi32, #tpu.memory_space<vmem>>
        %dma_start3A_1917 = tpu.memref_squeeze %dma_start3A_1916 : memref<1x128xi32, #tpu.memory_space<vmem>> -> memref<128xi32, #tpu.memory_space<vmem>>
        %dma_start3A_1918 = arith.constant 0 : i32
        %dma_start3A_1919 = tpu.memref_slice %arg5[%dma_start3A_1918] : memref<51200000xf32, #tpu.memory_space<hbm>> -> memref<51200000xf32, #tpu.memory_space<hbm>>
        tpu.enqueue_indirect_dma source(%dma_start3A_1914 : memref<128xf32, #tpu.memory_space<vmem>>) target(%dma_start3A_1919 : memref<51200000xf32, #tpu.memory_space<hbm>>) offsets(%dma_start3A_1917 : memref<128xi32, #tpu.memory_space<vmem>>) semaphore(%arg12 : memref<!tpu.dma_semaphore, #tpu.memory_space<semaphore_mem>>)
        %dma_start3A_1920 = arith.constant 2 : i32
        %dma_start3A_1921 = arith.constant 2 : i32
        %dma_start3A_1922 = arith.constant 0 : i32
        %dma_start3A_1923 = tpu.memref_slice %arg10[%dma_start3A_1920, %dma_start3A_1922] : memref<8x128xf32, #tpu.memory_space<vmem>> -> memref<1x128xf32, #tpu.memory_space<vmem>>
        %dma_start3A_1924 = tpu.memref_squeeze %dma_start3A_1923 : memref<1x128xf32, #tpu.memory_space<vmem>> -> memref<128xf32, #tpu.memory_space<vmem>>
        %dma_start3A_1925 = arith.constant 0 : i32
        %dma_start3A_1926 = tpu.memref_slice %arg9[%dma_start3A_1921, %dma_start3A_1925] : memref<8x128xi32, #tpu.memory_space<vmem>> -> memref<1x128xi32, #tpu.memory_space<vmem>>
        %dma_start3A_1927 = tpu.memref_squeeze %dma_start3A_1926 : memref<1x128xi32, #tpu.memory_space<vmem>> -> memref<128xi32, #tpu.memory_space<vmem>>
        %dma_start3A_1928 = arith.constant 0 : i32
        %dma_start3A_1929 = tpu.memref_slice %arg5[%dma_start3A_1928] : memref<51200000xf32, #tpu.memory_space<hbm>> -> memref<51200000xf32, #tpu.memory_space<hbm>>
        tpu.enqueue_indirect_dma source(%dma_start3A_1924 : memref<128xf32, #tpu.memory_space<vmem>>) target(%dma_start3A_1929 : memref<51200000xf32, #tpu.memory_space<hbm>>) offsets(%dma_start3A_1927 : memref<128xi32, #tpu.memory_space<vmem>>) semaphore(%arg12 : memref<!tpu.dma_semaphore, #tpu.memory_space<semaphore_mem>>)
        %dma_start3A_1930 = arith.constant 3 : i32
        %dma_start3A_1931 = arith.constant 3 : i32
        %dma_start3A_1932 = arith.constant 0 : i32
        %dma_start3A_1933 = tpu.memref_slice %arg10[%dma_start3A_1930, %dma_start3A_1932] : memref<8x128xf32, #tpu.memory_space<vmem>> -> memref<1x128xf32, #tpu.memory_space<vmem>>
        %dma_start3A_1934 = tpu.memref_squeeze %dma_start3A_1933 : memref<1x128xf32, #tpu.memory_space<vmem>> -> memref<128xf32, #tpu.memory_space<vmem>>
        %dma_start3A_1935 = arith.constant 0 : i32
        %dma_start3A_1936 = tpu.memref_slice %arg9[%dma_start3A_1931, %dma_start3A_1935] : memref<8x128xi32, #tpu.memory_space<vmem>> -> memref<1x128xi32, #tpu.memory_space<vmem>>
        %dma_start3A_1937 = tpu.memref_squeeze %dma_start3A_1936 : memref<1x128xi32, #tpu.memory_space<vmem>> -> memref<128xi32, #tpu.memory_space<vmem>>
        %dma_start3A_1938 = arith.constant 0 : i32
        %dma_start3A_1939 = tpu.memref_slice %arg5[%dma_start3A_1938] : memref<51200000xf32, #tpu.memory_space<hbm>> -> memref<51200000xf32, #tpu.memory_space<hbm>>
        tpu.enqueue_indirect_dma source(%dma_start3A_1934 : memref<128xf32, #tpu.memory_space<vmem>>) target(%dma_start3A_1939 : memref<51200000xf32, #tpu.memory_space<hbm>>) offsets(%dma_start3A_1937 : memref<128xi32, #tpu.memory_space<vmem>>) semaphore(%arg12 : memref<!tpu.dma_semaphore, #tpu.memory_space<semaphore_mem>>)
        %dma_start3A_1940 = arith.constant 4 : i32
        %dma_start3A_1941 = arith.constant 4 : i32
        %dma_start3A_1942 = arith.constant 0 : i32
        %dma_start3A_1943 = tpu.memref_slice %arg10[%dma_start3A_1940, %dma_start3A_1942] : memref<8x128xf32, #tpu.memory_space<vmem>> -> memref<1x128xf32, #tpu.memory_space<vmem>>
        %dma_start3A_1944 = tpu.memref_squeeze %dma_start3A_1943 : memref<1x128xf32, #tpu.memory_space<vmem>> -> memref<128xf32, #tpu.memory_space<vmem>>
        %dma_start3A_1945 = arith.constant 0 : i32
        %dma_start3A_1946 = tpu.memref_slice %arg9[%dma_start3A_1941, %dma_start3A_1945] : memref<8x128xi32, #tpu.memory_space<vmem>> -> memref<1x128xi32, #tpu.memory_space<vmem>>
        %dma_start3A_1947 = tpu.memref_squeeze %dma_start3A_1946 : memref<1x128xi32, #tpu.memory_space<vmem>> -> memref<128xi32, #tpu.memory_space<vmem>>
        %dma_start3A_1948 = arith.constant 0 : i32
        %dma_start3A_1949 = tpu.memref_slice %arg5[%dma_start3A_1948] : memref<51200000xf32, #tpu.memory_space<hbm>> -> memref<51200000xf32, #tpu.memory_space<hbm>>
        tpu.enqueue_indirect_dma source(%dma_start3A_1944 : memref<128xf32, #tpu.memory_space<vmem>>) target(%dma_start3A_1949 : memref<51200000xf32, #tpu.memory_space<hbm>>) offsets(%dma_start3A_1947 : memref<128xi32, #tpu.memory_space<vmem>>) semaphore(%arg12 : memref<!tpu.dma_semaphore, #tpu.memory_space<semaphore_mem>>)
        %dma_start3A_1950 = arith.constant 5 : i32
        %dma_start3A_1951 = arith.constant 5 : i32
        %dma_start3A_1952 = arith.constant 0 : i32
        %dma_start3A_1953 = tpu.memref_slice %arg10[%dma_start3A_1950, %dma_start3A_1952] : memref<8x128xf32, #tpu.memory_space<vmem>> -> memref<1x128xf32, #tpu.memory_space<vmem>>
        %dma_start3A_1954 = tpu.memref_squeeze %dma_start3A_1953 : memref<1x128xf32, #tpu.memory_space<vmem>> -> memref<128xf32, #tpu.memory_space<vmem>>
        %dma_start3A_1955 = arith.constant 0 : i32
        %dma_start3A_1956 = tpu.memref_slice %arg9[%dma_start3A_1951, %dma_start3A_1955] : memref<8x128xi32, #tpu.memory_space<vmem>> -> memref<1x128xi32, #tpu.memory_space<vmem>>
        %dma_start3A_1957 = tpu.memref_squeeze %dma_start3A_1956 : memref<1x128xi32, #tpu.memory_space<vmem>> -> memref<128xi32, #tpu.memory_space<vmem>>
        %dma_start3A_1958 = arith.constant 0 : i32
        %dma_start3A_1959 = tpu.memref_slice %arg5[%dma_start3A_1958] : memref<51200000xf32, #tpu.memory_space<hbm>> -> memref<51200000xf32, #tpu.memory_space<hbm>>
        tpu.enqueue_indirect_dma source(%dma_start3A_1954 : memref<128xf32, #tpu.memory_space<vmem>>) target(%dma_start3A_1959 : memref<51200000xf32, #tpu.memory_space<hbm>>) offsets(%dma_start3A_1957 : memref<128xi32, #tpu.memory_space<vmem>>) semaphore(%arg12 : memref<!tpu.dma_semaphore, #tpu.memory_space<semaphore_mem>>)
        %dma_start3A_1960 = arith.constant 6 : i32
        %dma_start3A_1961 = arith.constant 6 : i32
        %dma_start3A_1962 = arith.constant 0 : i32
        %dma_start3A_1963 = tpu.memref_slice %arg10[%dma_start3A_1960, %dma_start3A_1962] : memref<8x128xf32, #tpu.memory_space<vmem>> -> memref<1x128xf32, #tpu.memory_space<vmem>>
        %dma_start3A_1964 = tpu.memref_squeeze %dma_start3A_1963 : memref<1x128xf32, #tpu.memory_space<vmem>> -> memref<128xf32, #tpu.memory_space<vmem>>
        %dma_start3A_1965 = arith.constant 0 : i32
        %dma_start3A_1966 = tpu.memref_slice %arg9[%dma_start3A_1961, %dma_start3A_1965] : memref<8x128xi32, #tpu.memory_space<vmem>> -> memref<1x128xi32, #tpu.memory_space<vmem>>
        %dma_start3A_1967 = tpu.memref_squeeze %dma_start3A_1966 : memref<1x128xi32, #tpu.memory_space<vmem>> -> memref<128xi32, #tpu.memory_space<vmem>>
        %dma_start3A_1968 = arith.constant 0 : i32
        %dma_start3A_1969 = tpu.memref_slice %arg5[%dma_start3A_1968] : memref<51200000xf32, #tpu.memory_space<hbm>> -> memref<51200000xf32, #tpu.memory_space<hbm>>
        tpu.enqueue_indirect_dma source(%dma_start3A_1964 : memref<128xf32, #tpu.memory_space<vmem>>) target(%dma_start3A_1969 : memref<51200000xf32, #tpu.memory_space<hbm>>) offsets(%dma_start3A_1967 : memref<128xi32, #tpu.memory_space<vmem>>) semaphore(%arg12 : memref<!tpu.dma_semaphore, #tpu.memory_space<semaphore_mem>>)
        %dma_start3A_1970 = arith.constant 7 : i32
        %dma_start3A_1971 = arith.constant 7 : i32
        %dma_start3A_1972 = arith.constant 0 : i32
        %dma_start3A_1973 = tpu.memref_slice %arg10[%dma_start3A_1970, %dma_start3A_1972] : memref<8x128xf32, #tpu.memory_space<vmem>> -> memref<1x128xf32, #tpu.memory_space<vmem>>
        %dma_start3A_1974 = tpu.memref_squeeze %dma_start3A_1973 : memref<1x128xf32, #tpu.memory_space<vmem>> -> memref<128xf32, #tpu.memory_space<vmem>>
        %dma_start3A_1975 = arith.constant 0 : i32
        %dma_start3A_1976 = tpu.memref_slice %arg9[%dma_start3A_1971, %dma_start3A_1975] : memref<8x128xi32, #tpu.memory_space<vmem>> -> memref<1x128xi32, #tpu.memory_space<vmem>>
        %dma_start3A_1977 = tpu.memref_squeeze %dma_start3A_1976 : memref<1x128xi32, #tpu.memory_space<vmem>> -> memref<128xi32, #tpu.memory_space<vmem>>
        %dma_start3A_1978 = arith.constant 0 : i32
        %dma_start3A_1979 = tpu.memref_slice %arg5[%dma_start3A_1978] : memref<51200000xf32, #tpu.memory_space<hbm>> -> memref<51200000xf32, #tpu.memory_space<hbm>>
        tpu.enqueue_indirect_dma source(%dma_start3A_1974 : memref<128xf32, #tpu.memory_space<vmem>>) target(%dma_start3A_1979 : memref<51200000xf32, #tpu.memory_space<hbm>>) offsets(%dma_start3A_1977 : memref<128xi32, #tpu.memory_space<vmem>>) semaphore(%arg12 : memref<!tpu.dma_semaphore, #tpu.memory_space<semaphore_mem>>)
        %dma_wait3A = arith.constant 0 : i32
        %dma_wait3A_1980 = arith.constant 0 : i32
        %dma_wait3A_1981 = arith.constant 0 : i32
        %dma_wait3A_1982 = tpu.memref_slice %arg10[%dma_wait3A, %dma_wait3A_1981] : memref<8x128xf32, #tpu.memory_space<vmem>> -> memref<1x128xf32, #tpu.memory_space<vmem>>
        %dma_wait3A_1983 = tpu.memref_squeeze %dma_wait3A_1982 : memref<1x128xf32, #tpu.memory_space<vmem>> -> memref<128xf32, #tpu.memory_space<vmem>>
        %dma_wait3A_1984 = arith.constant 0 : i32
        %dma_wait3A_1985 = tpu.memref_slice %arg9[%dma_wait3A_1980, %dma_wait3A_1984] : memref<8x128xi32, #tpu.memory_space<vmem>> -> memref<1x128xi32, #tpu.memory_space<vmem>>
        %dma_wait3A_1986 = tpu.memref_squeeze %dma_wait3A_1985 : memref<1x128xi32, #tpu.memory_space<vmem>> -> memref<128xi32, #tpu.memory_space<vmem>>
        %dma_wait3A_1987 = arith.constant 0 : i32
        %dma_wait3A_1988 = tpu.memref_slice %arg5[%dma_wait3A_1987] : memref<51200000xf32, #tpu.memory_space<hbm>> -> memref<51200000xf32, #tpu.memory_space<hbm>>
        tpu.wait_indirect_dma semaphore(%arg12 : memref<!tpu.dma_semaphore, #tpu.memory_space<semaphore_mem>>) src(%dma_wait3A_1983 : memref<128xf32, #tpu.memory_space<vmem>>) dst(%dma_wait3A_1988 : memref<51200000xf32, #tpu.memory_space<hbm>>)
        %dma_wait3A_1989 = arith.constant 1 : i32
        %dma_wait3A_1990 = arith.constant 1 : i32
        %dma_wait3A_1991 = arith.constant 0 : i32
        %dma_wait3A_1992 = tpu.memref_slice %arg10[%dma_wait3A_1989, %dma_wait3A_1991] : memref<8x128xf32, #tpu.memory_space<vmem>> -> memref<1x128xf32, #tpu.memory_space<vmem>>
        %dma_wait3A_1993 = tpu.memref_squeeze %dma_wait3A_1992 : memref<1x128xf32, #tpu.memory_space<vmem>> -> memref<128xf32, #tpu.memory_space<vmem>>
        %dma_wait3A_1994 = arith.constant 0 : i32
        %dma_wait3A_1995 = tpu.memref_slice %arg9[%dma_wait3A_1990, %dma_wait3A_1994] : memref<8x128xi32, #tpu.memory_space<vmem>> -> memref<1x128xi32, #tpu.memory_space<vmem>>
        %dma_wait3A_1996 = tpu.memref_squeeze %dma_wait3A_1995 : memref<1x128xi32, #tpu.memory_space<vmem>> -> memref<128xi32, #tpu.memory_space<vmem>>
        %dma_wait3A_1997 = arith.constant 0 : i32
        %dma_wait3A_1998 = tpu.memref_slice %arg5[%dma_wait3A_1997] : memref<51200000xf32, #tpu.memory_space<hbm>> -> memref<51200000xf32, #tpu.memory_space<hbm>>
        tpu.wait_indirect_dma semaphore(%arg12 : memref<!tpu.dma_semaphore, #tpu.memory_space<semaphore_mem>>) src(%dma_wait3A_1993 : memref<128xf32, #tpu.memory_space<vmem>>) dst(%dma_wait3A_1998 : memref<51200000xf32, #tpu.memory_space<hbm>>)
        %dma_wait3A_1999 = arith.constant 2 : i32
        %dma_wait3A_2000 = arith.constant 2 : i32
        %dma_wait3A_2001 = arith.constant 0 : i32
        %dma_wait3A_2002 = tpu.memref_slice %arg10[%dma_wait3A_1999, %dma_wait3A_2001] : memref<8x128xf32, #tpu.memory_space<vmem>> -> memref<1x128xf32, #tpu.memory_space<vmem>>
        %dma_wait3A_2003 = tpu.memref_squeeze %dma_wait3A_2002 : memref<1x128xf32, #tpu.memory_space<vmem>> -> memref<128xf32, #tpu.memory_space<vmem>>
        %dma_wait3A_2004 = arith.constant 0 : i32
        %dma_wait3A_2005 = tpu.memref_slice %arg9[%dma_wait3A_2000, %dma_wait3A_2004] : memref<8x128xi32, #tpu.memory_space<vmem>> -> memref<1x128xi32, #tpu.memory_space<vmem>>
        %dma_wait3A_2006 = tpu.memref_squeeze %dma_wait3A_2005 : memref<1x128xi32, #tpu.memory_space<vmem>> -> memref<128xi32, #tpu.memory_space<vmem>>
        %dma_wait3A_2007 = arith.constant 0 : i32
        %dma_wait3A_2008 = tpu.memref_slice %arg5[%dma_wait3A_2007] : memref<51200000xf32, #tpu.memory_space<hbm>> -> memref<51200000xf32, #tpu.memory_space<hbm>>
        tpu.wait_indirect_dma semaphore(%arg12 : memref<!tpu.dma_semaphore, #tpu.memory_space<semaphore_mem>>) src(%dma_wait3A_2003 : memref<128xf32, #tpu.memory_space<vmem>>) dst(%dma_wait3A_2008 : memref<51200000xf32, #tpu.memory_space<hbm>>)
        %dma_wait3A_2009 = arith.constant 3 : i32
        %dma_wait3A_2010 = arith.constant 3 : i32
        %dma_wait3A_2011 = arith.constant 0 : i32
        %dma_wait3A_2012 = tpu.memref_slice %arg10[%dma_wait3A_2009, %dma_wait3A_2011] : memref<8x128xf32, #tpu.memory_space<vmem>> -> memref<1x128xf32, #tpu.memory_space<vmem>>
        %dma_wait3A_2013 = tpu.memref_squeeze %dma_wait3A_2012 : memref<1x128xf32, #tpu.memory_space<vmem>> -> memref<128xf32, #tpu.memory_space<vmem>>
        %dma_wait3A_2014 = arith.constant 0 : i32
        %dma_wait3A_2015 = tpu.memref_slice %arg9[%dma_wait3A_2010, %dma_wait3A_2014] : memref<8x128xi32, #tpu.memory_space<vmem>> -> memref<1x128xi32, #tpu.memory_space<vmem>>
        %dma_wait3A_2016 = tpu.memref_squeeze %dma_wait3A_2015 : memref<1x128xi32, #tpu.memory_space<vmem>> -> memref<128xi32, #tpu.memory_space<vmem>>
        %dma_wait3A_2017 = arith.constant 0 : i32
        %dma_wait3A_2018 = tpu.memref_slice %arg5[%dma_wait3A_2017] : memref<51200000xf32, #tpu.memory_space<hbm>> -> memref<51200000xf32, #tpu.memory_space<hbm>>
        tpu.wait_indirect_dma semaphore(%arg12 : memref<!tpu.dma_semaphore, #tpu.memory_space<semaphore_mem>>) src(%dma_wait3A_2013 : memref<128xf32, #tpu.memory_space<vmem>>) dst(%dma_wait3A_2018 : memref<51200000xf32, #tpu.memory_space<hbm>>)
        %dma_wait3A_2019 = arith.constant 4 : i32
        %dma_wait3A_2020 = arith.constant 4 : i32
        %dma_wait3A_2021 = arith.constant 0 : i32
        %dma_wait3A_2022 = tpu.memref_slice %arg10[%dma_wait3A_2019, %dma_wait3A_2021] : memref<8x128xf32, #tpu.memory_space<vmem>> -> memref<1x128xf32, #tpu.memory_space<vmem>>
        %dma_wait3A_2023 = tpu.memref_squeeze %dma_wait3A_2022 : memref<1x128xf32, #tpu.memory_space<vmem>> -> memref<128xf32, #tpu.memory_space<vmem>>
        %dma_wait3A_2024 = arith.constant 0 : i32
        %dma_wait3A_2025 = tpu.memref_slice %arg9[%dma_wait3A_2020, %dma_wait3A_2024] : memref<8x128xi32, #tpu.memory_space<vmem>> -> memref<1x128xi32, #tpu.memory_space<vmem>>
        %dma_wait3A_2026 = tpu.memref_squeeze %dma_wait3A_2025 : memref<1x128xi32, #tpu.memory_space<vmem>> -> memref<128xi32, #tpu.memory_space<vmem>>
        %dma_wait3A_2027 = arith.constant 0 : i32
        %dma_wait3A_2028 = tpu.memref_slice %arg5[%dma_wait3A_2027] : memref<51200000xf32, #tpu.memory_space<hbm>> -> memref<51200000xf32, #tpu.memory_space<hbm>>
        tpu.wait_indirect_dma semaphore(%arg12 : memref<!tpu.dma_semaphore, #tpu.memory_space<semaphore_mem>>) src(%dma_wait3A_2023 : memref<128xf32, #tpu.memory_space<vmem>>) dst(%dma_wait3A_2028 : memref<51200000xf32, #tpu.memory_space<hbm>>)
        %dma_wait3A_2029 = arith.constant 5 : i32
        %dma_wait3A_2030 = arith.constant 5 : i32
        %dma_wait3A_2031 = arith.constant 0 : i32
        %dma_wait3A_2032 = tpu.memref_slice %arg10[%dma_wait3A_2029, %dma_wait3A_2031] : memref<8x128xf32, #tpu.memory_space<vmem>> -> memref<1x128xf32, #tpu.memory_space<vmem>>
        %dma_wait3A_2033 = tpu.memref_squeeze %dma_wait3A_2032 : memref<1x128xf32, #tpu.memory_space<vmem>> -> memref<128xf32, #tpu.memory_space<vmem>>
        %dma_wait3A_2034 = arith.constant 0 : i32
        %dma_wait3A_2035 = tpu.memref_slice %arg9[%dma_wait3A_2030, %dma_wait3A_2034] : memref<8x128xi32, #tpu.memory_space<vmem>> -> memref<1x128xi32, #tpu.memory_space<vmem>>
        %dma_wait3A_2036 = tpu.memref_squeeze %dma_wait3A_2035 : memref<1x128xi32, #tpu.memory_space<vmem>> -> memref<128xi32, #tpu.memory_space<vmem>>
        %dma_wait3A_2037 = arith.constant 0 : i32
        %dma_wait3A_2038 = tpu.memref_slice %arg5[%dma_wait3A_2037] : memref<51200000xf32, #tpu.memory_space<hbm>> -> memref<51200000xf32, #tpu.memory_space<hbm>>
        tpu.wait_indirect_dma semaphore(%arg12 : memref<!tpu.dma_semaphore, #tpu.memory_space<semaphore_mem>>) src(%dma_wait3A_2033 : memref<128xf32, #tpu.memory_space<vmem>>) dst(%dma_wait3A_2038 : memref<51200000xf32, #tpu.memory_space<hbm>>)
        %dma_wait3A_2039 = arith.constant 6 : i32
        %dma_wait3A_2040 = arith.constant 6 : i32
        %dma_wait3A_2041 = arith.constant 0 : i32
        %dma_wait3A_2042 = tpu.memref_slice %arg10[%dma_wait3A_2039, %dma_wait3A_2041] : memref<8x128xf32, #tpu.memory_space<vmem>> -> memref<1x128xf32, #tpu.memory_space<vmem>>
        %dma_wait3A_2043 = tpu.memref_squeeze %dma_wait3A_2042 : memref<1x128xf32, #tpu.memory_space<vmem>> -> memref<128xf32, #tpu.memory_space<vmem>>
        %dma_wait3A_2044 = arith.constant 0 : i32
        %dma_wait3A_2045 = tpu.memref_slice %arg9[%dma_wait3A_2040, %dma_wait3A_2044] : memref<8x128xi32, #tpu.memory_space<vmem>> -> memref<1x128xi32, #tpu.memory_space<vmem>>
        %dma_wait3A_2046 = tpu.memref_squeeze %dma_wait3A_2045 : memref<1x128xi32, #tpu.memory_space<vmem>> -> memref<128xi32, #tpu.memory_space<vmem>>
        %dma_wait3A_2047 = arith.constant 0 : i32
        %dma_wait3A_2048 = tpu.memref_slice %arg5[%dma_wait3A_2047] : memref<51200000xf32, #tpu.memory_space<hbm>> -> memref<51200000xf32, #tpu.memory_space<hbm>>
        tpu.wait_indirect_dma semaphore(%arg12 : memref<!tpu.dma_semaphore, #tpu.memory_space<semaphore_mem>>) src(%dma_wait3A_2043 : memref<128xf32, #tpu.memory_space<vmem>>) dst(%dma_wait3A_2048 : memref<51200000xf32, #tpu.memory_space<hbm>>)
        %dma_wait3A_2049 = arith.constant 7 : i32
        %dma_wait3A_2050 = arith.constant 7 : i32
        %dma_wait3A_2051 = arith.constant 0 : i32
        %dma_wait3A_2052 = tpu.memref_slice %arg10[%dma_wait3A_2049, %dma_wait3A_2051] : memref<8x128xf32, #tpu.memory_space<vmem>> -> memref<1x128xf32, #tpu.memory_space<vmem>>
        %dma_wait3A_2053 = tpu.memref_squeeze %dma_wait3A_2052 : memref<1x128xf32, #tpu.memory_space<vmem>> -> memref<128xf32, #tpu.memory_space<vmem>>
        %dma_wait3A_2054 = arith.constant 0 : i32
        %dma_wait3A_2055 = tpu.memref_slice %arg9[%dma_wait3A_2050, %dma_wait3A_2054] : memref<8x128xi32, #tpu.memory_space<vmem>> -> memref<1x128xi32, #tpu.memory_space<vmem>>
        %dma_wait3A_2056 = tpu.memref_squeeze %dma_wait3A_2055 : memref<1x128xi32, #tpu.memory_space<vmem>> -> memref<128xi32, #tpu.memory_space<vmem>>
        %dma_wait3A_2057 = arith.constant 0 : i32
        %dma_wait3A_2058 = tpu.memref_slice %arg5[%dma_wait3A_2057] : memref<51200000xf32, #tpu.memory_space<hbm>> -> memref<51200000xf32, #tpu.memory_space<hbm>>
        tpu.wait_indirect_dma semaphore(%arg12 : memref<!tpu.dma_semaphore, #tpu.memory_space<semaphore_mem>>) src(%dma_wait3A_2053 : memref<128xf32, #tpu.memory_space<vmem>>) dst(%dma_wait3A_2058 : memref<51200000xf32, #tpu.memory_space<hbm>>)
      } else {
      }
    }
    %scan3A_19 = arith.constant 25 : i32
    return
  }
}

</mosaic_0001>

<sc_bundles>
// kernel: kernel.3.cloned.1.call-start
scs
__scs_entry_jumppad:
0x0: {  	(pc) =	sbr.rel $0x88, $3  }
0x1: {  	(tag) =	ssettag $0x0;
	lr =	simm.s32 $0x1  }
0x2: {  	[smem:$0x3F9F] =	sst lr;
	_ =	strace $0xD0000000  }
0x3: {  	_ = 	snop  }
0x4: {  	_ = 	snop  }
0x5: {  	_ = 	snop  }
0x6: {  	_ = 	snop  }
0x7: {  	_ = 	snop  }
__scs_overlays_trampoline_lowered:
0x8: {  	[smem:$0x3FAE] =	sst s0  }
0x9: {  	[smem:$0x3FAF] =	sst s1  }
0xa: {  	[smem:$0x3FB0] =	sst s2  }
0xb: {  	[smem:$0x3FB1] =	sst s3  }
0xc: {  	[smem:$0x3FB2] =	sst s4  }
0xd: {  	[smem:$0x3FB3] =	sst s5  }
0xe: {  	[smem:$0x3FB4] =	sst s6  }
0xf: {  	[smem:$0x3FB5] =	sst s7  }
0x10: {  	[smem:$0x3FB6] =	sst s8  }
0x11: {  	[smem:$0x3FB7] =	sst s9;
	s0 =	simm.s32 @!p0 $0x0  }
0x12: {  	s1 =	sld [smem:$0x3F9D];
	s0 =	simm.s32 @p0 $0x1  }
0x13: {  	[smem:$0x3FB8] =	sst s0;
	s0 =	simm.s32 @!p1 $0x0  }
0x14: {  	s2 =	sld [smem:$0x3F9C];
	s0 =	simm.s32 @p1 $0x1  }
0x15: {  	[smem:$0x3FB9] =	sst s0;
	s0 =	simm.s32 @!p2 $0x0  }
0x16: {  	s3 =	sld [smem:$0x3FDB];
	s0 =	simm.s32 @p2 $0x1  }
0x17: {  	s4 =	simm.s32 $0x1BF5;
	[smem:$0x3FBB] =	sst s0  }
0x18: {  	s0 =	sld [smem:$0x3F9E];
	_ =	swait.ge [sflag:s4], $0x0  }
0x19: {  	s7 =	sld [smem:$0x3F9F]  }
0x1a: {  	s8 =	sadd.s32 $0xFFFFE003, lr  }
0x1b: {  	s9 =	sadd.s32 $0xFFFFFEF7, lr;
	s5 =	simm.s32 $0xFFFFFFFF;
	p2 =	slt.u32 s8, $0xFFFFF086  }
0x1c: {  	p1 =	slt.u32 s9, $0xF7A;
	s5 =	simm.s32 @!p2 $0x0  }
0x1d: {  	s5 =	simm.s32 @p1 $0x1;
	p0 =	seq.s32 s7, s2  }
0x1e: {  	s7 =	smul.u32 @!p0 $0xF7A, s2;
	p2 =	seq.s32 @!p0 s5, $0x0  }
0x1f: {  	s9 =	smul.u32 $0xF7A, s1;
	s8 =	simm.s32 @!p0 $0x1BF5;
	p2 =	por !p2, p0  }
0x20: {  	[sflag:s8] =	ssyncset.s32 @!p0 $0xFFFFF086;
	s6 =	sadd.s32 @!p0 s3, s7;
	s7 =	simm.s32 @!p0 $0x108  }
0x21: {  	s3 =	sadd.s32 s3, s9;
	s6 =	sadd.s32 @!p0 $0x88, s6;
	s7 =	simm.s32 @p2 $0x1082  }
0x22: {  	[simem:s7], [sflag:s8] =	dma.local @!p0 [hbm:s6], $0xF7A  }
0x23: {  	s9 =	sor.u32 $0xD0000000, s2;
	s6 =	simm.s32 $0x108;
	_ =	swait.ge @!p0 [sflag:s8], $0x0  }
0x24: {  	s3 =	sadd.s32 $0x88, s3;
	s6 =	simm.s32 @!p1 $0x1082;
	[sflag:s4] =	ssyncset.s32 $0xFFFFF086  }
0x25: {  	[simem:s6], [sflag:s4] =	dma.local [hbm:s3], $0xF7A  }
0x26: {  	[smem:$0x3F9F] =	sst s1;
	(tag) =	ssettag s2;
	_ =	strace s9  }
0x27: {  	s1 =	sld [smem:$0x3FAF]  }
0x28: {  	s2 =	sld [smem:$0x3FB0]  }
0x29: {  	s4 =	sld [smem:$0x3FB2]  }
0x2a: {  	p0 =	seq.s32 s5, $0x0;
	s5 =	sld [smem:$0x3FB3]  }
0x2b: {  	s6 =	sld [smem:$0x3FB4]  }
0x2c: {  	s7 =	sld [smem:$0x3FB5]  }
0x2d: {  	s3 =	simm.s32 $0x108;
	s8 =	sld [smem:$0x3FB6]  }
0x2e: {  	s3 =	simm.s32 @!p0 $0x1082;
	s9 =	sld [smem:$0x3FB7]  }
0x2f: {  	lr =	sadd.s32 s0, s3;
	s0 =	sld [smem:$0x3FAE]  }
0x30: {  	s3 =	sld [smem:$0x3FB1]  }
0x31: {  	[smem:$0x3FBA] =	sst s10  }
0x32: {  	s10 =	sld [smem:$0x3FB8];
	_ =	sdelay $0x3  }
0x33: {  	p0 =	seq.s32 s10, $0x1;
	s10 =	sld [smem:$0x3FBA];
	_ =	sdelay $0x3  }
0x34: {  	[smem:$0x3FBA] =	sst s10  }
0x35: {  	s10 =	sld [smem:$0x3FB9];
	_ =	sdelay $0x3  }
0x36: {  	p1 =	seq.s32 s10, $0x1;
	s10 =	sld [smem:$0x3FBA];
	_ =	sdelay $0x3  }
0x37: {  	[smem:$0x3FBA] =	sst s10  }
0x38: {  	s10 =	sld [smem:$0x3FBB]  }
0x39: {  	_ = 	snop;
	(pc) =	sbr.ind lr, $3  }
0x3a: {  	_ = 	snop  }
0x3b: {  	_ = 	snop  }
0x3c: {  	p2 =	seq.s32 s10, $0x1;
	s10 =	sld [smem:$0x3FBA]  }
0x3d: {  	_ =	shalt  }
0x3e: {  	_ =	shalt  }
0x3f: {  	_ =	shalt  }
0x40: {  	_ =	shalt  }
0x41: {  	_ =	shalt  }
0x42: {  	_ =	shalt  }
0x43: {  	_ =	shalt  }
0x44: {  	_ =	shalt  }
0x45: {  	_ =	shalt  }
0x46: {  	_ =	shalt  }
0x47: {  	_ =	shalt  }
0x48: {  	_ =	shalt  }
0x49: {  	_ =	shalt  }
0x4a: {  	_ =	shalt  }
0x4b: {  	_ =	shalt  }
0x4c: {  	_ =	shalt  }
0x4d: {  	_ =	shalt  }
0x4e: {  	_ =	shalt  }
0x4f: {  	_ =	shalt  }
0x50: {  	_ =	shalt  }
0x51: {  	_ =	shalt  }
0x52: {  	_ =	shalt  }
0x53: {  	_ =	shalt  }
0x54: {  	_ =	shalt  }
0x55: {  	_ =	shalt  }
0x56: {  	_ =	shalt  }
0x57: {  	_ =	shalt  }
0x58: {  	_ =	shalt  }
0x59: {  	_ =	shalt  }
0x5a: {  	_ =	shalt  }
0x5b: {  	_ =	shalt  }
0x5c: {  	_ =	shalt  }
0x5d: {  	_ =	shalt  }
0x5e: {  	_ =	shalt  }
0x5f: {  	_ =	shalt  }
0x60: {  	_ =	shalt  }
0x61: {  	_ =	shalt  }
0x62: {  	_ =	shalt  }
0x63: {  	_ =	shalt  }
0x64: {  	_ =	shalt  }
0x65: {  	_ =	shalt  }
0x66: {  	_ =	shalt  }
0x67: {  	_ =	shalt  }
0x68: {  	_ =	shalt  }
0x69: {  	_ =	shalt  }
0x6a: {  	_ =	shalt  }
0x6b: {  	_ =	shalt  }
0x6c: {  	_ =	shalt  }
0x6d: {  	_ =	shalt  }
0x6e: {  	_ =	shalt  }
0x6f: {  	_ =	shalt  }
0x70: {  	_ =	shalt  }
0x71: {  	_ =	shalt  }
0x72: {  	_ =	shalt  }
0x73: {  	_ =	shalt  }
0x74: {  	_ =	shalt  }
0x75: {  	_ =	shalt  }
0x76: {  	_ =	shalt  }
0x77: {  	_ =	shalt  }
0x78: {  	_ =	shalt  }
0x79: {  	_ =	shalt  }
0x7a: {  	_ =	shalt  }
0x7b: {  	_ =	shalt  }
0x7c: {  	_ =	shalt  }
0x7d: {  	_ =	shalt  }
0x7e: {  	_ =	shalt  }
0x7f: {  	_ =	shalt  }
0x80: {  	_ =	shalt  }
0x81: {  	_ =	shalt  }
0x82: {  	_ =	shalt  }
0x83: {  	_ =	shalt  }
0x84: {  	_ =	shalt  }
0x85: {  	_ =	shalt  }
0x86: {  	_ =	shalt  }
0x87: {  	_ =	shalt  }
.Lfunc_end0:
.L_simem_size_0:
called_computation_lowered:
.L_overlay_start_0:
0x88: {  	s2 =	sld [smem:$0x3FD9]  }
0x89: {  	s3 =	sld [smem:$0x3FFE];
	_ =	sdelay $0x1  }
0x8a: {  	s1 =	srdreg.scid  }
0x8b: {  	s0 =	sand.u32 $0x1, s1  }
0x8c: {  	s17 =	sshll.u32 s0, $0xA;
	s2 =	sadd.s32 s3, s2  }
0x8d: {  	s2 =	sadd.s32 s2, s17  }
0x8e: {  	[smem:$0x3FC6] =	sst s2  }
0x8f: {  	_ = 	snop  }
0x90: {  	s2 =	sld [smem:$0x3FD0];
	(tm) =	ssettm $0x1  }
0x91: {  	s18 =	sld [smem:$0x3FFB];
	_ =	sdelay $0x3  }
0x92: {  	_ =	strace s18  }
0x93: {  	s3 =	sld [smem:$0x3FFC];
	_ =	sdelay $0x3  }
0x94: {  	_ =	strace s3  }
0x95: {  	s3 =	sld [smem:$0x3FFD];
	_ =	sdelay $0x3  }
0x96: {  	_ =	strace s3  }
0x97: {  	_ =	strace $0x8FFFFFFF  }
0x98: {  	s19 =	sld [smem:$0x3FDB];
	_ =	sdelay $0x1  }
0x99: {  	s4 =	simm.s32 $_scs_section_size  }
0x9a: {  	s5 =	simm.s32 $_size__tile_overlayer_lowered;
	s6 =	simm.s32 $_tile_overlayer_lowered  }
0x9b: {  	s22 =	simm.s32 $0x1BFF;
	s21 =	sshll.u32 s6, $0x1;
	s3 =	sadd.s32 s4, s19  }
0x9c: {  	s7 =	simm.s32 $0x0;
	s20 =	sshll.u32 s5, $0x1;
	s5 =	sadd.s32 s21, s3  }
0x9d: {  	[timem:s7], [sflag:s22] =	dma.local [hbm:s5], s20  }
0x9e: {  	_ =	swait.ge [sflag:s22], s20  }
0x9f: {  	s4 =	ssub.s32 $0x0, s20;
	[sflag:s22] =	ssyncset.done $0x0  }
0xa0: {  	[sflag:s22] =	ssyncadd.s32 s4;
	_ =	sdelay $0x1  }
0xa1: {  	s23 =	simm.s32 $0x1B8B  }
0xa2: {  	_ =	swait.ge [sflag:s23], $0x1  }
0xa3: {  	[sflag:s23] =	ssyncset.done $0x0  }
0xa4: {  	s25 =	simm.s32 $0x1B8E;
	s24 =	sld [smem:$0x3FFE];
	[sflag:s23] =	ssyncadd.s32 $0xFFFFFFFF  }
0xa5: {  	s26 =	simm.s32 $execute0_lowered;
	[smem:$0x3FD2] =	sst s25  }
0xa6: {  	s5 =	sshll.u32 s26, $0x1;
	_ =	strace $0x80000046;
	[dreg:$0x1] =	wrdreg $0xFFFFFFFF  }
0xa7: {  	s28 =	simm.s32 $_size_execute0_lowered;
	s3 =	sadd.s32 s3, s5;
	[dreg:$0x0] =	wrdreg $0x0  }
0xa8: {  	s5 =	sshll.u32 s28, $0x1;
	[dreg:$0x2] =	wrdreg s3  }
0xa9: {  	[dreg:$0x3] =	wrdreg s5  }
0xaa: {  	[dreg:$0x4] =	wrdreg $0xC0  }
0xab: {  	_ =	task [dreg:s7], $0x5FFFF  }
0xac: {  	[dreg:$0x1] =	wrdreg $0xFFFFFFFF  }
0xad: {  	[dreg:$0x0] =	wrdreg $0x60  }
0xae: {  	[dreg:$0x2] =	wrdreg s24  }
0xaf: {  	[dreg:$0x3] =	wrdreg s2  }
0xb0: {  	[dreg:$0x4] =	wrdreg $0x9  }
0xb1: {  	_ =	task.clear_ibuf [dreg:s7], $0x5FFFF;
	_ =	strace $0x90000046  }
0xb2: {  	s29 =	simm.s32 $0x9;
	_ =	strace $0x80000048  }
0xb3: {  	_ =	swait.ge [sflag:s29], $0x1  }
0xb4: {  	[sflag:s29] =	ssyncadd.s32 $0xFFFFFFFF  }
0xb5: {  	_ =	strace $0x90000048  }
0xb6: {  	_ =	sfence  }
0xb7: {  	s30 =	sld [smem:$0x0];
	_ =	sdelay $0x2  }
0xb8: {  	s31 =	sshll.u32 s1, $0xD;
	s1 =	sshrl.u32 s1, $0x2  }
0xb9: {  	s3 =	sand.u32 $0x4000, s31;
	s1 =	sadd.s32 s1, s30  }
0xba: {  	s0 =	sor.u32 s3, s0;
	s1 =	sshll.u32 s1, $0x11  }
0xbb: {  	s0 =	sor.u32 s1, s0  }
0xbc: {  	s0 =	sadd.s32 $0x8F2B, s0  }
0xbd: {  	[sflag:s0] =	ssyncadd.remote.s32 $0x1  }
0xbe: {  	_ =	sfence.sel $0xFFFF  }
0xbf: {  	[dreg:$0x0] =	wrdreg $0xFFFFFFFF;
	(pc) =	sbr.abs _section_cstart, $3  }
0xc0: {  	[dreg:$0x1] =	wrdreg $0xFFFFFFFF  }
0xc1: {  	_ =	task.clear_ibuf [dreg:s7], $0x2FFFF;
	_ =	strace $0x9FFFFFFF  }
0xc2: {  	(tm) =	ssettm $0x7FFFFFFF  }
0xc3: {  	_ =	shalt  }
tec
execute0_lowered:
.L_overlay_start_1:
0x0: {  	(tag) =	ssettag $0x1  }
0x1: {  	v0 =	vlaneseq.u32  }
0x2: {  	v1 =	vor.u32 $0x10, v0;
	v4 =	vor.u32 $0x40, v0;
	v5 =	vor.u32 $0x50, v0  }
0x3: {  	v6 =	vor.u32 $0x60, v0;
	v7 =	vor.u32 $0x70, v0;
	v8 =	vor.u32 $0x80, v0  }
0x4: {  	v9 =	vor.u32 $0x90, v0;
	v10 =	vor.u32 $0xA0, v0;
	v11 =	vor.u32 $0xB0, v0  }
0x5: {  	v12 =	vor.u32 $0xC0, v0;
	v13 =	vor.u32 $0xD0, v0;
	v14 =	vor.u32 $0xE0, v0  }
0x6: {  	s0 =	rddreg [dreg:$0x0];
	v15 =	vor.u32 $0xF0, v0;
	v16 =	vor.u32 $0x100, v0;
	v17 =	vor.u32 $0x110, v0  }
0x7: {  	s2 =	srdreg.scid;
	s1 =	rddreg [dreg:$0x1];
	v18 =	vor.u32 $0x120, v0;
	v19 =	vor.u32 $0x130, v0;
	v20 =	vor.u32 $0x140, v0  }
0x8: {  	s3 =	simm.s32 $0x0;
	s10 =	simm.s32 $0x3;
	s11 =	simm.s32 $0x1;
	v21 =	vor.u32 $0x150, v0;
	v22 =	vor.u32 $0x160, v0;
	v23 =	vor.u32 $0x170, v0  }
0x9: {  	s14 =	simm.s32 $0x10200;
	s15 =	simm.s32 $0x10600;
	s17 =	simm.s32 $0x10280;
	v24 =	vor.u32 $0x180, v0;
	v25 =	vor.u32 $0x190, v0;
	v26 =	vor.u32 $0x1A0, v0  }
0xa: {  	s18 =	simm.s32 $0x10680;
	s19 =	simm.s32 $0x10300;
	s20 =	simm.s32 $0x10700;
	v27 =	vor.u32 $0x1B0, v0;
	v28 =	vor.u32 $0x1C0, v0;
	v29 =	vor.u32 $0x1D0, v0  }
0xb: {  	s21 =	simm.s32 $0x10380;
	s22 =	simm.s32 $0x10780;
	s5 =	sand.u32 $0x1, s2;
	v30 =	vor.u32 $0x1E0, v0;
	v31 =	vor.u32 $0x1F0, v0;
	v32 =	vor.u32 $0x200, v0  }
0xc: {  	s28 =	simm.s32 $0x10500;
	s29 =	simm.s32 $0x10900;
	v33 =	vor.u32 $0x210, v0;
	v34 =	vor.u32 $0x220, v0;
	v35 =	vor.u32 $0x230, v0;
	s6 =	smul.u32 $0xC80, s5  }
0xd: {  	s30 =	simm.s32 $0x10580;
	s2 =	stileid.u32;
	v36 =	vor.u32 $0x240, v0;
	v37 =	vor.u32 $0x250, v0;
	v38 =	vor.u32 $0x260, v0;
	s4 =	smul.u32 $0x186A000, s5  }
0xe: {  	s16 =	simm.s32 $0x80;
	v39 =	vor.u32 $0x270, v0;
	v40 =	vor.u32 $0x280, v0;
	[tilespmem:$0x1FFD0] =	vst v1;
	v1 =	vor.u32 $0x20, v0;
	s7 =	smul.u32 $0x186A00, s2;
	s5 =	ssub.s32 $0x2, s5  }
0xf: {  	s31 =	simm.s32 $0x10980;
	[smem:$0x7FF] =	sst s3;
	v41 =	vor.u32 $0x290, v0;
	v42 =	vor.u32 $0x2A0, v0;
	[tilespmem:$0x1FFE0] =	vst v1;
	v1 =	vor.u32 $0x30, v0;
	s8 =	sshrl.u32 s5, $0x1  }
0x10: {  	v43 =	vor.u32 $0x2B0, v0;
	v44 =	vor.u32 $0x2C0, v0;
	v45 =	vor.u32 $0x2D0, v0;
	[tilespmem:$0x1FFF0] =	vst v1;
	s6 =	sadd.s32 s6, s0;
	s7 =	sadd.s32 s7, s4;
	s0 =	sadd.s32 $0x3800, s0  }
0x11: {  	v46 =	vor.u32 $0x2E0, v0;
	v47 =	vor.u32 $0x2F0, v0;
	v48 =	vor.u32 $0x300, v0;
	s23 =	ssub.s32 s5, s8;
	_ =	strace $0x80000047;
	[dreg:$0x3] =	wrdreg s0  }
.Ltmp0:
0x12: {  	v49 =	vor.u32 $0x310, v0;
	v50 =	vor.u32 $0x320, v0;
	v51 =	vor.u32 $0x330, v0;
	s24 =	sshrl.u32 s7, $0x3;
	s0 =	smax.u32 s23, $0x1;
	(pc) =	sbr.rel .LBB2_1-.Ltmp0, $4  }
0x13: {  	v52 =	vor.u32 $0x340, v0;
	v53 =	vor.u32 $0x350, v0;
	v54 =	vor.u32 $0x360, v0;
	s25 =	sadd.s32 $0x1E00, s6;
	s26 =	sadd.s32 $0x400, s6;
	[dreg:$0x4] =	wrdreg s0  }
0x14: {  	v55 =	vor.u32 $0x370, v0;
	v56 =	vor.u32 $0x380, v0;
	v57 =	vor.u32 $0x390, v0;
	s23 =	simm.s32 $0x10400;
	s6 =	simm.s32 $0x0;
	[dreg:$0x5] =	wrdreg s25  }
0x15: {  	v58 =	vor.u32 $0x3A0, v0;
	v59 =	vor.u32 $0x3B0, v0;
	v60 =	vor.u32 $0x3C0, v0;
	s7 =	sadd.s32 s24, s1;
	[dreg:$0x6] =	wrdreg s26;
	s24 =	simm.s32 $0x10800  }
0x16: {  	v61 =	vor.u32 $0x3D0, v0;
	v62 =	vor.u32 $0x3E0, v0;
	v63 =	vor.u32 $0x3F0, v0;
	s25 =	simm.s32 $0x10480;
	s26 =	simm.s32 $0x10880;
	s0 =	simm.s32 $0x2  }
.LBB2_7:
0x17: {  	s6 =	rddreg [dreg:$0x7]  }
0x18: {  	s5 =	rddreg [dreg:$0x4];
	s6 =	sadd.s32 $0x1, s6  }
0x19: {  	p0 =	sne.s32 s6, s5  }
.Ltmp1:
0x1a: {  	_ = 	snop;
	(pc) =	sbr.rel @!p0 .LBB2_8-.Ltmp1, $1  }
0x1b: {  	_ =	sdelay $0x3  }
.LBB2_1:
0x1c: {  	[dreg:$0x7] =	wrdreg s6  }
0x1d: {  	s5 =	rddreg [dreg:$0x3]  }
0x1e: {  	[tilespmem:s3], [sflag:$0x3] =	stream.linear.gather [hbm4b:s5+s3], $0xFA00, $0x38;
	[tilespmem:$0x10A00] =	vst v63  }
0x1f: {  	_ =	swait.ge [sflag:s10], $0xFA00  }
0x20: {  	[sflag:s10] =	ssyncset.done $0x0  }
0x21: {  	s6 =	sadd.s32 $0x0, s7;
	s5 =	simm.s32 $0x1F40;
	[sflag:s10] =	ssyncadd.s32 $0xFFFF0600  }
.LBB2_2:
0x22: {  	[hbm4b:s6+s3] =	stream.linear.scatter [tilespmem:s3], [sflag:$0x1], $0xFA00, $0x38;
	[tilespmem:$0x10A00] =	vst v63  }
0x23: {  	s6 =	smov.u32 s5;
	p0 =	sne.s32 s5, $0x2EE00  }
.Ltmp2:
0x24: {  	s5 =	sadd.s32 $0x1F40, s5;
	(pc) =	sbr.rel @p0 .LBB2_2-.Ltmp2, $2  }
0x25: {  	_ =	sdelay $0x2  }
0x26: {  	s6 =	sadd.s32 s6, s7  }
0x27: {  	[hbm4b:s6+s3] =	stream.linear.scatter [tilespmem:s3], [sflag:$0x1], $0xFA00, $0x38;
	[tilespmem:$0x10A00] =	vst v63  }
0x28: {  	_ =	swait.ge [sflag:s11], $0xFA00  }
0x29: {  	[sflag:s11] =	ssyncset.done $0x0  }
0x2a: {  	[sflag:s11] =	ssyncadd.s32 $0xFFFF0600  }
0x2b: {  	_ =	swait.ge [sflag:s11], $0xFA00  }
0x2c: {  	[sflag:s11] =	ssyncset.done $0x0  }
0x2d: {  	[sflag:s11] =	ssyncadd.s32 $0xFFFF0600  }
0x2e: {  	_ =	swait.ge [sflag:s11], $0xFA00  }
0x2f: {  	[sflag:s11] =	ssyncset.done $0x0  }
0x30: {  	[sflag:s11] =	ssyncadd.s32 $0xFFFF0600  }
0x31: {  	_ =	swait.ge [sflag:s11], $0xFA00  }
0x32: {  	[sflag:s11] =	ssyncset.done $0x0  }
0x33: {  	[sflag:s11] =	ssyncadd.s32 $0xFFFF0600  }
0x34: {  	_ =	swait.ge [sflag:s11], $0xFA00  }
0x35: {  	[sflag:s11] =	ssyncset.done $0x0  }
0x36: {  	[sflag:s11] =	ssyncadd.s32 $0xFFFF0600  }
0x37: {  	_ =	swait.ge [sflag:s11], $0xFA00  }
0x38: {  	[sflag:s11] =	ssyncset.done $0x0  }
0x39: {  	[sflag:s11] =	ssyncadd.s32 $0xFFFF0600  }
0x3a: {  	_ =	swait.ge [sflag:s11], $0xFA00  }
0x3b: {  	[sflag:s11] =	ssyncset.done $0x0  }
0x3c: {  	[sflag:s11] =	ssyncadd.s32 $0xFFFF0600  }
0x3d: {  	_ =	swait.ge [sflag:s11], $0xFA00  }
0x3e: {  	[sflag:s11] =	ssyncset.done $0x0  }
0x3f: {  	[sflag:s11] =	ssyncadd.s32 $0xFFFF0600  }
0x40: {  	_ =	swait.ge [sflag:s11], $0xFA00  }
0x41: {  	[sflag:s11] =	ssyncset.done $0x0  }
0x42: {  	[sflag:s11] =	ssyncadd.s32 $0xFFFF0600  }
0x43: {  	_ =	swait.ge [sflag:s11], $0xFA00  }
0x44: {  	[sflag:s11] =	ssyncset.done $0x0  }
0x45: {  	[sflag:s11] =	ssyncadd.s32 $0xFFFF0600  }
0x46: {  	_ =	swait.ge [sflag:s11], $0xFA00  }
0x47: {  	[sflag:s11] =	ssyncset.done $0x0  }
0x48: {  	[sflag:s11] =	ssyncadd.s32 $0xFFFF0600  }
0x49: {  	_ =	swait.ge [sflag:s11], $0xFA00  }
0x4a: {  	[sflag:s11] =	ssyncset.done $0x0  }
0x4b: {  	[sflag:s11] =	ssyncadd.s32 $0xFFFF0600  }
0x4c: {  	_ =	swait.ge [sflag:s11], $0xFA00  }
0x4d: {  	[sflag:s11] =	ssyncset.done $0x0  }
0x4e: {  	[sflag:s11] =	ssyncadd.s32 $0xFFFF0600  }
0x4f: {  	_ =	swait.ge [sflag:s11], $0xFA00  }
0x50: {  	[sflag:s11] =	ssyncset.done $0x0  }
0x51: {  	[sflag:s11] =	ssyncadd.s32 $0xFFFF0600  }
0x52: {  	_ =	swait.ge [sflag:s11], $0xFA00  }
0x53: {  	[sflag:s11] =	ssyncset.done $0x0  }
0x54: {  	[sflag:s11] =	ssyncadd.s32 $0xFFFF0600  }
0x55: {  	_ =	swait.ge [sflag:s11], $0xFA00  }
0x56: {  	[sflag:s11] =	ssyncset.done $0x0  }
0x57: {  	[sflag:s11] =	ssyncadd.s32 $0xFFFF0600  }
0x58: {  	_ =	swait.ge [sflag:s11], $0xFA00  }
0x59: {  	[sflag:s11] =	ssyncset.done $0x0  }
0x5a: {  	[sflag:s11] =	ssyncadd.s32 $0xFFFF0600  }
0x5b: {  	_ =	swait.ge [sflag:s11], $0xFA00  }
0x5c: {  	[sflag:s11] =	ssyncset.done $0x0  }
0x5d: {  	[sflag:s11] =	ssyncadd.s32 $0xFFFF0600  }
0x5e: {  	_ =	swait.ge [sflag:s11], $0xFA00  }
0x5f: {  	[sflag:s11] =	ssyncset.done $0x0  }
0x60: {  	[sflag:s11] =	ssyncadd.s32 $0xFFFF0600  }
0x61: {  	_ =	swait.ge [sflag:s11], $0xFA00  }
0x62: {  	[sflag:s11] =	ssyncset.done $0x0  }
0x63: {  	[sflag:s11] =	ssyncadd.s32 $0xFFFF0600  }
0x64: {  	_ =	swait.ge [sflag:s11], $0xFA00  }
0x65: {  	[sflag:s11] =	ssyncset.done $0x0  }
0x66: {  	[sflag:s11] =	ssyncadd.s32 $0xFFFF0600  }
0x67: {  	_ =	swait.ge [sflag:s11], $0xFA00  }
0x68: {  	[sflag:s11] =	ssyncset.done $0x0  }
0x69: {  	[sflag:s11] =	ssyncadd.s32 $0xFFFF0600  }
0x6a: {  	_ =	swait.ge [sflag:s11], $0xFA00  }
0x6b: {  	[sflag:s11] =	ssyncset.done $0x0  }
0x6c: {  	[sflag:s11] =	ssyncadd.s32 $0xFFFF0600  }
0x6d: {  	_ =	swait.ge [sflag:s11], $0xFA00  }
0x6e: {  	[sflag:s11] =	ssyncset.done $0x0  }
0x6f: {  	[sflag:s11] =	ssyncadd.s32 $0xFFFF0600  }
0x70: {  	_ =	swait.ge [sflag:s11], $0xFA00  }
.Ltmp3:
0x71: {  	[sflag:s11] =	ssyncset.done $0x0;
	(pc) =	sbr.rel .LBB2_4-.Ltmp3, $4  }
0x72: {  	[sflag:s11] =	ssyncadd.s32 $0xFFFF0600  }
0x73: {  	[bflag:$0x0] =	sbarrier.arrive $0xFFFF  }
0x74: {  	s9 =	rddreg [dreg:$0x6]  }
0x75: {  	s6 =	simm.s32 $0x0;
	s5 =	simm.s32 $0x0;
	s8 =	rddreg [dreg:$0x5]  }
.LBB2_6:
0x76: {  	s6 =	sadd.s32 $0xFA000, s6  }
0x77: {  	p0 =	sne.s32 s6, $0x186A000  }
.Ltmp4:
0x78: {  	_ = 	snop;
	(pc) =	sbr.rel @!p0 .LBB2_7-.Ltmp4, $2  }
0x79: {  	_ =	sdelay $0x2  }
0x7a: {  	s5 =	sadd.s32 $0x1, s5;
	s8 =	sadd.s32 $0x80, s8;
	s9 =	sadd.s32 $0x80, s9  }
.LBB2_4:
0x7b: {  	s12 =	sshll.u32 s5, $0x4  }
0x7c: {  	s12 =	sand.u32 $0xFFF0, s12  }
0x7d: {  	s12 =	smul.u32 $0x147B, s12;
	_ =	sdelay $0x1  }
0x7e: {  	s12 =	sshrl.u32 s12, $0x11  }
0x7f: {  	p0 =	sne.s32 s2, s12  }
.Ltmp5:
0x80: {  	_ = 	snop;
	(pc) =	sbr.rel @p0 .LBB2_6-.Ltmp5, $1  }
0x81: {  	_ =	sdelay $0x3  }
0x82: {  	s12 =	simm.s32 $0xFA00  }
0x83: {  	[tilespmem:s12], [sflag:$0x3] =	stream.linear.gather [hbm4b:s9+s3], $0x400, $0x38;
	[tilespmem:$0x10A00] =	vst v63  }
0x84: {  	_ =	swait.ge [sflag:s10], $0x400  }
0x85: {  	[sflag:s10] =	ssyncset.done $0x0  }
0x86: {  	s13 =	simm.s32 $0xFE00;
	[sflag:s10] =	ssyncadd.s32 $0xFFFFFC00  }
0x87: {  	[tilespmem:s13], [sflag:$0x3] =	stream.linear.gather [hbm4b:s8+s3], $0x400, $0x38;
	[tilespmem:$0x10A00] =	vst v63  }
0x88: {  	_ =	swait.ge [sflag:s10], $0x400  }
0x89: {  	[sflag:s10] =	ssyncset.done $0x0  }
0x8a: {  	[sflag:s10] =	ssyncadd.s32 $0xFFFFFC00  }
0x8b: {  	v1 =	vld [tilespmem:$0xFA00];
	_ =	sdelay $0x4  }
0x8c: {  	v2 =	vshll.u32 v1, $0x7  }
0x8d: {  	s12 =	sadd.s32 s6, s4;
	v3 =	vld [tilespmem:$0xFE00];
	v2 =	vand.u32 $0x380, v2  }
0x8e: {  	v1 =	vshll.u32 v1, $0xA;
	v2 =	vor.u32 s12, v2  }
0x8f: {  	v1 =	vand.u32 $0xFFFFE000, v1;
	v2 =	vor.u32 v0, v2  }
0x90: {  	v1 =	vadd.s32 v1, v2  }
0x91: {  	[tilespmem:v0+s14+$0x0] =	vst.idx.msk $0xffff, v1  }
0x92: {  	[tilespmem:v0+s15+$0x0] =	vst.idx.msk $0xffff, v3  }
0x93: {  	v1 =	vld [tilespmem:$0xFA10];
	_ =	sdelay $0x4  }
0x94: {  	v2 =	vshll.u32 v1, $0x7  }
0x95: {  	s13 =	sadd.s32 $0x10, s12;
	v2 =	vand.u32 $0x380, v2  }
0x96: {  	v1 =	vshll.u32 v1, $0xA;
	v2 =	vor.u32 s13, v2  }
0x97: {  	v1 =	vand.u32 $0xFFFFE000, v1;
	v2 =	vor.u32 v0, v2  }
0x98: {  	v1 =	vadd.s32 v1, v2;
	v2 =	vld [tilespmem:$0x1FFD0];
	_ =	sdelay $0x3  }
0x99: {  	v3 =	vld [tilespmem:$0xFE10];
	_ =	sdelay $0x3  }
0x9a: {  	[tilespmem:v2+s14+$0x0] =	vst.idx.msk $0xffff, v1  }
0x9b: {  	[tilespmem:v2+s15+$0x0] =	vst.idx.msk $0xffff, v3  }
0x9c: {  	v1 =	vld [tilespmem:$0xFA20];
	_ =	sdelay $0x4  }
0x9d: {  	v2 =	vshll.u32 v1, $0x7  }
0x9e: {  	s13 =	sadd.s32 $0x20, s12;
	v2 =	vand.u32 $0x380, v2  }
0x9f: {  	v1 =	vshll.u32 v1, $0xA;
	v2 =	vor.u32 s13, v2  }
0xa0: {  	v1 =	vand.u32 $0xFFFFE000, v1;
	v2 =	vor.u32 v0, v2  }
0xa1: {  	v1 =	vadd.s32 v1, v2;
	v2 =	vld [tilespmem:$0x1FFE0];
	_ =	sdelay $0x3  }
0xa2: {  	v3 =	vld [tilespmem:$0xFE20];
	_ =	sdelay $0x3  }
0xa3: {  	[tilespmem:v2+s14+$0x0] =	vst.idx.msk $0xffff, v1  }
0xa4: {  	[tilespmem:v2+s15+$0x0] =	vst.idx.msk $0xffff, v3  }
0xa5: {  	v1 =	vld [tilespmem:$0xFA30];
	_ =	sdelay $0x4  }
0xa6: {  	v2 =	vshll.u32 v1, $0x7  }
0xa7: {  	s13 =	sadd.s32 $0x30, s12;
	v2 =	vand.u32 $0x380, v2  }
0xa8: {  	v1 =	vshll.u32 v1, $0xA;
	v2 =	vor.u32 s13, v2  }
0xa9: {  	v1 =	vand.u32 $0xFFFFE000, v1;
	v2 =	vor.u32 v0, v2  }
0xaa: {  	v1 =	vadd.s32 v1, v2;
	v2 =	vld [tilespmem:$0x1FFF0];
	_ =	sdelay $0x3  }
0xab: {  	v3 =	vld [tilespmem:$0xFE30];
	_ =	sdelay $0x3  }
0xac: {  	[tilespmem:v2+s14+$0x0] =	vst.idx.msk $0xffff, v1  }
0xad: {  	[tilespmem:v2+s15+$0x0] =	vst.idx.msk $0xffff, v3  }
0xae: {  	v1 =	vld [tilespmem:$0xFA40];
	_ =	sdelay $0x4  }
0xaf: {  	v2 =	vshll.u32 v1, $0x7  }
0xb0: {  	s13 =	sadd.s32 $0x40, s12;
	v3 =	vld [tilespmem:$0xFE40];
	v2 =	vand.u32 $0x380, v2  }
0xb1: {  	v1 =	vshll.u32 v1, $0xA;
	v2 =	vor.u32 s13, v2  }
0xb2: {  	v1 =	vand.u32 $0xFFFFE000, v1;
	v2 =	vor.u32 v0, v2  }
0xb3: {  	v1 =	vadd.s32 v1, v2  }
0xb4: {  	[tilespmem:v4+s14+$0x0] =	vst.idx.msk $0xffff, v1  }
0xb5: {  	[tilespmem:v4+s15+$0x0] =	vst.idx.msk $0xffff, v3  }
0xb6: {  	v1 =	vld [tilespmem:$0xFA50];
	_ =	sdelay $0x4  }
0xb7: {  	v2 =	vshll.u32 v1, $0x7  }
0xb8: {  	s13 =	sadd.s32 $0x50, s12;
	v3 =	vld [tilespmem:$0xFE50];
	v2 =	vand.u32 $0x380, v2  }
0xb9: {  	v1 =	vshll.u32 v1, $0xA;
	v2 =	vor.u32 s13, v2  }
0xba: {  	v1 =	vand.u32 $0xFFFFE000, v1;
	v2 =	vor.u32 v0, v2  }
0xbb: {  	v1 =	vadd.s32 v1, v2  }
0xbc: {  	[tilespmem:v5+s14+$0x0] =	vst.idx.msk $0xffff, v1  }
0xbd: {  	[tilespmem:v5+s15+$0x0] =	vst.idx.msk $0xffff, v3  }
0xbe: {  	v1 =	vld [tilespmem:$0xFA60];
	_ =	sdelay $0x4  }
0xbf: {  	v2 =	vshll.u32 v1, $0x7  }
0xc0: {  	s13 =	sadd.s32 $0x60, s12;
	v3 =	vld [tilespmem:$0xFE60];
	v2 =	vand.u32 $0x380, v2  }
0xc1: {  	v1 =	vshll.u32 v1, $0xA;
	v2 =	vor.u32 s13, v2  }
0xc2: {  	v1 =	vand.u32 $0xFFFFE000, v1;
	v2 =	vor.u32 v0, v2  }
0xc3: {  	v1 =	vadd.s32 v1, v2  }
0xc4: {  	[tilespmem:v6+s14+$0x0] =	vst.idx.msk $0xffff, v1  }
0xc5: {  	[tilespmem:v6+s15+$0x0] =	vst.idx.msk $0xffff, v3  }
0xc6: {  	v1 =	vld [tilespmem:$0xFA70];
	_ =	sdelay $0x4  }
0xc7: {  	v2 =	vshll.u32 v1, $0x7  }
0xc8: {  	s13 =	sadd.s32 $0x70, s12;
	v3 =	vld [tilespmem:$0xFE70];
	v2 =	vand.u32 $0x380, v2  }
0xc9: {  	v1 =	vshll.u32 v1, $0xA;
	v2 =	vor.u32 s13, v2  }
0xca: {  	v1 =	vand.u32 $0xFFFFE000, v1;
	v2 =	vor.u32 v0, v2  }
0xcb: {  	v1 =	vadd.s32 v1, v2  }
0xcc: {  	[tilespmem:v7+s14+$0x0] =	vst.idx.msk $0xffff, v1  }
0xcd: {  	[tilespmem:v7+s15+$0x0] =	vst.idx.msk $0xffff, v3  }
0xce: {  	v1 =	vld [tilespmem:$0xFA80];
	_ =	sdelay $0x4  }
0xcf: {  	v2 =	vshll.u32 v1, $0x7  }
0xd0: {  	s13 =	sadd.s32 $0x400, s12;
	v3 =	vld [tilespmem:$0xFE80];
	v2 =	vand.u32 $0x380, v2  }
0xd1: {  	v1 =	vshll.u32 v1, $0xA;
	v2 =	vor.u32 s13, v2  }
0xd2: {  	v1 =	vand.u32 $0xFFFFE000, v1;
	v2 =	vor.u32 v0, v2  }
0xd3: {  	v1 =	vadd.s32 v1, v2  }
0xd4: {  	[tilespmem:v8+s14+$0x0] =	vst.idx.msk $0xffff, v1  }
0xd5: {  	[tilespmem:v8+s15+$0x0] =	vst.idx.msk $0xffff, v3  }
0xd6: {  	v1 =	vld [tilespmem:$0xFA90];
	_ =	sdelay $0x4  }
0xd7: {  	v2 =	vshll.u32 v1, $0x7  }
0xd8: {  	s13 =	sadd.s32 $0x410, s12;
	v3 =	vld [tilespmem:$0xFE90];
	v2 =	vand.u32 $0x380, v2  }
0xd9: {  	v1 =	vshll.u32 v1, $0xA;
	v2 =	vor.u32 s13, v2  }
0xda: {  	v1 =	vand.u32 $0xFFFFE000, v1;
	v2 =	vor.u32 v0, v2  }
0xdb: {  	v1 =	vadd.s32 v1, v2  }
0xdc: {  	[tilespmem:v9+s14+$0x0] =	vst.idx.msk $0xffff, v1  }
0xdd: {  	[tilespmem:v9+s15+$0x0] =	vst.idx.msk $0xffff, v3  }
0xde: {  	v1 =	vld [tilespmem:$0xFAA0];
	_ =	sdelay $0x4  }
0xdf: {  	v2 =	vshll.u32 v1, $0x7  }
0xe0: {  	s13 =	sadd.s32 $0x420, s12;
	v3 =	vld [tilespmem:$0xFEA0];
	v2 =	vand.u32 $0x380, v2  }
0xe1: {  	v1 =	vshll.u32 v1, $0xA;
	v2 =	vor.u32 s13, v2  }
0xe2: {  	v1 =	vand.u32 $0xFFFFE000, v1;
	v2 =	vor.u32 v0, v2  }
0xe3: {  	v1 =	vadd.s32 v1, v2  }
0xe4: {  	[tilespmem:v10+s14+$0x0] =	vst.idx.msk $0xffff, v1  }
0xe5: {  	[tilespmem:v10+s15+$0x0] =	vst.idx.msk $0xffff, v3  }
0xe6: {  	v1 =	vld [tilespmem:$0xFAB0];
	_ =	sdelay $0x4  }
0xe7: {  	v2 =	vshll.u32 v1, $0x7  }
0xe8: {  	s13 =	sadd.s32 $0x430, s12;
	v3 =	vld [tilespmem:$0xFEB0];
	v2 =	vand.u32 $0x380, v2  }
0xe9: {  	v1 =	vshll.u32 v1, $0xA;
	v2 =	vor.u32 s13, v2  }
0xea: {  	v1 =	vand.u32 $0xFFFFE000, v1;
	v2 =	vor.u32 v0, v2  }
0xeb: {  	v1 =	vadd.s32 v1, v2  }
0xec: {  	[tilespmem:v11+s14+$0x0] =	vst.idx.msk $0xffff, v1  }
0xed: {  	[tilespmem:v11+s15+$0x0] =	vst.idx.msk $0xffff, v3  }
0xee: {  	v1 =	vld [tilespmem:$0xFAC0];
	_ =	sdelay $0x4  }
0xef: {  	v2 =	vshll.u32 v1, $0x7  }
0xf0: {  	s13 =	sadd.s32 $0x440, s12;
	v3 =	vld [tilespmem:$0xFEC0];
	v2 =	vand.u32 $0x380, v2  }
0xf1: {  	v1 =	vshll.u32 v1, $0xA;
	v2 =	vor.u32 s13, v2  }
0xf2: {  	v1 =	vand.u32 $0xFFFFE000, v1;
	v2 =	vor.u32 v0, v2  }
0xf3: {  	v1 =	vadd.s32 v1, v2  }
0xf4: {  	[tilespmem:v12+s14+$0x0] =	vst.idx.msk $0xffff, v1  }
0xf5: {  	[tilespmem:v12+s15+$0x0] =	vst.idx.msk $0xffff, v3  }
0xf6: {  	v1 =	vld [tilespmem:$0xFAD0];
	_ =	sdelay $0x4  }
0xf7: {  	v2 =	vshll.u32 v1, $0x7  }
0xf8: {  	s13 =	sadd.s32 $0x450, s12;
	v3 =	vld [tilespmem:$0xFED0];
	v2 =	vand.u32 $0x380, v2  }
0xf9: {  	v1 =	vshll.u32 v1, $0xA;
	v2 =	vor.u32 s13, v2  }
0xfa: {  	v1 =	vand.u32 $0xFFFFE000, v1;
	v2 =	vor.u32 v0, v2  }
0xfb: {  	v1 =	vadd.s32 v1, v2  }
0xfc: {  	[tilespmem:v13+s14+$0x0] =	vst.idx.msk $0xffff, v1  }
0xfd: {  	[tilespmem:v13+s15+$0x0] =	vst.idx.msk $0xffff, v3  }
0xfe: {  	v1 =	vld [tilespmem:$0xFAE0];
	_ =	sdelay $0x4  }
0xff: {  	v2 =	vshll.u32 v1, $0x7  }
0x100: {  	s13 =	sadd.s32 $0x460, s12;
	v3 =	vld [tilespmem:$0xFEE0];
	v2 =	vand.u32 $0x380, v2  }
0x101: {  	v1 =	vshll.u32 v1, $0xA;
	v2 =	vor.u32 s13, v2  }
0x102: {  	v1 =	vand.u32 $0xFFFFE000, v1;
	v2 =	vor.u32 v0, v2  }
0x103: {  	v1 =	vadd.s32 v1, v2  }
0x104: {  	[tilespmem:v14+s14+$0x0] =	vst.idx.msk $0xffff, v1  }
0x105: {  	[tilespmem:v14+s15+$0x0] =	vst.idx.msk $0xffff, v3  }
0x106: {  	v1 =	vld [tilespmem:$0xFAF0];
	_ =	sdelay $0x4  }
0x107: {  	v2 =	vshll.u32 v1, $0x7  }
0x108: {  	s13 =	sadd.s32 $0x470, s12;
	v3 =	vld [tilespmem:$0xFEF0];
	v2 =	vand.u32 $0x380, v2  }
0x109: {  	v1 =	vshll.u32 v1, $0xA;
	v2 =	vor.u32 s13, v2  }
0x10a: {  	v1 =	vand.u32 $0xFFFFE000, v1;
	v2 =	vor.u32 v0, v2  }
0x10b: {  	v1 =	vadd.s32 v1, v2  }
0x10c: {  	[tilespmem:v15+s14+$0x0] =	vst.idx.msk $0xffff, v1  }
0x10d: {  	[tilespmem:v15+s15+$0x0] =	vst.idx.msk $0xffff, v3  }
0x10e: {  	v1 =	vld [tilespmem:$0xFB00];
	_ =	sdelay $0x4  }
0x10f: {  	v2 =	vshll.u32 v1, $0x7  }
0x110: {  	s13 =	sadd.s32 $0x800, s12;
	v3 =	vld [tilespmem:$0xFF00];
	v2 =	vand.u32 $0x380, v2  }
0x111: {  	v1 =	vshll.u32 v1, $0xA;
	v2 =	vor.u32 s13, v2  }
0x112: {  	v1 =	vand.u32 $0xFFFFE000, v1;
	v2 =	vor.u32 v0, v2  }
0x113: {  	v1 =	vadd.s32 v1, v2  }
0x114: {  	[tilespmem:v16+s14+$0x0] =	vst.idx.msk $0xffff, v1  }
0x115: {  	[tilespmem:v16+s15+$0x0] =	vst.idx.msk $0xffff, v3  }
0x116: {  	v1 =	vld [tilespmem:$0xFB10];
	_ =	sdelay $0x4  }
0x117: {  	v2 =	vshll.u32 v1, $0x7  }
0x118: {  	s13 =	sadd.s32 $0x810, s12;
	v3 =	vld [tilespmem:$0xFF10];
	v2 =	vand.u32 $0x380, v2  }
0x119: {  	v1 =	vshll.u32 v1, $0xA;
	v2 =	vor.u32 s13, v2  }
0x11a: {  	v1 =	vand.u32 $0xFFFFE000, v1;
	v2 =	vor.u32 v0, v2  }
0x11b: {  	v1 =	vadd.s32 v1, v2  }
0x11c: {  	[tilespmem:v17+s14+$0x0] =	vst.idx.msk $0xffff, v1  }
0x11d: {  	[tilespmem:v17+s15+$0x0] =	vst.idx.msk $0xffff, v3  }
0x11e: {  	v1 =	vld [tilespmem:$0xFB20];
	_ =	sdelay $0x4  }
0x11f: {  	v2 =	vshll.u32 v1, $0x7  }
0x120: {  	s13 =	sadd.s32 $0x820, s12;
	v3 =	vld [tilespmem:$0xFF20];
	v2 =	vand.u32 $0x380, v2  }
0x121: {  	v1 =	vshll.u32 v1, $0xA;
	v2 =	vor.u32 s13, v2  }
0x122: {  	v1 =	vand.u32 $0xFFFFE000, v1;
	v2 =	vor.u32 v0, v2  }
0x123: {  	v1 =	vadd.s32 v1, v2  }
0x124: {  	[tilespmem:v18+s14+$0x0] =	vst.idx.msk $0xffff, v1  }
0x125: {  	[tilespmem:v18+s15+$0x0] =	vst.idx.msk $0xffff, v3  }
0x126: {  	v1 =	vld [tilespmem:$0xFB30];
	_ =	sdelay $0x4  }
0x127: {  	v2 =	vshll.u32 v1, $0x7  }
0x128: {  	s13 =	sadd.s32 $0x830, s12;
	v3 =	vld [tilespmem:$0xFF30];
	v2 =	vand.u32 $0x380, v2  }
0x129: {  	v1 =	vshll.u32 v1, $0xA;
	v2 =	vor.u32 s13, v2  }
0x12a: {  	v1 =	vand.u32 $0xFFFFE000, v1;
	v2 =	vor.u32 v0, v2  }
0x12b: {  	v1 =	vadd.s32 v1, v2  }
0x12c: {  	[tilespmem:v19+s14+$0x0] =	vst.idx.msk $0xffff, v1  }
0x12d: {  	[tilespmem:v19+s15+$0x0] =	vst.idx.msk $0xffff, v3  }
0x12e: {  	v1 =	vld [tilespmem:$0xFB40];
	_ =	sdelay $0x4  }
0x12f: {  	v2 =	vshll.u32 v1, $0x7  }
0x130: {  	s13 =	sadd.s32 $0x840, s12;
	v3 =	vld [tilespmem:$0xFF40];
	v2 =	vand.u32 $0x380, v2  }
0x131: {  	v1 =	vshll.u32 v1, $0xA;
	v2 =	vor.u32 s13, v2  }
0x132: {  	v1 =	vand.u32 $0xFFFFE000, v1;
	v2 =	vor.u32 v0, v2  }
0x133: {  	v1 =	vadd.s32 v1, v2  }
0x134: {  	[tilespmem:v20+s14+$0x0] =	vst.idx.msk $0xffff, v1  }
0x135: {  	[tilespmem:v20+s15+$0x0] =	vst.idx.msk $0xffff, v3  }
0x136: {  	v1 =	vld [tilespmem:$0xFB50];
	_ =	sdelay $0x4  }
0x137: {  	v2 =	vshll.u32 v1, $0x7  }
0x138: {  	s13 =	sadd.s32 $0x850, s12;
	v3 =	vld [tilespmem:$0xFF50];
	v2 =	vand.u32 $0x380, v2  }
0x139: {  	v1 =	vshll.u32 v1, $0xA;
	v2 =	vor.u32 s13, v2  }
0x13a: {  	v1 =	vand.u32 $0xFFFFE000, v1;
	v2 =	vor.u32 v0, v2  }
0x13b: {  	v1 =	vadd.s32 v1, v2  }
0x13c: {  	[tilespmem:v21+s14+$0x0] =	vst.idx.msk $0xffff, v1  }
0x13d: {  	[tilespmem:v21+s15+$0x0] =	vst.idx.msk $0xffff, v3  }
0x13e: {  	v1 =	vld [tilespmem:$0xFB60];
	_ =	sdelay $0x4  }
0x13f: {  	v2 =	vshll.u32 v1, $0x7  }
0x140: {  	s13 =	sadd.s32 $0x860, s12;
	v3 =	vld [tilespmem:$0xFF60];
	v2 =	vand.u32 $0x380, v2  }
0x141: {  	v1 =	vshll.u32 v1, $0xA;
	v2 =	vor.u32 s13, v2  }
0x142: {  	v1 =	vand.u32 $0xFFFFE000, v1;
	v2 =	vor.u32 v0, v2  }
0x143: {  	v1 =	vadd.s32 v1, v2  }
0x144: {  	[tilespmem:v22+s14+$0x0] =	vst.idx.msk $0xffff, v1  }
0x145: {  	[tilespmem:v22+s15+$0x0] =	vst.idx.msk $0xffff, v3  }
0x146: {  	v1 =	vld [tilespmem:$0xFB70];
	_ =	sdelay $0x4  }
0x147: {  	v2 =	vshll.u32 v1, $0x7  }
0x148: {  	s13 =	sadd.s32 $0x870, s12;
	v3 =	vld [tilespmem:$0xFF70];
	v2 =	vand.u32 $0x380, v2  }
0x149: {  	v1 =	vshll.u32 v1, $0xA;
	v2 =	vor.u32 s13, v2  }
0x14a: {  	v1 =	vand.u32 $0xFFFFE000, v1;
	v2 =	vor.u32 v0, v2  }
0x14b: {  	v1 =	vadd.s32 v1, v2  }
0x14c: {  	[tilespmem:v23+s14+$0x0] =	vst.idx.msk $0xffff, v1  }
0x14d: {  	[tilespmem:v23+s15+$0x0] =	vst.idx.msk $0xffff, v3  }
0x14e: {  	v1 =	vld [tilespmem:$0xFB80];
	_ =	sdelay $0x4  }
0x14f: {  	v2 =	vshll.u32 v1, $0x7  }
0x150: {  	s13 =	sadd.s32 $0xC00, s12;
	v3 =	vld [tilespmem:$0xFF80];
	v2 =	vand.u32 $0x380, v2  }
0x151: {  	v1 =	vshll.u32 v1, $0xA;
	v2 =	vor.u32 s13, v2  }
0x152: {  	v1 =	vand.u32 $0xFFFFE000, v1;
	v2 =	vor.u32 v0, v2  }
0x153: {  	v1 =	vadd.s32 v1, v2  }
0x154: {  	[tilespmem:v24+s14+$0x0] =	vst.idx.msk $0xffff, v1  }
0x155: {  	[tilespmem:v24+s15+$0x0] =	vst.idx.msk $0xffff, v3  }
0x156: {  	v1 =	vld [tilespmem:$0xFB90];
	_ =	sdelay $0x4  }
0x157: {  	v2 =	vshll.u32 v1, $0x7  }
0x158: {  	s13 =	sadd.s32 $0xC10, s12;
	v3 =	vld [tilespmem:$0xFF90];
	v2 =	vand.u32 $0x380, v2  }
0x159: {  	v1 =	vshll.u32 v1, $0xA;
	v2 =	vor.u32 s13, v2  }
0x15a: {  	v1 =	vand.u32 $0xFFFFE000, v1;
	v2 =	vor.u32 v0, v2  }
0x15b: {  	v1 =	vadd.s32 v1, v2  }
0x15c: {  	[tilespmem:v25+s14+$0x0] =	vst.idx.msk $0xffff, v1  }
0x15d: {  	[tilespmem:v25+s15+$0x0] =	vst.idx.msk $0xffff, v3  }
0x15e: {  	v1 =	vld [tilespmem:$0xFBA0];
	_ =	sdelay $0x4  }
0x15f: {  	v2 =	vshll.u32 v1, $0x7  }
0x160: {  	s13 =	sadd.s32 $0xC20, s12;
	v3 =	vld [tilespmem:$0xFFA0];
	v2 =	vand.u32 $0x380, v2  }
0x161: {  	v1 =	vshll.u32 v1, $0xA;
	v2 =	vor.u32 s13, v2  }
0x162: {  	v1 =	vand.u32 $0xFFFFE000, v1;
	v2 =	vor.u32 v0, v2  }
0x163: {  	v1 =	vadd.s32 v1, v2  }
0x164: {  	[tilespmem:v26+s14+$0x0] =	vst.idx.msk $0xffff, v1  }
0x165: {  	[tilespmem:v26+s15+$0x0] =	vst.idx.msk $0xffff, v3  }
0x166: {  	v1 =	vld [tilespmem:$0xFBB0];
	_ =	sdelay $0x4  }
0x167: {  	v2 =	vshll.u32 v1, $0x7  }
0x168: {  	s13 =	sadd.s32 $0xC30, s12;
	v3 =	vld [tilespmem:$0xFFB0];
	v2 =	vand.u32 $0x380, v2  }
0x169: {  	v1 =	vshll.u32 v1, $0xA;
	v2 =	vor.u32 s13, v2  }
0x16a: {  	v1 =	vand.u32 $0xFFFFE000, v1;
	v2 =	vor.u32 v0, v2  }
0x16b: {  	v1 =	vadd.s32 v1, v2  }
0x16c: {  	[tilespmem:v27+s14+$0x0] =	vst.idx.msk $0xffff, v1  }
0x16d: {  	[tilespmem:v27+s15+$0x0] =	vst.idx.msk $0xffff, v3  }
0x16e: {  	v1 =	vld [tilespmem:$0xFBC0];
	_ =	sdelay $0x4  }
0x16f: {  	v2 =	vshll.u32 v1, $0x7  }
0x170: {  	s13 =	sadd.s32 $0xC40, s12;
	v3 =	vld [tilespmem:$0xFFC0];
	v2 =	vand.u32 $0x380, v2  }
0x171: {  	v1 =	vshll.u32 v1, $0xA;
	v2 =	vor.u32 s13, v2  }
0x172: {  	v1 =	vand.u32 $0xFFFFE000, v1;
	v2 =	vor.u32 v0, v2  }
0x173: {  	v1 =	vadd.s32 v1, v2  }
0x174: {  	[tilespmem:v28+s14+$0x0] =	vst.idx.msk $0xffff, v1  }
0x175: {  	[tilespmem:v28+s15+$0x0] =	vst.idx.msk $0xffff, v3  }
0x176: {  	v1 =	vld [tilespmem:$0xFBD0];
	_ =	sdelay $0x4  }
0x177: {  	v2 =	vshll.u32 v1, $0x7  }
0x178: {  	s13 =	sadd.s32 $0xC50, s12;
	v3 =	vld [tilespmem:$0xFFD0];
	v2 =	vand.u32 $0x380, v2  }
0x179: {  	v1 =	vshll.u32 v1, $0xA;
	v2 =	vor.u32 s13, v2  }
0x17a: {  	v1 =	vand.u32 $0xFFFFE000, v1;
	v2 =	vor.u32 v0, v2  }
0x17b: {  	v1 =	vadd.s32 v1, v2  }
0x17c: {  	[tilespmem:v29+s14+$0x0] =	vst.idx.msk $0xffff, v1  }
0x17d: {  	[tilespmem:v29+s15+$0x0] =	vst.idx.msk $0xffff, v3  }
0x17e: {  	v1 =	vld [tilespmem:$0xFBE0];
	_ =	sdelay $0x4  }
0x17f: {  	v2 =	vshll.u32 v1, $0x7  }
0x180: {  	s13 =	sadd.s32 $0xC60, s12;
	v3 =	vld [tilespmem:$0xFFE0];
	v2 =	vand.u32 $0x380, v2  }
0x181: {  	v1 =	vshll.u32 v1, $0xA;
	v2 =	vor.u32 s13, v2  }
0x182: {  	v1 =	vand.u32 $0xFFFFE000, v1;
	v2 =	vor.u32 v0, v2  }
0x183: {  	v1 =	vadd.s32 v1, v2  }
0x184: {  	[tilespmem:v30+s14+$0x0] =	vst.idx.msk $0xffff, v1  }
0x185: {  	[tilespmem:v30+s15+$0x0] =	vst.idx.msk $0xffff, v3  }
0x186: {  	v1 =	vld [tilespmem:$0xFBF0];
	_ =	sdelay $0x4  }
0x187: {  	v2 =	vshll.u32 v1, $0x7  }
0x188: {  	s13 =	sadd.s32 $0xC70, s12;
	v3 =	vld [tilespmem:$0xFFF0];
	v2 =	vand.u32 $0x380, v2  }
0x189: {  	v1 =	vshll.u32 v1, $0xA;
	v2 =	vor.u32 s13, v2  }
0x18a: {  	v1 =	vand.u32 $0xFFFFE000, v1;
	v2 =	vor.u32 v0, v2  }
0x18b: {  	v1 =	vadd.s32 v1, v2  }
0x18c: {  	[tilespmem:v31+s14+$0x0] =	vst.idx.msk $0xffff, v1  }
0x18d: {  	[tilespmem:v31+s15+$0x0] =	vst.idx.msk $0xffff, v3  }
0x18e: {  	v1 =	vld [tilespmem:$0xFC00];
	_ =	sdelay $0x4  }
0x18f: {  	v2 =	vshll.u32 v1, $0x7  }
0x190: {  	s13 =	sadd.s32 $0x1000, s12;
	v3 =	vld [tilespmem:$0x10000];
	v2 =	vand.u32 $0x380, v2  }
0x191: {  	v1 =	vshll.u32 v1, $0xA;
	v2 =	vor.u32 s13, v2  }
0x192: {  	v1 =	vand.u32 $0xFFFFE000, v1;
	v2 =	vor.u32 v0, v2  }
0x193: {  	v1 =	vadd.s32 v1, v2  }
0x194: {  	[tilespmem:v32+s14+$0x0] =	vst.idx.msk $0xffff, v1  }
0x195: {  	[tilespmem:v32+s15+$0x0] =	vst.idx.msk $0xffff, v3  }
0x196: {  	v1 =	vld [tilespmem:$0xFC10];
	_ =	sdelay $0x4  }
0x197: {  	v2 =	vshll.u32 v1, $0x7  }
0x198: {  	s13 =	sadd.s32 $0x1010, s12;
	v3 =	vld [tilespmem:$0x10010];
	v2 =	vand.u32 $0x380, v2  }
0x199: {  	v1 =	vshll.u32 v1, $0xA;
	v2 =	vor.u32 s13, v2  }
0x19a: {  	v1 =	vand.u32 $0xFFFFE000, v1;
	v2 =	vor.u32 v0, v2  }
0x19b: {  	v1 =	vadd.s32 v1, v2  }
0x19c: {  	[tilespmem:v33+s14+$0x0] =	vst.idx.msk $0xffff, v1  }
0x19d: {  	[tilespmem:v33+s15+$0x0] =	vst.idx.msk $0xffff, v3  }
0x19e: {  	v1 =	vld [tilespmem:$0xFC20];
	_ =	sdelay $0x4  }
0x19f: {  	v2 =	vshll.u32 v1, $0x7  }
0x1a0: {  	s13 =	sadd.s32 $0x1020, s12;
	v3 =	vld [tilespmem:$0x10020];
	v2 =	vand.u32 $0x380, v2  }
0x1a1: {  	v1 =	vshll.u32 v1, $0xA;
	v2 =	vor.u32 s13, v2  }
0x1a2: {  	v1 =	vand.u32 $0xFFFFE000, v1;
	v2 =	vor.u32 v0, v2  }
0x1a3: {  	v1 =	vadd.s32 v1, v2  }
0x1a4: {  	[tilespmem:v34+s14+$0x0] =	vst.idx.msk $0xffff, v1  }
0x1a5: {  	[tilespmem:v34+s15+$0x0] =	vst.idx.msk $0xffff, v3  }
0x1a6: {  	v1 =	vld [tilespmem:$0xFC30];
	_ =	sdelay $0x4  }
0x1a7: {  	v2 =	vshll.u32 v1, $0x7  }
0x1a8: {  	s13 =	sadd.s32 $0x1030, s12;
	v3 =	vld [tilespmem:$0x10030];
	v2 =	vand.u32 $0x380, v2  }
0x1a9: {  	v1 =	vshll.u32 v1, $0xA;
	v2 =	vor.u32 s13, v2  }
0x1aa: {  	v1 =	vand.u32 $0xFFFFE000, v1;
	v2 =	vor.u32 v0, v2  }
0x1ab: {  	v1 =	vadd.s32 v1, v2  }
0x1ac: {  	[tilespmem:v35+s14+$0x0] =	vst.idx.msk $0xffff, v1  }
0x1ad: {  	[tilespmem:v35+s15+$0x0] =	vst.idx.msk $0xffff, v3  }
0x1ae: {  	v1 =	vld [tilespmem:$0xFC40];
	_ =	sdelay $0x4  }
0x1af: {  	v2 =	vshll.u32 v1, $0x7  }
0x1b0: {  	s13 =	sadd.s32 $0x1040, s12;
	v3 =	vld [tilespmem:$0x10040];
	v2 =	vand.u32 $0x380, v2  }
0x1b1: {  	v1 =	vshll.u32 v1, $0xA;
	v2 =	vor.u32 s13, v2  }
0x1b2: {  	v1 =	vand.u32 $0xFFFFE000, v1;
	v2 =	vor.u32 v0, v2  }
0x1b3: {  	v1 =	vadd.s32 v1, v2  }
0x1b4: {  	[tilespmem:v36+s14+$0x0] =	vst.idx.msk $0xffff, v1  }
0x1b5: {  	[tilespmem:v36+s15+$0x0] =	vst.idx.msk $0xffff, v3  }
0x1b6: {  	v1 =	vld [tilespmem:$0xFC50];
	_ =	sdelay $0x4  }
0x1b7: {  	v2 =	vshll.u32 v1, $0x7  }
0x1b8: {  	s13 =	sadd.s32 $0x1050, s12;
	v3 =	vld [tilespmem:$0x10050];
	v2 =	vand.u32 $0x380, v2  }
0x1b9: {  	v1 =	vshll.u32 v1, $0xA;
	v2 =	vor.u32 s13, v2  }
0x1ba: {  	v1 =	vand.u32 $0xFFFFE000, v1;
	v2 =	vor.u32 v0, v2  }
0x1bb: {  	v1 =	vadd.s32 v1, v2  }
0x1bc: {  	[tilespmem:v37+s14+$0x0] =	vst.idx.msk $0xffff, v1  }
0x1bd: {  	[tilespmem:v37+s15+$0x0] =	vst.idx.msk $0xffff, v3  }
0x1be: {  	v1 =	vld [tilespmem:$0xFC60];
	_ =	sdelay $0x4  }
0x1bf: {  	v2 =	vshll.u32 v1, $0x7  }
0x1c0: {  	s13 =	sadd.s32 $0x1060, s12;
	v3 =	vld [tilespmem:$0x10060];
	v2 =	vand.u32 $0x380, v2  }
0x1c1: {  	v1 =	vshll.u32 v1, $0xA;
	v2 =	vor.u32 s13, v2  }
0x1c2: {  	v1 =	vand.u32 $0xFFFFE000, v1;
	v2 =	vor.u32 v0, v2  }
0x1c3: {  	v1 =	vadd.s32 v1, v2  }
0x1c4: {  	[tilespmem:v38+s14+$0x0] =	vst.idx.msk $0xffff, v1  }
0x1c5: {  	[tilespmem:v38+s15+$0x0] =	vst.idx.msk $0xffff, v3  }
0x1c6: {  	v1 =	vld [tilespmem:$0xFC70];
	_ =	sdelay $0x4  }
0x1c7: {  	v2 =	vshll.u32 v1, $0x7  }
0x1c8: {  	s13 =	sadd.s32 $0x1070, s12;
	v3 =	vld [tilespmem:$0x10070];
	v2 =	vand.u32 $0x380, v2  }
0x1c9: {  	v1 =	vshll.u32 v1, $0xA;
	v2 =	vor.u32 s13, v2  }
0x1ca: {  	v1 =	vand.u32 $0xFFFFE000, v1;
	v2 =	vor.u32 v0, v2  }
0x1cb: {  	v1 =	vadd.s32 v1, v2  }
0x1cc: {  	[tilespmem:v39+s14+$0x0] =	vst.idx.msk $0xffff, v1  }
0x1cd: {  	[tilespmem:v39+s15+$0x0] =	vst.idx.msk $0xffff, v3  }
0x1ce: {  	v1 =	vld [tilespmem:$0xFC80];
	_ =	sdelay $0x4  }
0x1cf: {  	v2 =	vshll.u32 v1, $0x7  }
0x1d0: {  	s13 =	sadd.s32 $0x1400, s12;
	v3 =	vld [tilespmem:$0x10080];
	v2 =	vand.u32 $0x380, v2  }
0x1d1: {  	v1 =	vshll.u32 v1, $0xA;
	v2 =	vor.u32 s13, v2  }
0x1d2: {  	v1 =	vand.u32 $0xFFFFE000, v1;
	v2 =	vor.u32 v0, v2  }
0x1d3: {  	v1 =	vadd.s32 v1, v2  }
0x1d4: {  	[tilespmem:v40+s14+$0x0] =	vst.idx.msk $0xffff, v1  }
0x1d5: {  	[tilespmem:v40+s15+$0x0] =	vst.idx.msk $0xffff, v3  }
0x1d6: {  	v1 =	vld [tilespmem:$0xFC90];
	_ =	sdelay $0x4  }
0x1d7: {  	v2 =	vshll.u32 v1, $0x7  }
0x1d8: {  	s13 =	sadd.s32 $0x1410, s12;
	v3 =	vld [tilespmem:$0x10090];
	v2 =	vand.u32 $0x380, v2  }
0x1d9: {  	v1 =	vshll.u32 v1, $0xA;
	v2 =	vor.u32 s13, v2  }
0x1da: {  	v1 =	vand.u32 $0xFFFFE000, v1;
	v2 =	vor.u32 v0, v2  }
0x1db: {  	v1 =	vadd.s32 v1, v2  }
0x1dc: {  	[tilespmem:v41+s14+$0x0] =	vst.idx.msk $0xffff, v1  }
0x1dd: {  	[tilespmem:v41+s15+$0x0] =	vst.idx.msk $0xffff, v3  }
0x1de: {  	v1 =	vld [tilespmem:$0xFCA0];
	_ =	sdelay $0x4  }
0x1df: {  	v2 =	vshll.u32 v1, $0x7  }
0x1e0: {  	s13 =	sadd.s32 $0x1420, s12;
	v3 =	vld [tilespmem:$0x100A0];
	v2 =	vand.u32 $0x380, v2  }
0x1e1: {  	v1 =	vshll.u32 v1, $0xA;
	v2 =	vor.u32 s13, v2  }
0x1e2: {  	v1 =	vand.u32 $0xFFFFE000, v1;
	v2 =	vor.u32 v0, v2  }
0x1e3: {  	v1 =	vadd.s32 v1, v2  }
0x1e4: {  	[tilespmem:v42+s14+$0x0] =	vst.idx.msk $0xffff, v1  }
0x1e5: {  	[tilespmem:v42+s15+$0x0] =	vst.idx.msk $0xffff, v3  }
0x1e6: {  	v1 =	vld [tilespmem:$0xFCB0];
	_ =	sdelay $0x4  }
0x1e7: {  	v2 =	vshll.u32 v1, $0x7  }
0x1e8: {  	s13 =	sadd.s32 $0x1430, s12;
	v3 =	vld [tilespmem:$0x100B0];
	v2 =	vand.u32 $0x380, v2  }
0x1e9: {  	v1 =	vshll.u32 v1, $0xA;
	v2 =	vor.u32 s13, v2  }
0x1ea: {  	v1 =	vand.u32 $0xFFFFE000, v1;
	v2 =	vor.u32 v0, v2  }
0x1eb: {  	v1 =	vadd.s32 v1, v2  }
0x1ec: {  	[tilespmem:v43+s14+$0x0] =	vst.idx.msk $0xffff, v1  }
0x1ed: {  	[tilespmem:v43+s15+$0x0] =	vst.idx.msk $0xffff, v3  }
0x1ee: {  	v1 =	vld [tilespmem:$0xFCC0];
	_ =	sdelay $0x4  }
0x1ef: {  	v2 =	vshll.u32 v1, $0x7  }
0x1f0: {  	s13 =	sadd.s32 $0x1440, s12;
	v3 =	vld [tilespmem:$0x100C0];
	v2 =	vand.u32 $0x380, v2  }
0x1f1: {  	v1 =	vshll.u32 v1, $0xA;
	v2 =	vor.u32 s13, v2  }
0x1f2: {  	v1 =	vand.u32 $0xFFFFE000, v1;
	v2 =	vor.u32 v0, v2  }
0x1f3: {  	v1 =	vadd.s32 v1, v2  }
0x1f4: {  	[tilespmem:v44+s14+$0x0] =	vst.idx.msk $0xffff, v1  }
0x1f5: {  	[tilespmem:v44+s15+$0x0] =	vst.idx.msk $0xffff, v3  }
0x1f6: {  	v1 =	vld [tilespmem:$0xFCD0];
	_ =	sdelay $0x4  }
0x1f7: {  	v2 =	vshll.u32 v1, $0x7  }
0x1f8: {  	s13 =	sadd.s32 $0x1450, s12;
	v3 =	vld [tilespmem:$0x100D0];
	v2 =	vand.u32 $0x380, v2  }
0x1f9: {  	v1 =	vshll.u32 v1, $0xA;
	v2 =	vor.u32 s13, v2  }
0x1fa: {  	v1 =	vand.u32 $0xFFFFE000, v1;
	v2 =	vor.u32 v0, v2  }
0x1fb: {  	v1 =	vadd.s32 v1, v2  }
0x1fc: {  	[tilespmem:v45+s14+$0x0] =	vst.idx.msk $0xffff, v1  }
0x1fd: {  	[tilespmem:v45+s15+$0x0] =	vst.idx.msk $0xffff, v3  }
0x1fe: {  	v1 =	vld [tilespmem:$0xFCE0];
	_ =	sdelay $0x4  }
0x1ff: {  	v2 =	vshll.u32 v1, $0x7  }
0x200: {  	s13 =	sadd.s32 $0x1460, s12;
	v3 =	vld [tilespmem:$0x100E0];
	v2 =	vand.u32 $0x380, v2  }
0x201: {  	v1 =	vshll.u32 v1, $0xA;
	v2 =	vor.u32 s13, v2  }
0x202: {  	v1 =	vand.u32 $0xFFFFE000, v1;
	v2 =	vor.u32 v0, v2  }
0x203: {  	v1 =	vadd.s32 v1, v2  }
0x204: {  	[tilespmem:v46+s14+$0x0] =	vst.idx.msk $0xffff, v1  }
0x205: {  	[tilespmem:v46+s15+$0x0] =	vst.idx.msk $0xffff, v3  }
0x206: {  	v1 =	vld [tilespmem:$0xFCF0];
	_ =	sdelay $0x4  }
0x207: {  	v2 =	vshll.u32 v1, $0x7  }
0x208: {  	s13 =	sadd.s32 $0x1470, s12;
	v3 =	vld [tilespmem:$0x100F0];
	v2 =	vand.u32 $0x380, v2  }
0x209: {  	v1 =	vshll.u32 v1, $0xA;
	v2 =	vor.u32 s13, v2  }
0x20a: {  	v1 =	vand.u32 $0xFFFFE000, v1;
	v2 =	vor.u32 v0, v2  }
0x20b: {  	v1 =	vadd.s32 v1, v2  }
0x20c: {  	[tilespmem:v47+s14+$0x0] =	vst.idx.msk $0xffff, v1  }
0x20d: {  	[tilespmem:v47+s15+$0x0] =	vst.idx.msk $0xffff, v3  }
0x20e: {  	v1 =	vld [tilespmem:$0xFD00];
	_ =	sdelay $0x4  }
0x20f: {  	v2 =	vshll.u32 v1, $0x7  }
0x210: {  	s13 =	sadd.s32 $0x1800, s12;
	v3 =	vld [tilespmem:$0x10100];
	v2 =	vand.u32 $0x380, v2  }
0x211: {  	v1 =	vshll.u32 v1, $0xA;
	v2 =	vor.u32 s13, v2  }
0x212: {  	v1 =	vand.u32 $0xFFFFE000, v1;
	v2 =	vor.u32 v0, v2  }
0x213: {  	v1 =	vadd.s32 v1, v2  }
0x214: {  	[tilespmem:v48+s14+$0x0] =	vst.idx.msk $0xffff, v1  }
0x215: {  	[tilespmem:v48+s15+$0x0] =	vst.idx.msk $0xffff, v3  }
0x216: {  	v1 =	vld [tilespmem:$0xFD10];
	_ =	sdelay $0x4  }
0x217: {  	v2 =	vshll.u32 v1, $0x7  }
0x218: {  	s13 =	sadd.s32 $0x1810, s12;
	v3 =	vld [tilespmem:$0x10110];
	v2 =	vand.u32 $0x380, v2  }
0x219: {  	v1 =	vshll.u32 v1, $0xA;
	v2 =	vor.u32 s13, v2  }
0x21a: {  	v1 =	vand.u32 $0xFFFFE000, v1;
	v2 =	vor.u32 v0, v2  }
0x21b: {  	v1 =	vadd.s32 v1, v2  }
0x21c: {  	[tilespmem:v49+s14+$0x0] =	vst.idx.msk $0xffff, v1  }
0x21d: {  	[tilespmem:v49+s15+$0x0] =	vst.idx.msk $0xffff, v3  }
0x21e: {  	v1 =	vld [tilespmem:$0xFD20];
	_ =	sdelay $0x4  }
0x21f: {  	v2 =	vshll.u32 v1, $0x7  }
0x220: {  	s13 =	sadd.s32 $0x1820, s12;
	v3 =	vld [tilespmem:$0x10120];
	v2 =	vand.u32 $0x380, v2  }
0x221: {  	v1 =	vshll.u32 v1, $0xA;
	v2 =	vor.u32 s13, v2  }
0x222: {  	v1 =	vand.u32 $0xFFFFE000, v1;
	v2 =	vor.u32 v0, v2  }
0x223: {  	v1 =	vadd.s32 v1, v2  }
0x224: {  	[tilespmem:v50+s14+$0x0] =	vst.idx.msk $0xffff, v1  }
0x225: {  	[tilespmem:v50+s15+$0x0] =	vst.idx.msk $0xffff, v3  }
0x226: {  	v1 =	vld [tilespmem:$0xFD30];
	_ =	sdelay $0x4  }
0x227: {  	v2 =	vshll.u32 v1, $0x7  }
0x228: {  	s13 =	sadd.s32 $0x1830, s12;
	v3 =	vld [tilespmem:$0x10130];
	v2 =	vand.u32 $0x380, v2  }
0x229: {  	v1 =	vshll.u32 v1, $0xA;
	v2 =	vor.u32 s13, v2  }
0x22a: {  	v1 =	vand.u32 $0xFFFFE000, v1;
	v2 =	vor.u32 v0, v2  }
0x22b: {  	v1 =	vadd.s32 v1, v2  }
0x22c: {  	[tilespmem:v51+s14+$0x0] =	vst.idx.msk $0xffff, v1  }
0x22d: {  	[tilespmem:v51+s15+$0x0] =	vst.idx.msk $0xffff, v3  }
0x22e: {  	v1 =	vld [tilespmem:$0xFD40];
	_ =	sdelay $0x4  }
0x22f: {  	v2 =	vshll.u32 v1, $0x7  }
0x230: {  	s13 =	sadd.s32 $0x1840, s12;
	v3 =	vld [tilespmem:$0x10140];
	v2 =	vand.u32 $0x380, v2  }
0x231: {  	v1 =	vshll.u32 v1, $0xA;
	v2 =	vor.u32 s13, v2  }
0x232: {  	v1 =	vand.u32 $0xFFFFE000, v1;
	v2 =	vor.u32 v0, v2  }
0x233: {  	v1 =	vadd.s32 v1, v2  }
0x234: {  	[tilespmem:v52+s14+$0x0] =	vst.idx.msk $0xffff, v1  }
0x235: {  	[tilespmem:v52+s15+$0x0] =	vst.idx.msk $0xffff, v3  }
0x236: {  	v1 =	vld [tilespmem:$0xFD50];
	_ =	sdelay $0x4  }
0x237: {  	v2 =	vshll.u32 v1, $0x7  }
0x238: {  	s13 =	sadd.s32 $0x1850, s12;
	v3 =	vld [tilespmem:$0x10150];
	v2 =	vand.u32 $0x380, v2  }
0x239: {  	v1 =	vshll.u32 v1, $0xA;
	v2 =	vor.u32 s13, v2  }
0x23a: {  	v1 =	vand.u32 $0xFFFFE000, v1;
	v2 =	vor.u32 v0, v2  }
0x23b: {  	v1 =	vadd.s32 v1, v2  }
0x23c: {  	[tilespmem:v53+s14+$0x0] =	vst.idx.msk $0xffff, v1  }
0x23d: {  	[tilespmem:v53+s15+$0x0] =	vst.idx.msk $0xffff, v3  }
0x23e: {  	v1 =	vld [tilespmem:$0xFD60];
	_ =	sdelay $0x4  }
0x23f: {  	v2 =	vshll.u32 v1, $0x7  }
0x240: {  	s13 =	sadd.s32 $0x1860, s12;
	v3 =	vld [tilespmem:$0x10160];
	v2 =	vand.u32 $0x380, v2  }
0x241: {  	v1 =	vshll.u32 v1, $0xA;
	v2 =	vor.u32 s13, v2  }
0x242: {  	v1 =	vand.u32 $0xFFFFE000, v1;
	v2 =	vor.u32 v0, v2  }
0x243: {  	v1 =	vadd.s32 v1, v2  }
0x244: {  	[tilespmem:v54+s14+$0x0] =	vst.idx.msk $0xffff, v1  }
0x245: {  	[tilespmem:v54+s15+$0x0] =	vst.idx.msk $0xffff, v3  }
0x246: {  	v1 =	vld [tilespmem:$0xFD70];
	_ =	sdelay $0x4  }
0x247: {  	v2 =	vshll.u32 v1, $0x7  }
0x248: {  	s13 =	sadd.s32 $0x1870, s12;
	v3 =	vld [tilespmem:$0x10170];
	v2 =	vand.u32 $0x380, v2  }
0x249: {  	v1 =	vshll.u32 v1, $0xA;
	v2 =	vor.u32 s13, v2  }
0x24a: {  	v1 =	vand.u32 $0xFFFFE000, v1;
	v2 =	vor.u32 v0, v2  }
0x24b: {  	v1 =	vadd.s32 v1, v2  }
0x24c: {  	[tilespmem:v55+s14+$0x0] =	vst.idx.msk $0xffff, v1  }
0x24d: {  	[tilespmem:v55+s15+$0x0] =	vst.idx.msk $0xffff, v3  }
0x24e: {  	v1 =	vld [tilespmem:$0xFD80];
	_ =	sdelay $0x4  }
0x24f: {  	v2 =	vshll.u32 v1, $0x7  }
0x250: {  	s13 =	sadd.s32 $0x1C00, s12;
	v3 =	vld [tilespmem:$0x10180];
	v2 =	vand.u32 $0x380, v2  }
0x251: {  	v1 =	vshll.u32 v1, $0xA;
	v2 =	vor.u32 s13, v2  }
0x252: {  	v1 =	vand.u32 $0xFFFFE000, v1;
	v2 =	vor.u32 v0, v2  }
0x253: {  	v1 =	vadd.s32 v1, v2  }
0x254: {  	[tilespmem:v56+s14+$0x0] =	vst.idx.msk $0xffff, v1  }
0x255: {  	[tilespmem:v56+s15+$0x0] =	vst.idx.msk $0xffff, v3  }
0x256: {  	v1 =	vld [tilespmem:$0xFD90];
	_ =	sdelay $0x4  }
0x257: {  	v2 =	vshll.u32 v1, $0x7  }
0x258: {  	s13 =	sadd.s32 $0x1C10, s12;
	v3 =	vld [tilespmem:$0x10190];
	v2 =	vand.u32 $0x380, v2  }
0x259: {  	v1 =	vshll.u32 v1, $0xA;
	v2 =	vor.u32 s13, v2  }
0x25a: {  	v1 =	vand.u32 $0xFFFFE000, v1;
	v2 =	vor.u32 v0, v2  }
0x25b: {  	v1 =	vadd.s32 v1, v2  }
0x25c: {  	[tilespmem:v57+s14+$0x0] =	vst.idx.msk $0xffff, v1  }
0x25d: {  	[tilespmem:v57+s15+$0x0] =	vst.idx.msk $0xffff, v3  }
0x25e: {  	v1 =	vld [tilespmem:$0xFDA0];
	_ =	sdelay $0x4  }
0x25f: {  	v2 =	vshll.u32 v1, $0x7  }
0x260: {  	s13 =	sadd.s32 $0x1C20, s12;
	v3 =	vld [tilespmem:$0x101A0];
	v2 =	vand.u32 $0x380, v2  }
0x261: {  	v1 =	vshll.u32 v1, $0xA;
	v2 =	vor.u32 s13, v2  }
0x262: {  	v1 =	vand.u32 $0xFFFFE000, v1;
	v2 =	vor.u32 v0, v2  }
0x263: {  	v1 =	vadd.s32 v1, v2  }
0x264: {  	[tilespmem:v58+s14+$0x0] =	vst.idx.msk $0xffff, v1  }
0x265: {  	[tilespmem:v58+s15+$0x0] =	vst.idx.msk $0xffff, v3  }
0x266: {  	v1 =	vld [tilespmem:$0xFDB0];
	_ =	sdelay $0x4  }
0x267: {  	v2 =	vshll.u32 v1, $0x7  }
0x268: {  	s13 =	sadd.s32 $0x1C30, s12;
	v3 =	vld [tilespmem:$0x101B0];
	v2 =	vand.u32 $0x380, v2  }
0x269: {  	v1 =	vshll.u32 v1, $0xA;
	v2 =	vor.u32 s13, v2  }
0x26a: {  	v1 =	vand.u32 $0xFFFFE000, v1;
	v2 =	vor.u32 v0, v2  }
0x26b: {  	v1 =	vadd.s32 v1, v2  }
0x26c: {  	[tilespmem:v59+s14+$0x0] =	vst.idx.msk $0xffff, v1  }
0x26d: {  	[tilespmem:v59+s15+$0x0] =	vst.idx.msk $0xffff, v3  }
0x26e: {  	v1 =	vld [tilespmem:$0xFDC0];
	_ =	sdelay $0x4  }
0x26f: {  	v2 =	vshll.u32 v1, $0x7  }
0x270: {  	s13 =	sadd.s32 $0x1C40, s12;
	v3 =	vld [tilespmem:$0x101C0];
	v2 =	vand.u32 $0x380, v2  }
0x271: {  	v1 =	vshll.u32 v1, $0xA;
	v2 =	vor.u32 s13, v2  }
0x272: {  	v1 =	vand.u32 $0xFFFFE000, v1;
	v2 =	vor.u32 v0, v2  }
0x273: {  	v1 =	vadd.s32 v1, v2  }
0x274: {  	[tilespmem:v60+s14+$0x0] =	vst.idx.msk $0xffff, v1  }
0x275: {  	[tilespmem:v60+s15+$0x0] =	vst.idx.msk $0xffff, v3  }
0x276: {  	v1 =	vld [tilespmem:$0xFDD0];
	_ =	sdelay $0x4  }
0x277: {  	v2 =	vshll.u32 v1, $0x7  }
0x278: {  	s13 =	sadd.s32 $0x1C50, s12;
	v3 =	vld [tilespmem:$0x101D0];
	v2 =	vand.u32 $0x380, v2  }
0x279: {  	v1 =	vshll.u32 v1, $0xA;
	v2 =	vor.u32 s13, v2  }
0x27a: {  	v1 =	vand.u32 $0xFFFFE000, v1;
	v2 =	vor.u32 v0, v2  }
0x27b: {  	v1 =	vadd.s32 v1, v2  }
0x27c: {  	[tilespmem:v61+s14+$0x0] =	vst.idx.msk $0xffff, v1  }
0x27d: {  	[tilespmem:v61+s15+$0x0] =	vst.idx.msk $0xffff, v3  }
0x27e: {  	v1 =	vld [tilespmem:$0xFDE0];
	_ =	sdelay $0x4  }
0x27f: {  	v2 =	vshll.u32 v1, $0x7  }
0x280: {  	s13 =	sadd.s32 $0x1C60, s12;
	v3 =	vld [tilespmem:$0x101E0];
	v2 =	vand.u32 $0x380, v2  }
0x281: {  	v1 =	vshll.u32 v1, $0xA;
	v2 =	vor.u32 s13, v2  }
0x282: {  	v1 =	vand.u32 $0xFFFFE000, v1;
	v2 =	vor.u32 v0, v2  }
0x283: {  	v1 =	vadd.s32 v1, v2  }
0x284: {  	[tilespmem:v62+s14+$0x0] =	vst.idx.msk $0xffff, v1  }
0x285: {  	[tilespmem:v62+s15+$0x0] =	vst.idx.msk $0xffff, v3  }
0x286: {  	v1 =	vld [tilespmem:$0xFDF0];
	_ =	sdelay $0x4  }
0x287: {  	v2 =	vshll.u32 v1, $0x7  }
0x288: {  	s12 =	sadd.s32 $0x1C70, s12;
	v3 =	vld [tilespmem:$0x101F0];
	v2 =	vand.u32 $0x380, v2  }
0x289: {  	v1 =	vshll.u32 v1, $0xA;
	v2 =	vor.u32 s12, v2  }
0x28a: {  	v1 =	vand.u32 $0xFFFFE000, v1;
	v2 =	vor.u32 v0, v2  }
0x28b: {  	v1 =	vadd.s32 v1, v2  }
0x28c: {  	[tilespmem:v63+s14+$0x0] =	vst.idx.msk $0xffff, v1  }
0x28d: {  	[tilespmem:v63+s15+$0x0] =	vst.idx.msk $0xffff, v3  }
0x28e: {  	[hbm4b:s1+s16] =	stream.indirect.scatter [tilespmem:s15], [sflag:$0x2], $0x1, s14, s16, $0xb8;
	[tilespmem:$0x10A00] =	vst v63  }
0x28f: {  	_ = 	snop  }
0x290: {  	[hbm4b:s1+s16] =	stream.indirect.scatter [tilespmem:s18], [sflag:$0x2], $0x1, s17, s16, $0xb8;
	[tilespmem:$0x10A00] =	vst v63  }
0x291: {  	_ = 	snop  }
0x292: {  	[hbm4b:s1+s16] =	stream.indirect.scatter [tilespmem:s20], [sflag:$0x2], $0x1, s19, s16, $0xb8;
	[tilespmem:$0x10A00] =	vst v63  }
0x293: {  	_ = 	snop  }
0x294: {  	[hbm4b:s1+s16] =	stream.indirect.scatter [tilespmem:s22], [sflag:$0x2], $0x1, s21, s16, $0xb8;
	[tilespmem:$0x10A00] =	vst v63  }
0x295: {  	_ = 	snop  }
0x296: {  	[hbm4b:s1+s16] =	stream.indirect.scatter [tilespmem:s24], [sflag:$0x2], $0x1, s23, s16, $0xb8;
	[tilespmem:$0x10A00] =	vst v63  }
0x297: {  	_ = 	snop  }
0x298: {  	[hbm4b:s1+s16] =	stream.indirect.scatter [tilespmem:s26], [sflag:$0x2], $0x1, s25, s16, $0xb8;
	[tilespmem:$0x10A00] =	vst v63  }
0x299: {  	_ = 	snop  }
0x29a: {  	[hbm4b:s1+s16] =	stream.indirect.scatter [tilespmem:s29], [sflag:$0x2], $0x1, s28, s16, $0xb8;
	[tilespmem:$0x10A00] =	vst v63  }
0x29b: {  	_ = 	snop  }
0x29c: {  	[hbm4b:s1+s16] =	stream.indirect.scatter [tilespmem:s31], [sflag:$0x2], $0x1, s30, s16, $0xb8;
	[tilespmem:$0x10A00] =	vst v63  }
0x29d: {  	_ =	swait.ge [sflag:s0], $0x80  }
0x29e: {  	[sflag:s0] =	ssyncset.done $0x0  }
0x29f: {  	[sflag:s0] =	ssyncadd.s32 $0xFFFFFF80  }
0x2a0: {  	_ =	swait.ge [sflag:s0], $0x80  }
0x2a1: {  	[sflag:s0] =	ssyncset.done $0x0  }
0x2a2: {  	[sflag:s0] =	ssyncadd.s32 $0xFFFFFF80  }
0x2a3: {  	_ =	swait.ge [sflag:s0], $0x80  }
0x2a4: {  	[sflag:s0] =	ssyncset.done $0x0  }
0x2a5: {  	[sflag:s0] =	ssyncadd.s32 $0xFFFFFF80  }
0x2a6: {  	_ =	swait.ge [sflag:s0], $0x80  }
0x2a7: {  	[sflag:s0] =	ssyncset.done $0x0  }
0x2a8: {  	[sflag:s0] =	ssyncadd.s32 $0xFFFFFF80  }
0x2a9: {  	_ =	swait.ge [sflag:s0], $0x80  }
0x2aa: {  	[sflag:s0] =	ssyncset.done $0x0  }
0x2ab: {  	[sflag:s0] =	ssyncadd.s32 $0xFFFFFF80  }
0x2ac: {  	_ =	swait.ge [sflag:s0], $0x80  }
0x2ad: {  	[sflag:s0] =	ssyncset.done $0x0  }
0x2ae: {  	[sflag:s0] =	ssyncadd.s32 $0xFFFFFF80  }
0x2af: {  	_ =	swait.ge [sflag:s0], $0x80  }
.Ltmp6:
0x2b0: {  	[sflag:s0] =	ssyncset.done $0x0;
	(pc) =	sbr.rel .LBB2_6-.Ltmp6, $4  }
0x2b1: {  	[sflag:s0] =	ssyncadd.s32 $0xFFFFFF80  }
0x2b2: {  	_ =	swait.ge [sflag:s0], $0x80  }
0x2b3: {  	[sflag:s0] =	ssyncset.done $0x0  }
0x2b4: {  	[sflag:s0] =	ssyncadd.s32 $0xFFFFFF80  }
.LBB2_8:
0x2b5: {  	_ =	sfence.sel $0x180000  }
0x2b6: {  	[bflag:$0x0] =	sbarrier.arrive $0xFFFF  }
0x2b7: {  	_ =	strace $0x90000047  }
0x2b8: {  	[bflag:$0x2] =	sbarrier.arrive $0xFFFF  }
0x2b9: {  	p0 =	sne.s32 s2, $0x0;
	s0 =	rddreg [dreg:$0x2]  }
0x2ba: {  	s0 =	sadd.s32 @!p0 $0x100000, s0  }
0x2bb: {  	[sflag:s0] =	ssyncadd.tile.s32 @!p0 $0x1;
	_ =	shalt  }
.Lfunc_end2:
_tile_overlayer_lowered:
.L_overlay_start_2:
0x2bc: {  	(tag) =	ssettag $0x2  }
0x2bd: {  	s0 =	rddreg [dreg:$0x0];
	s2 =	stileid.u32  }
0x2be: {  	s1 =	rddreg [dreg:$0x1];
	p0 =	sne.s32 s2, $0x0  }
0x2bf: {  	s3 =	rddreg [dreg:$0x2];
	[bflag:$0x3] =	sbarrier.arrive $0xFFFF;
	s2 =	simm.s32 @!p0 $0x1C03  }
0x2c0: {  	[timem:s3], [sflag:s2] =	dma.local @!p0 [hbm:s0], s1  }
0x2c1: {  	s0 =	simm.s32 @!p0 $0x3  }
0x2c2: {  	_ =	swait.ge @!p0 [sflag:s0], s1  }
0x2c3: {  	s1 =	ssub.s32 @!p0 $0x0, s1;
	[sflag:s0] =	ssyncset.done @!p0 $0x0  }
0x2c4: {  	[sflag:s0] =	ssyncadd.s32 @!p0 s1  }
0x2c5: {  	[bflag:$0x3] =	sbarrier.arrive $0xFFFF  }
0x2c6: {  	_ =	shalt  }

</sc_bundles>
